<compile_context>
chip_gen: v7x
topology: tpu7x:2x2x1
jax: 0.10.2.dev20260603
libtpu: 0.0.44.dev20260713+nightly
codegen_flags: <defaults>
</compile_context>

<pallas_src>
import jax
import jax.numpy as jnp
from jax import lax
from jax.experimental import pallas as pl
from jax.experimental.pallas import tpu as pltpu
from jax.experimental.pallas import tpu_sc as plsc

QF = 1024
L = 16
NC, NS = 2, 16
NW = NC * NS
WIN = 1024
STAGE = 8
D = 64


def _body(n_idx, n_bags, idx_hbm, off_hbm, wq_hbm, wr_hbm, out_hbm,
          wq_v, wr_v, off_v, off2_v, win_v, stage_v):
    bags_per_w = n_bags // NW
    c = lax.axis_index("c")
    s = lax.axis_index("s")
    w = s * NC + c
    b0 = pl.multiple_of(w * bags_per_w, bags_per_w)

    pltpu.sync_copy(wq_hbm, wq_v)
    pltpu.sync_copy(wr_hbm, wr_v)
    pltpu.sync_copy(off_hbm.at[pl.ds(b0, bags_per_w)],
                    off_v.at[pl.ds(0, bags_per_w)])

    @pl.when(w < NW - 1)
    def _():
        pltpu.sync_copy(off_hbm.at[pl.ds(b0 + bags_per_w, 8)],
                        off2_v.at[pl.ds(0, 8)])

    i_end_w = jnp.where(w < NW - 1, off2_v[pl.ds(0, L)][0], n_idx)
    zero = jnp.zeros((L,), jnp.float32)

    CH = WIN // 2

    def bag_body(b, win_base):
        s_i = off_v[pl.ds(b, L)][0]
        nxt = off_v[pl.ds(b + 1, L)][0]
        e_i = jnp.where(b < bags_per_w - 1, nxt, i_end_w)

        def chunk_body(c, st):
            wb, a0, a1, a2, a3 = st
            cs = s_i + lax.shift_left(c, 9)
            ce = jnp.minimum(cs + CH, e_i)
            need = ce > wb + WIN
            nwb = pl.multiple_of(
                jnp.where(need,
                          jnp.minimum(lax.bitwise_and(cs, -8), n_idx - WIN),
                          wb), 8)

            @pl.when(need)
            def _():
                pltpu.sync_copy(idx_hbm.at[pl.ds(nwb, WIN)],
                                win_v.at[pl.ds(0, WIN)])

            base = cs - nwb
            ngrp = lax.shift_right_logical(ce - cs, 3)

            def gbody(g, accs):
                v = win_v[pl.ds(base + lax.shift_left(g, 3), L)]
                qbs, rbs = [], []
                for j in range(8):
                    ix = v[j]
                    qbs.append(lax.shift_left(
                        lax.shift_right_logical(ix, 10), 6))
                    rbs.append(lax.shift_left(
                        lax.bitwise_and(ix, QF - 1), 6))
                out = list(accs)
                for k in range(4):
                    rows = [wq_v[pl.ds(qbs[j] + k * L, L)]
                            + wr_v[pl.ds(rbs[j] + k * L, L)]
                            for j in range(8)]
                    t01 = rows[0] + rows[1]
                    t23 = rows[2] + rows[3]
                    t45 = rows[4] + rows[5]
                    t67 = rows[6] + rows[7]
                    out[k] = out[k] + ((t01 + t23) + (t45 + t67))
                return tuple(out)

            def ibody(i, accs):
                a0, a1, a2, a3 = accs
                ix = win_v[pl.ds(i - nwb, L)][0]
                qb = lax.shift_left(lax.shift_right_logical(ix, 10), 6)
                rb = lax.shift_left(lax.bitwise_and(ix, QF - 1), 6)
                a0 = a0 + (wq_v[pl.ds(qb + 0 * L, L)]
                           + wr_v[pl.ds(rb + 0 * L, L)])
                a1 = a1 + (wq_v[pl.ds(qb + 1 * L, L)]
                           + wr_v[pl.ds(rb + 1 * L, L)])
                a2 = a2 + (wq_v[pl.ds(qb + 2 * L, L)]
                           + wr_v[pl.ds(rb + 2 * L, L)])
                a3 = a3 + (wq_v[pl.ds(qb + 3 * L, L)]
                           + wr_v[pl.ds(rb + 3 * L, L)])
                return (a0, a1, a2, a3)

            accs = lax.fori_loop(0, ngrp, gbody, (a0, a1, a2, a3))
            accs = lax.fori_loop(cs + lax.shift_left(ngrp, 3), ce,
                                 ibody, accs)
            a0, a1, a2, a3 = accs
            return (nwb, a0, a1, a2, a3)

        nch = lax.shift_right_logical(e_i - s_i + CH - 1, 9)
        st = lax.fori_loop(0, nch, chunk_body,
                           (win_base, zero, zero, zero, zero))
        win_base, a0, a1, a2, a3 = st

        sd = lax.bitwise_and(b, STAGE - 1) * D
        stage_v[pl.ds(sd + 0 * L, L)] = a0
        stage_v[pl.ds(sd + 1 * L, L)] = a1
        stage_v[pl.ds(sd + 2 * L, L)] = a2
        stage_v[pl.ds(sd + 3 * L, L)] = a3

        @pl.when(sd == (STAGE - 1) * D)
        def _():
            dst = pl.multiple_of((b0 + b - (STAGE - 1)) * D, STAGE * D)
            pltpu.sync_copy(stage_v, out_hbm.at[pl.ds(dst, STAGE * D)])

        return win_base

    lax.fori_loop(0, bags_per_w, bag_body, jnp.int32(-(1 << 30)))


def kernel(indices, offsets, Wq, Wr):
    n_idx = indices.shape[0]
    n_bags = offsets.shape[0]
    qn, d = Wq.shape
    qf = Wr.shape[0]
    indices = indices.astype(jnp.int32)
    offsets = offsets.astype(jnp.int32)
    wq_flat = Wq.reshape(-1)
    wr_flat = Wr.reshape(-1)

    mesh = plsc.VectorSubcoreMesh(core_axis_name="c", subcore_axis_name="s")
    body = lambda *refs: _body(n_idx, n_bags, *refs)
    fn = pl.kernel(
        body,
        out_type=jax.ShapeDtypeStruct((n_bags * d,), jnp.float32),
        mesh=mesh,
        scratch_types=[
            pltpu.VMEM((qn * d,), jnp.float32),
            pltpu.VMEM((qf * d,), jnp.float32),
            pltpu.VMEM((n_bags // NW + 24, ), jnp.int32),
            pltpu.VMEM((16,), jnp.int32),
            pltpu.VMEM((WIN + 16,), jnp.int32),
            pltpu.VMEM((STAGE * d,), jnp.float32),
        ],
    )
    return fn(indices, offsets, wq_flat, wr_flat).reshape(n_bags, d)

# --- scband reference (transcript-rebuilt; emitter-appended) ---
"""Pipeline reference for scband-qrembedding-bag-12077448036627 (READ-ONLY COPY).

The authoritative reference and input builder live on the scoring server;
editing this copy changes nothing except your own understanding.
"""

import jax, jax.numpy as jnp
import numpy as np

NUM_CATEGORIES = 1000000
EMBEDDING_DIM = 64
Q_FACTOR = 1024
Q_NUM = (NUM_CATEGORIES + Q_FACTOR - 1) // Q_FACTOR  # 977
N = 819200
B = 16384


def setup_inputs(seed: int = 0) -> dict:
    key = jax.random.key(seed)
    k1, k2, k3, k4 = jax.random.split(key, 4)
    indices = jax.random.randint(k1, (N,), 0, NUM_CATEGORIES)
    # bag boundaries: sorted, first boundary forced to 0 (EmbeddingBag semantics)
    offsets = jnp.sort(jax.random.randint(k2, (B,), 0, N)).at[0].set(0)
    # learned parameters: quotient and remainder embedding tables
    Wq = jax.random.normal(k3, (Q_NUM, EMBEDDING_DIM), dtype=jnp.float32) * 0.02
    Wr = jax.random.normal(k4, (Q_FACTOR, EMBEDDING_DIM), dtype=jnp.float32) * 0.02
    return {"indices": indices, "offsets": offsets, "Wq": Wq, "Wr": Wr}


def reference(indices, offsets, Wq, Wr):
    # quotient-remainder decomposition of each categorical index
    q_idx = indices // Q_FACTOR
    r_idx = jnp.remainder(indices, Q_FACTOR)
    # gather from both compressed tables; per-index embedding is sum of the two
    gathered = jnp.take(Wq, q_idx, axis=0) + jnp.take(Wr, r_idx, axis=0)
    # EmbeddingBag(mode='sum') with offsets: map each index position to its bag
    seg = jnp.searchsorted(offsets, jnp.arange(indices.shape[0]), side="right") - 1
    out = jax.ops.segment_sum(gathered, seg, num_segments=offsets.shape[0])
    return out

if __name__ == "__main__":
    import jax
    _d = setup_inputs()
    print(jax.jit(kernel)(*tuple(_d.values())))

</pallas_src>

<mosaic_0001>
#map = affine_map<(d0, d1) -> (0)>
module attributes {stable_mosaic.version = 14 : i64} {
  func.func @_lambda_(%arg0: i32, %arg1: i32, %arg2: memref<819200xi32, #tpu.memory_space<hbm>>, %arg3: memref<16384xi32, #tpu.memory_space<hbm>>, %arg4: memref<62528xf32, #tpu.memory_space<hbm>>, %arg5: memref<65536xf32, #tpu.memory_space<hbm>>, %arg6: memref<1048576xf32, #tpu.memory_space<hbm>>, %arg7: memref<62528xf32, #tpu.memory_space<vmem>>, %arg8: memref<65536xf32, #tpu.memory_space<vmem>>, %arg9: memref<536xi32, #tpu.memory_space<vmem>>, %arg10: memref<16xi32, #tpu.memory_space<vmem>>, %arg11: memref<1040xi32, #tpu.memory_space<vmem>>, %arg12: memref<512xf32, #tpu.memory_space<vmem>>) attributes {dimension_semantics = [#tpu.dimension_semantics<core_parallel>, #tpu.dimension_semantics<subcore_parallel>], iteration_bounds = array<i64: 2, 16>, scalar_prefetch = 0 : i64, scratch_operands = 6 : i64, tpu.core_type = #tpu.core_type<sc_vector_subcore>, window_params = [{transform_indices = #map}, {transform_indices = #map}, {transform_indices = #map}, {transform_indices = #map}, {transform_indices = #map}]} {
    %mul3A = arith.constant 2 : i32
    %mul3A_0 = arith.muli %arg1, %mul3A : i32
    %add3A = arith.addi %mul3A_0, %arg0 : i32
    %mul3A_1 = arith.constant 512 : i32
    %mul3A_2 = arith.muli %add3A, %mul3A_1 : i32
    %multiple_of3A = tpu.assume_multiple %mul3A_2, 512 : i32
    "tpu.region"() ({
      %run_scoped3A = tpu.sem_alloc : memref<!tpu.dma_semaphore, #tpu.memory_space<semaphore_mem>>
      tpu.enqueue_dma source(%arg4 : memref<62528xf32, #tpu.memory_space<hbm>>) target(%arg7 : memref<62528xf32, #tpu.memory_space<vmem>>) target_semaphore(%run_scoped3A : memref<!tpu.dma_semaphore, #tpu.memory_space<semaphore_mem>>)
      tpu.wait_dma2 semaphore(%run_scoped3A : memref<!tpu.dma_semaphore, #tpu.memory_space<semaphore_mem>>) src(%arg4 : memref<62528xf32, #tpu.memory_space<hbm>>) dst(%arg7 : memref<62528xf32, #tpu.memory_space<vmem>>)
      tpu.yield
    }) : () -> ()
    "tpu.region"() ({
      %run_scoped3A = tpu.sem_alloc : memref<!tpu.dma_semaphore, #tpu.memory_space<semaphore_mem>>
      tpu.enqueue_dma source(%arg5 : memref<65536xf32, #tpu.memory_space<hbm>>) target(%arg8 : memref<65536xf32, #tpu.memory_space<vmem>>) target_semaphore(%run_scoped3A : memref<!tpu.dma_semaphore, #tpu.memory_space<semaphore_mem>>)
      tpu.wait_dma2 semaphore(%run_scoped3A : memref<!tpu.dma_semaphore, #tpu.memory_space<semaphore_mem>>) src(%arg5 : memref<65536xf32, #tpu.memory_space<hbm>>) dst(%arg8 : memref<65536xf32, #tpu.memory_space<vmem>>)
      tpu.yield
    }) : () -> ()
    "tpu.region"() ({
      %run_scoped3A = tpu.sem_alloc : memref<!tpu.dma_semaphore, #tpu.memory_space<semaphore_mem>>
      %dma_start3A = arith.constant 0 : i32
      %dma_start3A_16 = tpu.memref_slice %arg9[%dma_start3A] : memref<536xi32, #tpu.memory_space<vmem>> -> memref<512xi32, #tpu.memory_space<vmem>>
      %dma_start3A_17 = tpu.memref_slice %arg3[%multiple_of3A] : memref<16384xi32, #tpu.memory_space<hbm>> -> memref<512xi32, #tpu.memory_space<hbm>>
      %dma_start3A_18 = arith.constant 0 : i32
      %dma_start3A_19 = tpu.memref_slice %arg9[%dma_start3A_18] : memref<536xi32, #tpu.memory_space<vmem>> -> memref<512xi32, #tpu.memory_space<vmem>>
      %dma_start3A_20 = tpu.memref_slice %arg3[%multiple_of3A] : memref<16384xi32, #tpu.memory_space<hbm>> -> memref<512xi32, #tpu.memory_space<hbm>>
      tpu.enqueue_dma source(%dma_start3A_20 : memref<512xi32, #tpu.memory_space<hbm>>) target(%dma_start3A_19 : memref<512xi32, #tpu.memory_space<vmem>>) target_semaphore(%run_scoped3A : memref<!tpu.dma_semaphore, #tpu.memory_space<semaphore_mem>>)
      %dma_wait3A = arith.constant 0 : i32
      %dma_wait3A_21 = tpu.memref_slice %arg9[%dma_wait3A] : memref<536xi32, #tpu.memory_space<vmem>> -> memref<512xi32, #tpu.memory_space<vmem>>
      %dma_wait3A_22 = tpu.memref_slice %arg3[%multiple_of3A] : memref<16384xi32, #tpu.memory_space<hbm>> -> memref<512xi32, #tpu.memory_space<hbm>>
      %dma_wait3A_23 = arith.constant 0 : i32
      %dma_wait3A_24 = tpu.memref_slice %arg9[%dma_wait3A_23] : memref<536xi32, #tpu.memory_space<vmem>> -> memref<512xi32, #tpu.memory_space<vmem>>
      %dma_wait3A_25 = tpu.memref_slice %arg3[%multiple_of3A] : memref<16384xi32, #tpu.memory_space<hbm>> -> memref<512xi32, #tpu.memory_space<hbm>>
      tpu.wait_dma2 semaphore(%run_scoped3A : memref<!tpu.dma_semaphore, #tpu.memory_space<semaphore_mem>>) src(%dma_wait3A_25 : memref<512xi32, #tpu.memory_space<hbm>>) dst(%dma_wait3A_24 : memref<512xi32, #tpu.memory_space<vmem>>)
      tpu.yield
    }) : () -> ()
    %lt3A = arith.constant 31 : i32
    %lt3A_3 = arith.cmpi slt, %add3A, %lt3A : i32
    %convert_element_type3A = arith.extui %lt3A_3 : i1 to i32
    %cond3A = arith.constant 0 : i32
    %cond3A_4 = arith.cmpi ne, %convert_element_type3A, %cond3A : i32
    scf.if %cond3A_4 {
      %add3A_16 = arith.constant 512 : i32
      %add3A_17 = arith.addi %multiple_of3A, %add3A_16 : i32
      "tpu.region"() ({
        %run_scoped3A = tpu.sem_alloc : memref<!tpu.dma_semaphore, #tpu.memory_space<semaphore_mem>>
        %dma_start3A = arith.constant 0 : i32
        %dma_start3A_18 = tpu.memref_slice %arg10[%dma_start3A] : memref<16xi32, #tpu.memory_space<vmem>> -> memref<8xi32, #tpu.memory_space<vmem>>
        %dma_start3A_19 = tpu.memref_slice %arg3[%add3A_17] : memref<16384xi32, #tpu.memory_space<hbm>> -> memref<8xi32, #tpu.memory_space<hbm>>
        %dma_start3A_20 = arith.constant 0 : i32
        %dma_start3A_21 = tpu.memref_slice %arg10[%dma_start3A_20] : memref<16xi32, #tpu.memory_space<vmem>> -> memref<8xi32, #tpu.memory_space<vmem>>
        %dma_start3A_22 = tpu.memref_slice %arg3[%add3A_17] : memref<16384xi32, #tpu.memory_space<hbm>> -> memref<8xi32, #tpu.memory_space<hbm>>
        tpu.enqueue_dma source(%dma_start3A_22 : memref<8xi32, #tpu.memory_space<hbm>>) target(%dma_start3A_21 : memref<8xi32, #tpu.memory_space<vmem>>) target_semaphore(%run_scoped3A : memref<!tpu.dma_semaphore, #tpu.memory_space<semaphore_mem>>)
        %dma_wait3A = arith.constant 0 : i32
        %dma_wait3A_23 = tpu.memref_slice %arg10[%dma_wait3A] : memref<16xi32, #tpu.memory_space<vmem>> -> memref<8xi32, #tpu.memory_space<vmem>>
        %dma_wait3A_24 = tpu.memref_slice %arg3[%add3A_17] : memref<16384xi32, #tpu.memory_space<hbm>> -> memref<8xi32, #tpu.memory_space<hbm>>
        %dma_wait3A_25 = arith.constant 0 : i32
        %dma_wait3A_26 = tpu.memref_slice %arg10[%dma_wait3A_25] : memref<16xi32, #tpu.memory_space<vmem>> -> memref<8xi32, #tpu.memory_space<vmem>>
        %dma_wait3A_27 = tpu.memref_slice %arg3[%add3A_17] : memref<16384xi32, #tpu.memory_space<hbm>> -> memref<8xi32, #tpu.memory_space<hbm>>
        tpu.wait_dma2 semaphore(%run_scoped3A : memref<!tpu.dma_semaphore, #tpu.memory_space<semaphore_mem>>) src(%dma_wait3A_27 : memref<8xi32, #tpu.memory_space<hbm>>) dst(%dma_wait3A_26 : memref<8xi32, #tpu.memory_space<vmem>>)
        tpu.yield
      }) : () -> ()
    } else {
    }
    %lt3A_5 = arith.constant 31 : i32
    %lt3A_6 = arith.cmpi slt, %add3A, %lt3A_5 : i32
    %get3A = arith.constant 0 : index
    %get3A_7 = tpu.vector_load %arg10[%get3A] {strides = array<i32>} : memref<16xi32, #tpu.memory_space<vmem>>, vector<16xi32>,
    %get3A_8 = vector.shape_cast %get3A_7 : vector<16xi32> to vector<16xi32>
    %slice3A = vector.extract_strided_slice %get3A_8 {offsets = [0], sizes = [1], strides = [1]} : vector<16xi32> to vector<1xi32>
    %squeeze3A = vector.extract %slice3A[0] : i32 from vector<1xi32>
    %jit3A = arith.constant 819200 : i32
    %select_n3A = arith.select %lt3A_6, %squeeze3A, %jit3A : i32
    %broadcast_in_dim3A = arith.constant 0.000000e+00 : f32
    %broadcast_in_dim3A_9 = vector.broadcast %broadcast_in_dim3A : f32 to vector<16xf32>
    %scan3A = arith.constant -1073741824 : i32
    %scan3A_10 = arith.constant 0 : i32
    %scan3A_11 = arith.constant 512 : i32
    %scan3A_12 = arith.addi %scan3A_10, %scan3A_11 : i32
    %scan3A_13 = arith.constant 1 : i32
    %scan3A_14 = scf.for %scan3A_16 = %scan3A_10 to %scan3A_12 step %scan3A_13 iter_args(%scan3A_17 = %scan3A) -> (i32)  : i32 {
      %get3A_18 = arith.index_cast %scan3A_16 : i32 to index
      %get3A_19 = tpu.vector_load %arg9[%get3A_18] {strides = array<i32>} : memref<536xi32, #tpu.memory_space<vmem>>, vector<16xi32>,
      %get3A_20 = vector.shape_cast %get3A_19 : vector<16xi32> to vector<16xi32>
      %slice3A_21 = vector.extract_strided_slice %get3A_20 {offsets = [0], sizes = [1], strides = [1]} : vector<16xi32> to vector<1xi32>
      %squeeze3A_22 = vector.extract %slice3A_21[0] : i32 from vector<1xi32>
      %add3A_23 = arith.constant 1 : i32
      %add3A_24 = arith.addi %scan3A_16, %add3A_23 : i32
      %get3A_25 = arith.index_cast %add3A_24 : i32 to index
      %get3A_26 = tpu.vector_load %arg9[%get3A_25] {strides = array<i32>} : memref<536xi32, #tpu.memory_space<vmem>>, vector<16xi32>,
      %get3A_27 = vector.shape_cast %get3A_26 : vector<16xi32> to vector<16xi32>
      %slice3A_28 = vector.extract_strided_slice %get3A_27 {offsets = [0], sizes = [1], strides = [1]} : vector<16xi32> to vector<1xi32>
      %squeeze3A_29 = vector.extract %slice3A_28[0] : i32 from vector<1xi32>
      %lt3A_30 = arith.constant 511 : i32
      %lt3A_31 = arith.cmpi slt, %scan3A_16, %lt3A_30 : i32
      %select_n3A_32 = arith.select %lt3A_31, %squeeze3A_29, %select_n3A : i32
      %sub3A = arith.subi %select_n3A_32, %squeeze3A_22 : i32
      %add3A_33 = arith.constant 512 : i32
      %add3A_34 = arith.addi %sub3A, %add3A_33 : i32
      %sub3A_35 = arith.constant 1 : i32
      %sub3A_36 = arith.subi %add3A_34, %sub3A_35 : i32
      %shift_right_logical3A = arith.constant 9 : i32
      %shift_right_logical3A_37 = arith.shrui %sub3A_36, %shift_right_logical3A : i32
      %while3A = arith.constant 0 : i32
      %while3A_38 = arith.subi %shift_right_logical3A_37, %while3A : i32
      %while3A_39 = arith.addi %while3A, %while3A_38 : i32
      %while3A_40 = arith.constant 1 : i32
      %while3A_41 = arith.divsi %while3A_38, %while3A_40 : i32
      %while3A_42 = arith.muli %while3A_41, %while3A_40 : i32
      %while3A_43 = arith.addi %while3A, %while3A_42 : i32
      %while3A_44 = arith.constant 1 : i32
      %while3A_45:5 = scf.for %while3A_78 = %while3A to %while3A_43 step %while3A_44 iter_args(%while3A_79 = %scan3A_17, %while3A_80 = %broadcast_in_dim3A_9, %while3A_81 = %broadcast_in_dim3A_9, %while3A_82 = %broadcast_in_dim3A_9, %while3A_83 = %broadcast_in_dim3A_9) -> (i32, vector<16xf32>, vector<16xf32>, vector<16xf32>, vector<16xf32>)  : i32 {
        %shift_left3A = arith.constant 9 : i32
        %shift_left3A_84 = arith.shli %while3A_78, %shift_left3A : i32
        %add3A_85 = arith.addi %squeeze3A_22, %shift_left3A_84 : i32
        %add3A_86 = arith.constant 512 : i32
        %add3A_87 = arith.addi %add3A_85, %add3A_86 : i32
        %min3A = arith.minsi %add3A_87, %select_n3A_32 : i32
        %add3A_88 = arith.constant 1024 : i32
        %add3A_89 = arith.addi %while3A_79, %add3A_88 : i32
        %gt3A = arith.cmpi sgt, %min3A, %add3A_89 : i32
        %and3A_90 = arith.constant -8 : i32
        %and3A_91 = arith.andi %add3A_85, %and3A_90 : i32
        %min3A_92 = arith.constant 818176 : i32
        %min3A_93 = arith.minsi %and3A_91, %min3A_92 : i32
        %select_n3A_94 = arith.select %gt3A, %min3A_93, %while3A_79 : i32
        %multiple_of3A_95 = tpu.assume_multiple %select_n3A_94, 8 : i32
        %convert_element_type3A_96 = arith.extui %gt3A : i1 to i32
        %cond3A_97 = arith.constant 0 : i32
        %cond3A_98 = arith.cmpi ne, %convert_element_type3A_96, %cond3A_97 : i32
        scf.if %cond3A_98 {
          "tpu.region"() ({
            %run_scoped3A = tpu.sem_alloc : memref<!tpu.dma_semaphore, #tpu.memory_space<semaphore_mem>>
            %dma_start3A = arith.constant 0 : i32
            %dma_start3A_127 = tpu.memref_slice %arg11[%dma_start3A] : memref<1040xi32, #tpu.memory_space<vmem>> -> memref<1024xi32, #tpu.memory_space<vmem>>
            %dma_start3A_128 = tpu.memref_slice %arg2[%multiple_of3A_95] : memref<819200xi32, #tpu.memory_space<hbm>> -> memref<1024xi32, #tpu.memory_space<hbm>>
            %dma_start3A_129 = arith.constant 0 : i32
            %dma_start3A_130 = tpu.memref_slice %arg11[%dma_start3A_129] : memref<1040xi32, #tpu.memory_space<vmem>> -> memref<1024xi32, #tpu.memory_space<vmem>>
            %dma_start3A_131 = tpu.memref_slice %arg2[%multiple_of3A_95] : memref<819200xi32, #tpu.memory_space<hbm>> -> memref<1024xi32, #tpu.memory_space<hbm>>
            tpu.enqueue_dma source(%dma_start3A_131 : memref<1024xi32, #tpu.memory_space<hbm>>) target(%dma_start3A_130 : memref<1024xi32, #tpu.memory_space<vmem>>) target_semaphore(%run_scoped3A : memref<!tpu.dma_semaphore, #tpu.memory_space<semaphore_mem>>)
            %dma_wait3A = arith.constant 0 : i32
            %dma_wait3A_132 = tpu.memref_slice %arg11[%dma_wait3A] : memref<1040xi32, #tpu.memory_space<vmem>> -> memref<1024xi32, #tpu.memory_space<vmem>>
            %dma_wait3A_133 = tpu.memref_slice %arg2[%multiple_of3A_95] : memref<819200xi32, #tpu.memory_space<hbm>> -> memref<1024xi32, #tpu.memory_space<hbm>>
            %dma_wait3A_134 = arith.constant 0 : i32
            %dma_wait3A_135 = tpu.memref_slice %arg11[%dma_wait3A_134] : memref<1040xi32, #tpu.memory_space<vmem>> -> memref<1024xi32, #tpu.memory_space<vmem>>
            %dma_wait3A_136 = tpu.memref_slice %arg2[%multiple_of3A_95] : memref<819200xi32, #tpu.memory_space<hbm>> -> memref<1024xi32, #tpu.memory_space<hbm>>
            tpu.wait_dma2 semaphore(%run_scoped3A : memref<!tpu.dma_semaphore, #tpu.memory_space<semaphore_mem>>) src(%dma_wait3A_136 : memref<1024xi32, #tpu.memory_space<hbm>>) dst(%dma_wait3A_135 : memref<1024xi32, #tpu.memory_space<vmem>>)
            tpu.yield
          }) : () -> ()
        } else {
        }
        %sub3A_99 = arith.subi %add3A_85, %multiple_of3A_95 : i32
        %sub3A_100 = arith.subi %min3A, %add3A_85 : i32
        %shift_right_logical3A_101 = arith.constant 3 : i32
        %shift_right_logical3A_102 = arith.shrui %sub3A_100, %shift_right_logical3A_101 : i32
        %while3A_103 = arith.constant 0 : i32
        %while3A_104 = arith.subi %shift_right_logical3A_102, %while3A_103 : i32
        %while3A_105 = arith.addi %while3A_103, %while3A_104 : i32
        %while3A_106 = arith.constant 1 : i32
        %while3A_107 = arith.divsi %while3A_104, %while3A_106 : i32
        %while3A_108 = arith.muli %while3A_107, %while3A_106 : i32
        %while3A_109 = arith.addi %while3A_103, %while3A_108 : i32
        %while3A_110 = arith.constant 1 : i32
        %while3A_111:4 = scf.for %while3A_127 = %while3A_103 to %while3A_109 step %while3A_110 iter_args(%while3A_128 = %while3A_80, %while3A_129 = %while3A_81, %while3A_130 = %while3A_82, %while3A_131 = %while3A_83) -> (vector<16xf32>, vector<16xf32>, vector<16xf32>, vector<16xf32>)  : i32 {
          %shift_left3A_132 = arith.constant 3 : i32
          %shift_left3A_133 = arith.shli %while3A_127, %shift_left3A_132 : i32
          %add3A_134 = arith.addi %sub3A_99, %shift_left3A_133 : i32
          %get3A_135 = arith.index_cast %add3A_134 : i32 to index
          %get3A_136 = tpu.vector_load %arg11[%get3A_135] {strides = array<i32>} : memref<1040xi32, #tpu.memory_space<vmem>>, vector<16xi32>,
          %get3A_137 = vector.shape_cast %get3A_136 : vector<16xi32> to vector<16xi32>
          %slice3A_138 = vector.extract_strided_slice %get3A_137 {offsets = [0], sizes = [1], strides = [1]} : vector<16xi32> to vector<1xi32>
          %squeeze3A_139 = vector.extract %slice3A_138[0] : i32 from vector<1xi32>
          %shift_right_logical3A_140 = arith.constant 10 : i32
          %shift_right_logical3A_141 = arith.shrui %squeeze3A_139, %shift_right_logical3A_140 : i32
          %shift_left3A_142 = arith.constant 6 : i32
          %shift_left3A_143 = arith.shli %shift_right_logical3A_141, %shift_left3A_142 : i32
          %and3A_144 = arith.constant 1023 : i32
          %and3A_145 = arith.andi %squeeze3A_139, %and3A_144 : i32
          %shift_left3A_146 = arith.constant 6 : i32
          %shift_left3A_147 = arith.shli %and3A_145, %shift_left3A_146 : i32
          %slice3A_148 = vector.extract_strided_slice %get3A_137 {offsets = [1], sizes = [1], strides = [1]} : vector<16xi32> to vector<1xi32>
          %squeeze3A_149 = vector.extract %slice3A_148[0] : i32 from vector<1xi32>
          %shift_right_logical3A_150 = arith.constant 10 : i32
          %shift_right_logical3A_151 = arith.shrui %squeeze3A_149, %shift_right_logical3A_150 : i32
          %shift_left3A_152 = arith.constant 6 : i32
          %shift_left3A_153 = arith.shli %shift_right_logical3A_151, %shift_left3A_152 : i32
          %and3A_154 = arith.constant 1023 : i32
          %and3A_155 = arith.andi %squeeze3A_149, %and3A_154 : i32
          %shift_left3A_156 = arith.constant 6 : i32
          %shift_left3A_157 = arith.shli %and3A_155, %shift_left3A_156 : i32
          %slice3A_158 = vector.extract_strided_slice %get3A_137 {offsets = [2], sizes = [1], strides = [1]} : vector<16xi32> to vector<1xi32>
          %squeeze3A_159 = vector.extract %slice3A_158[0] : i32 from vector<1xi32>
          %shift_right_logical3A_160 = arith.constant 10 : i32
          %shift_right_logical3A_161 = arith.shrui %squeeze3A_159, %shift_right_logical3A_160 : i32
          %shift_left3A_162 = arith.constant 6 : i32
          %shift_left3A_163 = arith.shli %shift_right_logical3A_161, %shift_left3A_162 : i32
          %and3A_164 = arith.constant 1023 : i32
          %and3A_165 = arith.andi %squeeze3A_159, %and3A_164 : i32
          %shift_left3A_166 = arith.constant 6 : i32
          %shift_left3A_167 = arith.shli %and3A_165, %shift_left3A_166 : i32
          %slice3A_168 = vector.extract_strided_slice %get3A_137 {offsets = [3], sizes = [1], strides = [1]} : vector<16xi32> to vector<1xi32>
          %squeeze3A_169 = vector.extract %slice3A_168[0] : i32 from vector<1xi32>
          %shift_right_logical3A_170 = arith.constant 10 : i32
          %shift_right_logical3A_171 = arith.shrui %squeeze3A_169, %shift_right_logical3A_170 : i32
          %shift_left3A_172 = arith.constant 6 : i32
          %shift_left3A_173 = arith.shli %shift_right_logical3A_171, %shift_left3A_172 : i32
          %and3A_174 = arith.constant 1023 : i32
          %and3A_175 = arith.andi %squeeze3A_169, %and3A_174 : i32
          %shift_left3A_176 = arith.constant 6 : i32
          %shift_left3A_177 = arith.shli %and3A_175, %shift_left3A_176 : i32
          %slice3A_178 = vector.extract_strided_slice %get3A_137 {offsets = [4], sizes = [1], strides = [1]} : vector<16xi32> to vector<1xi32>
          %squeeze3A_179 = vector.extract %slice3A_178[0] : i32 from vector<1xi32>
          %shift_right_logical3A_180 = arith.constant 10 : i32
          %shift_right_logical3A_181 = arith.shrui %squeeze3A_179, %shift_right_logical3A_180 : i32
          %shift_left3A_182 = arith.constant 6 : i32
          %shift_left3A_183 = arith.shli %shift_right_logical3A_181, %shift_left3A_182 : i32
          %and3A_184 = arith.constant 1023 : i32
          %and3A_185 = arith.andi %squeeze3A_179, %and3A_184 : i32
          %shift_left3A_186 = arith.constant 6 : i32
          %shift_left3A_187 = arith.shli %and3A_185, %shift_left3A_186 : i32
          %slice3A_188 = vector.extract_strided_slice %get3A_137 {offsets = [5], sizes = [1], strides = [1]} : vector<16xi32> to vector<1xi32>
          %squeeze3A_189 = vector.extract %slice3A_188[0] : i32 from vector<1xi32>
          %shift_right_logical3A_190 = arith.constant 10 : i32
          %shift_right_logical3A_191 = arith.shrui %squeeze3A_189, %shift_right_logical3A_190 : i32
          %shift_left3A_192 = arith.constant 6 : i32
          %shift_left3A_193 = arith.shli %shift_right_logical3A_191, %shift_left3A_192 : i32
          %and3A_194 = arith.constant 1023 : i32
          %and3A_195 = arith.andi %squeeze3A_189, %and3A_194 : i32
          %shift_left3A_196 = arith.constant 6 : i32
          %shift_left3A_197 = arith.shli %and3A_195, %shift_left3A_196 : i32
          %slice3A_198 = vector.extract_strided_slice %get3A_137 {offsets = [6], sizes = [1], strides = [1]} : vector<16xi32> to vector<1xi32>
          %squeeze3A_199 = vector.extract %slice3A_198[0] : i32 from vector<1xi32>
          %shift_right_logical3A_200 = arith.constant 10 : i32
          %shift_right_logical3A_201 = arith.shrui %squeeze3A_199, %shift_right_logical3A_200 : i32
          %shift_left3A_202 = arith.constant 6 : i32
          %shift_left3A_203 = arith.shli %shift_right_logical3A_201, %shift_left3A_202 : i32
          %and3A_204 = arith.constant 1023 : i32
          %and3A_205 = arith.andi %squeeze3A_199, %and3A_204 : i32
          %shift_left3A_206 = arith.constant 6 : i32
          %shift_left3A_207 = arith.shli %and3A_205, %shift_left3A_206 : i32
          %slice3A_208 = vector.extract_strided_slice %get3A_137 {offsets = [7], sizes = [1], strides = [1]} : vector<16xi32> to vector<1xi32>
          %squeeze3A_209 = vector.extract %slice3A_208[0] : i32 from vector<1xi32>
          %shift_right_logical3A_210 = arith.constant 10 : i32
          %shift_right_logical3A_211 = arith.shrui %squeeze3A_209, %shift_right_logical3A_210 : i32
          %shift_left3A_212 = arith.constant 6 : i32
          %shift_left3A_213 = arith.shli %shift_right_logical3A_211, %shift_left3A_212 : i32
          %and3A_214 = arith.constant 1023 : i32
          %and3A_215 = arith.andi %squeeze3A_209, %and3A_214 : i32
          %shift_left3A_216 = arith.constant 6 : i32
          %shift_left3A_217 = arith.shli %and3A_215, %shift_left3A_216 : i32
          %add3A_218 = arith.constant 0 : i32
          %add3A_219 = arith.addi %shift_left3A_143, %add3A_218 : i32
          %get3A_220 = arith.index_cast %add3A_219 : i32 to index
          %get3A_221 = tpu.vector_load %arg7[%get3A_220] {strides = array<i32>} : memref<62528xf32, #tpu.memory_space<vmem>>, vector<16xf32>,
          %get3A_222 = vector.shape_cast %get3A_221 : vector<16xf32> to vector<16xf32>
          %add3A_223 = arith.constant 0 : i32
          %add3A_224 = arith.addi %shift_left3A_147, %add3A_223 : i32
          %get3A_225 = arith.index_cast %add3A_224 : i32 to index
          %get3A_226 = tpu.vector_load %arg8[%get3A_225] {strides = array<i32>} : memref<65536xf32, #tpu.memory_space<vmem>>, vector<16xf32>,
          %get3A_227 = vector.shape_cast %get3A_226 : vector<16xf32> to vector<16xf32>
          %add3A_228 = arith.addf %get3A_222, %get3A_227 : vector<16xf32>
          %add3A_229 = arith.constant 0 : i32
          %add3A_230 = arith.addi %shift_left3A_153, %add3A_229 : i32
          %get3A_231 = arith.index_cast %add3A_230 : i32 to index
          %get3A_232 = tpu.vector_load %arg7[%get3A_231] {strides = array<i32>} : memref<62528xf32, #tpu.memory_space<vmem>>, vector<16xf32>,
          %get3A_233 = vector.shape_cast %get3A_232 : vector<16xf32> to vector<16xf32>
          %add3A_234 = arith.constant 0 : i32
          %add3A_235 = arith.addi %shift_left3A_157, %add3A_234 : i32
          %get3A_236 = arith.index_cast %add3A_235 : i32 to index
          %get3A_237 = tpu.vector_load %arg8[%get3A_236] {strides = array<i32>} : memref<65536xf32, #tpu.memory_space<vmem>>, vector<16xf32>,
          %get3A_238 = vector.shape_cast %get3A_237 : vector<16xf32> to vector<16xf32>
          %add3A_239 = arith.addf %get3A_233, %get3A_238 : vector<16xf32>
          %add3A_240 = arith.constant 0 : i32
          %add3A_241 = arith.addi %shift_left3A_163, %add3A_240 : i32
          %get3A_242 = arith.index_cast %add3A_241 : i32 to index
          %get3A_243 = tpu.vector_load %arg7[%get3A_242] {strides = array<i32>} : memref<62528xf32, #tpu.memory_space<vmem>>, vector<16xf32>,
          %get3A_244 = vector.shape_cast %get3A_243 : vector<16xf32> to vector<16xf32>
          %add3A_245 = arith.constant 0 : i32
          %add3A_246 = arith.addi %shift_left3A_167, %add3A_245 : i32
          %get3A_247 = arith.index_cast %add3A_246 : i32 to index
          %get3A_248 = tpu.vector_load %arg8[%get3A_247] {strides = array<i32>} : memref<65536xf32, #tpu.memory_space<vmem>>, vector<16xf32>,
          %get3A_249 = vector.shape_cast %get3A_248 : vector<16xf32> to vector<16xf32>
          %add3A_250 = arith.addf %get3A_244, %get3A_249 : vector<16xf32>
          %add3A_251 = arith.constant 0 : i32
          %add3A_252 = arith.addi %shift_left3A_173, %add3A_251 : i32
          %get3A_253 = arith.index_cast %add3A_252 : i32 to index
          %get3A_254 = tpu.vector_load %arg7[%get3A_253] {strides = array<i32>} : memref<62528xf32, #tpu.memory_space<vmem>>, vector<16xf32>,
          %get3A_255 = vector.shape_cast %get3A_254 : vector<16xf32> to vector<16xf32>
          %add3A_256 = arith.constant 0 : i32
          %add3A_257 = arith.addi %shift_left3A_177, %add3A_256 : i32
          %get3A_258 = arith.index_cast %add3A_257 : i32 to index
          %get3A_259 = tpu.vector_load %arg8[%get3A_258] {strides = array<i32>} : memref<65536xf32, #tpu.memory_space<vmem>>, vector<16xf32>,
          %get3A_260 = vector.shape_cast %get3A_259 : vector<16xf32> to vector<16xf32>
          %add3A_261 = arith.addf %get3A_255, %get3A_260 : vector<16xf32>
          %add3A_262 = arith.constant 0 : i32
          %add3A_263 = arith.addi %shift_left3A_183, %add3A_262 : i32
          %get3A_264 = arith.index_cast %add3A_263 : i32 to index
          %get3A_265 = tpu.vector_load %arg7[%get3A_264] {strides = array<i32>} : memref<62528xf32, #tpu.memory_space<vmem>>, vector<16xf32>,
          %get3A_266 = vector.shape_cast %get3A_265 : vector<16xf32> to vector<16xf32>
          %add3A_267 = arith.constant 0 : i32
          %add3A_268 = arith.addi %shift_left3A_187, %add3A_267 : i32
          %get3A_269 = arith.index_cast %add3A_268 : i32 to index
          %get3A_270 = tpu.vector_load %arg8[%get3A_269] {strides = array<i32>} : memref<65536xf32, #tpu.memory_space<vmem>>, vector<16xf32>,
          %get3A_271 = vector.shape_cast %get3A_270 : vector<16xf32> to vector<16xf32>
          %add3A_272 = arith.addf %get3A_266, %get3A_271 : vector<16xf32>
          %add3A_273 = arith.constant 0 : i32
          %add3A_274 = arith.addi %shift_left3A_193, %add3A_273 : i32
          %get3A_275 = arith.index_cast %add3A_274 : i32 to index
          %get3A_276 = tpu.vector_load %arg7[%get3A_275] {strides = array<i32>} : memref<62528xf32, #tpu.memory_space<vmem>>, vector<16xf32>,
          %get3A_277 = vector.shape_cast %get3A_276 : vector<16xf32> to vector<16xf32>
          %add3A_278 = arith.constant 0 : i32
          %add3A_279 = arith.addi %shift_left3A_197, %add3A_278 : i32
          %get3A_280 = arith.index_cast %add3A_279 : i32 to index
          %get3A_281 = tpu.vector_load %arg8[%get3A_280] {strides = array<i32>} : memref<65536xf32, #tpu.memory_space<vmem>>, vector<16xf32>,
          %get3A_282 = vector.shape_cast %get3A_281 : vector<16xf32> to vector<16xf32>
          %add3A_283 = arith.addf %get3A_277, %get3A_282 : vector<16xf32>
          %add3A_284 = arith.constant 0 : i32
          %add3A_285 = arith.addi %shift_left3A_203, %add3A_284 : i32
          %get3A_286 = arith.index_cast %add3A_285 : i32 to index
          %get3A_287 = tpu.vector_load %arg7[%get3A_286] {strides = array<i32>} : memref<62528xf32, #tpu.memory_space<vmem>>, vector<16xf32>,
          %get3A_288 = vector.shape_cast %get3A_287 : vector<16xf32> to vector<16xf32>
          %add3A_289 = arith.constant 0 : i32
          %add3A_290 = arith.addi %shift_left3A_207, %add3A_289 : i32
          %get3A_291 = arith.index_cast %add3A_290 : i32 to index
          %get3A_292 = tpu.vector_load %arg8[%get3A_291] {strides = array<i32>} : memref<65536xf32, #tpu.memory_space<vmem>>, vector<16xf32>,
          %get3A_293 = vector.shape_cast %get3A_292 : vector<16xf32> to vector<16xf32>
          %add3A_294 = arith.addf %get3A_288, %get3A_293 : vector<16xf32>
          %add3A_295 = arith.constant 0 : i32
          %add3A_296 = arith.addi %shift_left3A_213, %add3A_295 : i32
          %get3A_297 = arith.index_cast %add3A_296 : i32 to index
          %get3A_298 = tpu.vector_load %arg7[%get3A_297] {strides = array<i32>} : memref<62528xf32, #tpu.memory_space<vmem>>, vector<16xf32>,
          %get3A_299 = vector.shape_cast %get3A_298 : vector<16xf32> to vector<16xf32>
          %add3A_300 = arith.constant 0 : i32
          %add3A_301 = arith.addi %shift_left3A_217, %add3A_300 : i32
          %get3A_302 = arith.index_cast %add3A_301 : i32 to index
          %get3A_303 = tpu.vector_load %arg8[%get3A_302] {strides = array<i32>} : memref<65536xf32, #tpu.memory_space<vmem>>, vector<16xf32>,
          %get3A_304 = vector.shape_cast %get3A_303 : vector<16xf32> to vector<16xf32>
          %add3A_305 = arith.addf %get3A_299, %get3A_304 : vector<16xf32>
          %add3A_306 = arith.addf %add3A_228, %add3A_239 : vector<16xf32>
          %add3A_307 = arith.addf %add3A_250, %add3A_261 : vector<16xf32>
          %add3A_308 = arith.addf %add3A_272, %add3A_283 : vector<16xf32>
          %add3A_309 = arith.addf %add3A_294, %add3A_305 : vector<16xf32>
          %add3A_310 = arith.addf %add3A_306, %add3A_307 : vector<16xf32>
          %add3A_311 = arith.addf %add3A_308, %add3A_309 : vector<16xf32>
          %add3A_312 = arith.addf %add3A_310, %add3A_311 : vector<16xf32>
          %add3A_313 = arith.addf %while3A_128, %add3A_312 : vector<16xf32>
          %add3A_314 = arith.constant 16 : i32
          %add3A_315 = arith.addi %shift_left3A_143, %add3A_314 : i32
          %get3A_316 = arith.index_cast %add3A_315 : i32 to index
          %get3A_317 = tpu.vector_load %arg7[%get3A_316] {strides = array<i32>} : memref<62528xf32, #tpu.memory_space<vmem>>, vector<16xf32>,
          %get3A_318 = vector.shape_cast %get3A_317 : vector<16xf32> to vector<16xf32>
          %add3A_319 = arith.constant 16 : i32
          %add3A_320 = arith.addi %shift_left3A_147, %add3A_319 : i32
          %get3A_321 = arith.index_cast %add3A_320 : i32 to index
          %get3A_322 = tpu.vector_load %arg8[%get3A_321] {strides = array<i32>} : memref<65536xf32, #tpu.memory_space<vmem>>, vector<16xf32>,
          %get3A_323 = vector.shape_cast %get3A_322 : vector<16xf32> to vector<16xf32>
          %add3A_324 = arith.addf %get3A_318, %get3A_323 : vector<16xf32>
          %add3A_325 = arith.constant 16 : i32
          %add3A_326 = arith.addi %shift_left3A_153, %add3A_325 : i32
          %get3A_327 = arith.index_cast %add3A_326 : i32 to index
          %get3A_328 = tpu.vector_load %arg7[%get3A_327] {strides = array<i32>} : memref<62528xf32, #tpu.memory_space<vmem>>, vector<16xf32>,
          %get3A_329 = vector.shape_cast %get3A_328 : vector<16xf32> to vector<16xf32>
          %add3A_330 = arith.constant 16 : i32
          %add3A_331 = arith.addi %shift_left3A_157, %add3A_330 : i32
          %get3A_332 = arith.index_cast %add3A_331 : i32 to index
          %get3A_333 = tpu.vector_load %arg8[%get3A_332] {strides = array<i32>} : memref<65536xf32, #tpu.memory_space<vmem>>, vector<16xf32>,
          %get3A_334 = vector.shape_cast %get3A_333 : vector<16xf32> to vector<16xf32>
          %add3A_335 = arith.addf %get3A_329, %get3A_334 : vector<16xf32>
          %add3A_336 = arith.constant 16 : i32
          %add3A_337 = arith.addi %shift_left3A_163, %add3A_336 : i32
          %get3A_338 = arith.index_cast %add3A_337 : i32 to index
          %get3A_339 = tpu.vector_load %arg7[%get3A_338] {strides = array<i32>} : memref<62528xf32, #tpu.memory_space<vmem>>, vector<16xf32>,
          %get3A_340 = vector.shape_cast %get3A_339 : vector<16xf32> to vector<16xf32>
          %add3A_341 = arith.constant 16 : i32
          %add3A_342 = arith.addi %shift_left3A_167, %add3A_341 : i32
          %get3A_343 = arith.index_cast %add3A_342 : i32 to index
          %get3A_344 = tpu.vector_load %arg8[%get3A_343] {strides = array<i32>} : memref<65536xf32, #tpu.memory_space<vmem>>, vector<16xf32>,
          %get3A_345 = vector.shape_cast %get3A_344 : vector<16xf32> to vector<16xf32>
          %add3A_346 = arith.addf %get3A_340, %get3A_345 : vector<16xf32>
          %add3A_347 = arith.constant 16 : i32
          %add3A_348 = arith.addi %shift_left3A_173, %add3A_347 : i32
          %get3A_349 = arith.index_cast %add3A_348 : i32 to index
          %get3A_350 = tpu.vector_load %arg7[%get3A_349] {strides = array<i32>} : memref<62528xf32, #tpu.memory_space<vmem>>, vector<16xf32>,
          %get3A_351 = vector.shape_cast %get3A_350 : vector<16xf32> to vector<16xf32>
          %add3A_352 = arith.constant 16 : i32
          %add3A_353 = arith.addi %shift_left3A_177, %add3A_352 : i32
          %get3A_354 = arith.index_cast %add3A_353 : i32 to index
          %get3A_355 = tpu.vector_load %arg8[%get3A_354] {strides = array<i32>} : memref<65536xf32, #tpu.memory_space<vmem>>, vector<16xf32>,
          %get3A_356 = vector.shape_cast %get3A_355 : vector<16xf32> to vector<16xf32>
          %add3A_357 = arith.addf %get3A_351, %get3A_356 : vector<16xf32>
          %add3A_358 = arith.constant 16 : i32
          %add3A_359 = arith.addi %shift_left3A_183, %add3A_358 : i32
          %get3A_360 = arith.index_cast %add3A_359 : i32 to index
          %get3A_361 = tpu.vector_load %arg7[%get3A_360] {strides = array<i32>} : memref<62528xf32, #tpu.memory_space<vmem>>, vector<16xf32>,
          %get3A_362 = vector.shape_cast %get3A_361 : vector<16xf32> to vector<16xf32>
          %add3A_363 = arith.constant 16 : i32
          %add3A_364 = arith.addi %shift_left3A_187, %add3A_363 : i32
          %get3A_365 = arith.index_cast %add3A_364 : i32 to index
          %get3A_366 = tpu.vector_load %arg8[%get3A_365] {strides = array<i32>} : memref<65536xf32, #tpu.memory_space<vmem>>, vector<16xf32>,
          %get3A_367 = vector.shape_cast %get3A_366 : vector<16xf32> to vector<16xf32>
          %add3A_368 = arith.addf %get3A_362, %get3A_367 : vector<16xf32>
          %add3A_369 = arith.constant 16 : i32
          %add3A_370 = arith.addi %shift_left3A_193, %add3A_369 : i32
          %get3A_371 = arith.index_cast %add3A_370 : i32 to index
          %get3A_372 = tpu.vector_load %arg7[%get3A_371] {strides = array<i32>} : memref<62528xf32, #tpu.memory_space<vmem>>, vector<16xf32>,
          %get3A_373 = vector.shape_cast %get3A_372 : vector<16xf32> to vector<16xf32>
          %add3A_374 = arith.constant 16 : i32
          %add3A_375 = arith.addi %shift_left3A_197, %add3A_374 : i32
          %get3A_376 = arith.index_cast %add3A_375 : i32 to index
          %get3A_377 = tpu.vector_load %arg8[%get3A_376] {strides = array<i32>} : memref<65536xf32, #tpu.memory_space<vmem>>, vector<16xf32>,
          %get3A_378 = vector.shape_cast %get3A_377 : vector<16xf32> to vector<16xf32>
          %add3A_379 = arith.addf %get3A_373, %get3A_378 : vector<16xf32>
          %add3A_380 = arith.constant 16 : i32
          %add3A_381 = arith.addi %shift_left3A_203, %add3A_380 : i32
          %get3A_382 = arith.index_cast %add3A_381 : i32 to index
          %get3A_383 = tpu.vector_load %arg7[%get3A_382] {strides = array<i32>} : memref<62528xf32, #tpu.memory_space<vmem>>, vector<16xf32>,
          %get3A_384 = vector.shape_cast %get3A_383 : vector<16xf32> to vector<16xf32>
          %add3A_385 = arith.constant 16 : i32
          %add3A_386 = arith.addi %shift_left3A_207, %add3A_385 : i32
          %get3A_387 = arith.index_cast %add3A_386 : i32 to index
          %get3A_388 = tpu.vector_load %arg8[%get3A_387] {strides = array<i32>} : memref<65536xf32, #tpu.memory_space<vmem>>, vector<16xf32>,
          %get3A_389 = vector.shape_cast %get3A_388 : vector<16xf32> to vector<16xf32>
          %add3A_390 = arith.addf %get3A_384, %get3A_389 : vector<16xf32>
          %add3A_391 = arith.constant 16 : i32
          %add3A_392 = arith.addi %shift_left3A_213, %add3A_391 : i32
          %get3A_393 = arith.index_cast %add3A_392 : i32 to index
          %get3A_394 = tpu.vector_load %arg7[%get3A_393] {strides = array<i32>} : memref<62528xf32, #tpu.memory_space<vmem>>, vector<16xf32>,
          %get3A_395 = vector.shape_cast %get3A_394 : vector<16xf32> to vector<16xf32>
          %add3A_396 = arith.constant 16 : i32
          %add3A_397 = arith.addi %shift_left3A_217, %add3A_396 : i32
          %get3A_398 = arith.index_cast %add3A_397 : i32 to index
          %get3A_399 = tpu.vector_load %arg8[%get3A_398] {strides = array<i32>} : memref<65536xf32, #tpu.memory_space<vmem>>, vector<16xf32>,
          %get3A_400 = vector.shape_cast %get3A_399 : vector<16xf32> to vector<16xf32>
          %add3A_401 = arith.addf %get3A_395, %get3A_400 : vector<16xf32>
          %add3A_402 = arith.addf %add3A_324, %add3A_335 : vector<16xf32>
          %add3A_403 = arith.addf %add3A_346, %add3A_357 : vector<16xf32>
          %add3A_404 = arith.addf %add3A_368, %add3A_379 : vector<16xf32>
          %add3A_405 = arith.addf %add3A_390, %add3A_401 : vector<16xf32>
          %add3A_406 = arith.addf %add3A_402, %add3A_403 : vector<16xf32>
          %add3A_407 = arith.addf %add3A_404, %add3A_405 : vector<16xf32>
          %add3A_408 = arith.addf %add3A_406, %add3A_407 : vector<16xf32>
          %add3A_409 = arith.addf %while3A_129, %add3A_408 : vector<16xf32>
          %add3A_410 = arith.constant 32 : i32
          %add3A_411 = arith.addi %shift_left3A_143, %add3A_410 : i32
          %get3A_412 = arith.index_cast %add3A_411 : i32 to index
          %get3A_413 = tpu.vector_load %arg7[%get3A_412] {strides = array<i32>} : memref<62528xf32, #tpu.memory_space<vmem>>, vector<16xf32>,
          %get3A_414 = vector.shape_cast %get3A_413 : vector<16xf32> to vector<16xf32>
          %add3A_415 = arith.constant 32 : i32
          %add3A_416 = arith.addi %shift_left3A_147, %add3A_415 : i32
          %get3A_417 = arith.index_cast %add3A_416 : i32 to index
          %get3A_418 = tpu.vector_load %arg8[%get3A_417] {strides = array<i32>} : memref<65536xf32, #tpu.memory_space<vmem>>, vector<16xf32>,
          %get3A_419 = vector.shape_cast %get3A_418 : vector<16xf32> to vector<16xf32>
          %add3A_420 = arith.addf %get3A_414, %get3A_419 : vector<16xf32>
          %add3A_421 = arith.constant 32 : i32
          %add3A_422 = arith.addi %shift_left3A_153, %add3A_421 : i32
          %get3A_423 = arith.index_cast %add3A_422 : i32 to index
          %get3A_424 = tpu.vector_load %arg7[%get3A_423] {strides = array<i32>} : memref<62528xf32, #tpu.memory_space<vmem>>, vector<16xf32>,
          %get3A_425 = vector.shape_cast %get3A_424 : vector<16xf32> to vector<16xf32>
          %add3A_426 = arith.constant 32 : i32
          %add3A_427 = arith.addi %shift_left3A_157, %add3A_426 : i32
          %get3A_428 = arith.index_cast %add3A_427 : i32 to index
          %get3A_429 = tpu.vector_load %arg8[%get3A_428] {strides = array<i32>} : memref<65536xf32, #tpu.memory_space<vmem>>, vector<16xf32>,
          %get3A_430 = vector.shape_cast %get3A_429 : vector<16xf32> to vector<16xf32>
          %add3A_431 = arith.addf %get3A_425, %get3A_430 : vector<16xf32>
          %add3A_432 = arith.constant 32 : i32
          %add3A_433 = arith.addi %shift_left3A_163, %add3A_432 : i32
          %get3A_434 = arith.index_cast %add3A_433 : i32 to index
          %get3A_435 = tpu.vector_load %arg7[%get3A_434] {strides = array<i32>} : memref<62528xf32, #tpu.memory_space<vmem>>, vector<16xf32>,
          %get3A_436 = vector.shape_cast %get3A_435 : vector<16xf32> to vector<16xf32>
          %add3A_437 = arith.constant 32 : i32
          %add3A_438 = arith.addi %shift_left3A_167, %add3A_437 : i32
          %get3A_439 = arith.index_cast %add3A_438 : i32 to index
          %get3A_440 = tpu.vector_load %arg8[%get3A_439] {strides = array<i32>} : memref<65536xf32, #tpu.memory_space<vmem>>, vector<16xf32>,
          %get3A_441 = vector.shape_cast %get3A_440 : vector<16xf32> to vector<16xf32>
          %add3A_442 = arith.addf %get3A_436, %get3A_441 : vector<16xf32>
          %add3A_443 = arith.constant 32 : i32
          %add3A_444 = arith.addi %shift_left3A_173, %add3A_443 : i32
          %get3A_445 = arith.index_cast %add3A_444 : i32 to index
          %get3A_446 = tpu.vector_load %arg7[%get3A_445] {strides = array<i32>} : memref<62528xf32, #tpu.memory_space<vmem>>, vector<16xf32>,
          %get3A_447 = vector.shape_cast %get3A_446 : vector<16xf32> to vector<16xf32>
          %add3A_448 = arith.constant 32 : i32
          %add3A_449 = arith.addi %shift_left3A_177, %add3A_448 : i32
          %get3A_450 = arith.index_cast %add3A_449 : i32 to index
          %get3A_451 = tpu.vector_load %arg8[%get3A_450] {strides = array<i32>} : memref<65536xf32, #tpu.memory_space<vmem>>, vector<16xf32>,
          %get3A_452 = vector.shape_cast %get3A_451 : vector<16xf32> to vector<16xf32>
          %add3A_453 = arith.addf %get3A_447, %get3A_452 : vector<16xf32>
          %add3A_454 = arith.constant 32 : i32
          %add3A_455 = arith.addi %shift_left3A_183, %add3A_454 : i32
          %get3A_456 = arith.index_cast %add3A_455 : i32 to index
          %get3A_457 = tpu.vector_load %arg7[%get3A_456] {strides = array<i32>} : memref<62528xf32, #tpu.memory_space<vmem>>, vector<16xf32>,
          %get3A_458 = vector.shape_cast %get3A_457 : vector<16xf32> to vector<16xf32>
          %add3A_459 = arith.constant 32 : i32
          %add3A_460 = arith.addi %shift_left3A_187, %add3A_459 : i32
          %get3A_461 = arith.index_cast %add3A_460 : i32 to index
          %get3A_462 = tpu.vector_load %arg8[%get3A_461] {strides = array<i32>} : memref<65536xf32, #tpu.memory_space<vmem>>, vector<16xf32>,
          %get3A_463 = vector.shape_cast %get3A_462 : vector<16xf32> to vector<16xf32>
          %add3A_464 = arith.addf %get3A_458, %get3A_463 : vector<16xf32>
          %add3A_465 = arith.constant 32 : i32
          %add3A_466 = arith.addi %shift_left3A_193, %add3A_465 : i32
          %get3A_467 = arith.index_cast %add3A_466 : i32 to index
          %get3A_468 = tpu.vector_load %arg7[%get3A_467] {strides = array<i32>} : memref<62528xf32, #tpu.memory_space<vmem>>, vector<16xf32>,
          %get3A_469 = vector.shape_cast %get3A_468 : vector<16xf32> to vector<16xf32>
          %add3A_470 = arith.constant 32 : i32
          %add3A_471 = arith.addi %shift_left3A_197, %add3A_470 : i32
          %get3A_472 = arith.index_cast %add3A_471 : i32 to index
          %get3A_473 = tpu.vector_load %arg8[%get3A_472] {strides = array<i32>} : memref<65536xf32, #tpu.memory_space<vmem>>, vector<16xf32>,
          %get3A_474 = vector.shape_cast %get3A_473 : vector<16xf32> to vector<16xf32>
          %add3A_475 = arith.addf %get3A_469, %get3A_474 : vector<16xf32>
          %add3A_476 = arith.constant 32 : i32
          %add3A_477 = arith.addi %shift_left3A_203, %add3A_476 : i32
          %get3A_478 = arith.index_cast %add3A_477 : i32 to index
          %get3A_479 = tpu.vector_load %arg7[%get3A_478] {strides = array<i32>} : memref<62528xf32, #tpu.memory_space<vmem>>, vector<16xf32>,
          %get3A_480 = vector.shape_cast %get3A_479 : vector<16xf32> to vector<16xf32>
          %add3A_481 = arith.constant 32 : i32
          %add3A_482 = arith.addi %shift_left3A_207, %add3A_481 : i32
          %get3A_483 = arith.index_cast %add3A_482 : i32 to index
          %get3A_484 = tpu.vector_load %arg8[%get3A_483] {strides = array<i32>} : memref<65536xf32, #tpu.memory_space<vmem>>, vector<16xf32>,
          %get3A_485 = vector.shape_cast %get3A_484 : vector<16xf32> to vector<16xf32>
          %add3A_486 = arith.addf %get3A_480, %get3A_485 : vector<16xf32>
          %add3A_487 = arith.constant 32 : i32
          %add3A_488 = arith.addi %shift_left3A_213, %add3A_487 : i32
          %get3A_489 = arith.index_cast %add3A_488 : i32 to index
          %get3A_490 = tpu.vector_load %arg7[%get3A_489] {strides = array<i32>} : memref<62528xf32, #tpu.memory_space<vmem>>, vector<16xf32>,
          %get3A_491 = vector.shape_cast %get3A_490 : vector<16xf32> to vector<16xf32>
          %add3A_492 = arith.constant 32 : i32
          %add3A_493 = arith.addi %shift_left3A_217, %add3A_492 : i32
          %get3A_494 = arith.index_cast %add3A_493 : i32 to index
          %get3A_495 = tpu.vector_load %arg8[%get3A_494] {strides = array<i32>} : memref<65536xf32, #tpu.memory_space<vmem>>, vector<16xf32>,
          %get3A_496 = vector.shape_cast %get3A_495 : vector<16xf32> to vector<16xf32>
          %add3A_497 = arith.addf %get3A_491, %get3A_496 : vector<16xf32>
          %add3A_498 = arith.addf %add3A_420, %add3A_431 : vector<16xf32>
          %add3A_499 = arith.addf %add3A_442, %add3A_453 : vector<16xf32>
          %add3A_500 = arith.addf %add3A_464, %add3A_475 : vector<16xf32>
          %add3A_501 = arith.addf %add3A_486, %add3A_497 : vector<16xf32>
          %add3A_502 = arith.addf %add3A_498, %add3A_499 : vector<16xf32>
          %add3A_503 = arith.addf %add3A_500, %add3A_501 : vector<16xf32>
          %add3A_504 = arith.addf %add3A_502, %add3A_503 : vector<16xf32>
          %add3A_505 = arith.addf %while3A_130, %add3A_504 : vector<16xf32>
          %add3A_506 = arith.constant 48 : i32
          %add3A_507 = arith.addi %shift_left3A_143, %add3A_506 : i32
          %get3A_508 = arith.index_cast %add3A_507 : i32 to index
          %get3A_509 = tpu.vector_load %arg7[%get3A_508] {strides = array<i32>} : memref<62528xf32, #tpu.memory_space<vmem>>, vector<16xf32>,
          %get3A_510 = vector.shape_cast %get3A_509 : vector<16xf32> to vector<16xf32>
          %add3A_511 = arith.constant 48 : i32
          %add3A_512 = arith.addi %shift_left3A_147, %add3A_511 : i32
          %get3A_513 = arith.index_cast %add3A_512 : i32 to index
          %get3A_514 = tpu.vector_load %arg8[%get3A_513] {strides = array<i32>} : memref<65536xf32, #tpu.memory_space<vmem>>, vector<16xf32>,
          %get3A_515 = vector.shape_cast %get3A_514 : vector<16xf32> to vector<16xf32>
          %add3A_516 = arith.addf %get3A_510, %get3A_515 : vector<16xf32>
          %add3A_517 = arith.constant 48 : i32
          %add3A_518 = arith.addi %shift_left3A_153, %add3A_517 : i32
          %get3A_519 = arith.index_cast %add3A_518 : i32 to index
          %get3A_520 = tpu.vector_load %arg7[%get3A_519] {strides = array<i32>} : memref<62528xf32, #tpu.memory_space<vmem>>, vector<16xf32>,
          %get3A_521 = vector.shape_cast %get3A_520 : vector<16xf32> to vector<16xf32>
          %add3A_522 = arith.constant 48 : i32
          %add3A_523 = arith.addi %shift_left3A_157, %add3A_522 : i32
          %get3A_524 = arith.index_cast %add3A_523 : i32 to index
          %get3A_525 = tpu.vector_load %arg8[%get3A_524] {strides = array<i32>} : memref<65536xf32, #tpu.memory_space<vmem>>, vector<16xf32>,
          %get3A_526 = vector.shape_cast %get3A_525 : vector<16xf32> to vector<16xf32>
          %add3A_527 = arith.addf %get3A_521, %get3A_526 : vector<16xf32>
          %add3A_528 = arith.constant 48 : i32
          %add3A_529 = arith.addi %shift_left3A_163, %add3A_528 : i32
          %get3A_530 = arith.index_cast %add3A_529 : i32 to index
          %get3A_531 = tpu.vector_load %arg7[%get3A_530] {strides = array<i32>} : memref<62528xf32, #tpu.memory_space<vmem>>, vector<16xf32>,
          %get3A_532 = vector.shape_cast %get3A_531 : vector<16xf32> to vector<16xf32>
          %add3A_533 = arith.constant 48 : i32
          %add3A_534 = arith.addi %shift_left3A_167, %add3A_533 : i32
          %get3A_535 = arith.index_cast %add3A_534 : i32 to index
          %get3A_536 = tpu.vector_load %arg8[%get3A_535] {strides = array<i32>} : memref<65536xf32, #tpu.memory_space<vmem>>, vector<16xf32>,
          %get3A_537 = vector.shape_cast %get3A_536 : vector<16xf32> to vector<16xf32>
          %add3A_538 = arith.addf %get3A_532, %get3A_537 : vector<16xf32>
          %add3A_539 = arith.constant 48 : i32
          %add3A_540 = arith.addi %shift_left3A_173, %add3A_539 : i32
          %get3A_541 = arith.index_cast %add3A_540 : i32 to index
          %get3A_542 = tpu.vector_load %arg7[%get3A_541] {strides = array<i32>} : memref<62528xf32, #tpu.memory_space<vmem>>, vector<16xf32>,
          %get3A_543 = vector.shape_cast %get3A_542 : vector<16xf32> to vector<16xf32>
          %add3A_544 = arith.constant 48 : i32
          %add3A_545 = arith.addi %shift_left3A_177, %add3A_544 : i32
          %get3A_546 = arith.index_cast %add3A_545 : i32 to index
          %get3A_547 = tpu.vector_load %arg8[%get3A_546] {strides = array<i32>} : memref<65536xf32, #tpu.memory_space<vmem>>, vector<16xf32>,
          %get3A_548 = vector.shape_cast %get3A_547 : vector<16xf32> to vector<16xf32>
          %add3A_549 = arith.addf %get3A_543, %get3A_548 : vector<16xf32>
          %add3A_550 = arith.constant 48 : i32
          %add3A_551 = arith.addi %shift_left3A_183, %add3A_550 : i32
          %get3A_552 = arith.index_cast %add3A_551 : i32 to index
          %get3A_553 = tpu.vector_load %arg7[%get3A_552] {strides = array<i32>} : memref<62528xf32, #tpu.memory_space<vmem>>, vector<16xf32>,
          %get3A_554 = vector.shape_cast %get3A_553 : vector<16xf32> to vector<16xf32>
          %add3A_555 = arith.constant 48 : i32
          %add3A_556 = arith.addi %shift_left3A_187, %add3A_555 : i32
          %get3A_557 = arith.index_cast %add3A_556 : i32 to index
          %get3A_558 = tpu.vector_load %arg8[%get3A_557] {strides = array<i32>} : memref<65536xf32, #tpu.memory_space<vmem>>, vector<16xf32>,
          %get3A_559 = vector.shape_cast %get3A_558 : vector<16xf32> to vector<16xf32>
          %add3A_560 = arith.addf %get3A_554, %get3A_559 : vector<16xf32>
          %add3A_561 = arith.constant 48 : i32
          %add3A_562 = arith.addi %shift_left3A_193, %add3A_561 : i32
          %get3A_563 = arith.index_cast %add3A_562 : i32 to index
          %get3A_564 = tpu.vector_load %arg7[%get3A_563] {strides = array<i32>} : memref<62528xf32, #tpu.memory_space<vmem>>, vector<16xf32>,
          %get3A_565 = vector.shape_cast %get3A_564 : vector<16xf32> to vector<16xf32>
          %add3A_566 = arith.constant 48 : i32
          %add3A_567 = arith.addi %shift_left3A_197, %add3A_566 : i32
          %get3A_568 = arith.index_cast %add3A_567 : i32 to index
          %get3A_569 = tpu.vector_load %arg8[%get3A_568] {strides = array<i32>} : memref<65536xf32, #tpu.memory_space<vmem>>, vector<16xf32>,
          %get3A_570 = vector.shape_cast %get3A_569 : vector<16xf32> to vector<16xf32>
          %add3A_571 = arith.addf %get3A_565, %get3A_570 : vector<16xf32>
          %add3A_572 = arith.constant 48 : i32
          %add3A_573 = arith.addi %shift_left3A_203, %add3A_572 : i32
          %get3A_574 = arith.index_cast %add3A_573 : i32 to index
          %get3A_575 = tpu.vector_load %arg7[%get3A_574] {strides = array<i32>} : memref<62528xf32, #tpu.memory_space<vmem>>, vector<16xf32>,
          %get3A_576 = vector.shape_cast %get3A_575 : vector<16xf32> to vector<16xf32>
          %add3A_577 = arith.constant 48 : i32
          %add3A_578 = arith.addi %shift_left3A_207, %add3A_577 : i32
          %get3A_579 = arith.index_cast %add3A_578 : i32 to index
          %get3A_580 = tpu.vector_load %arg8[%get3A_579] {strides = array<i32>} : memref<65536xf32, #tpu.memory_space<vmem>>, vector<16xf32>,
          %get3A_581 = vector.shape_cast %get3A_580 : vector<16xf32> to vector<16xf32>
          %add3A_582 = arith.addf %get3A_576, %get3A_581 : vector<16xf32>
          %add3A_583 = arith.constant 48 : i32
          %add3A_584 = arith.addi %shift_left3A_213, %add3A_583 : i32
          %get3A_585 = arith.index_cast %add3A_584 : i32 to index
          %get3A_586 = tpu.vector_load %arg7[%get3A_585] {strides = array<i32>} : memref<62528xf32, #tpu.memory_space<vmem>>, vector<16xf32>,
          %get3A_587 = vector.shape_cast %get3A_586 : vector<16xf32> to vector<16xf32>
          %add3A_588 = arith.constant 48 : i32
          %add3A_589 = arith.addi %shift_left3A_217, %add3A_588 : i32
          %get3A_590 = arith.index_cast %add3A_589 : i32 to index
          %get3A_591 = tpu.vector_load %arg8[%get3A_590] {strides = array<i32>} : memref<65536xf32, #tpu.memory_space<vmem>>, vector<16xf32>,
          %get3A_592 = vector.shape_cast %get3A_591 : vector<16xf32> to vector<16xf32>
          %add3A_593 = arith.addf %get3A_587, %get3A_592 : vector<16xf32>
          %add3A_594 = arith.addf %add3A_516, %add3A_527 : vector<16xf32>
          %add3A_595 = arith.addf %add3A_538, %add3A_549 : vector<16xf32>
          %add3A_596 = arith.addf %add3A_560, %add3A_571 : vector<16xf32>
          %add3A_597 = arith.addf %add3A_582, %add3A_593 : vector<16xf32>
          %add3A_598 = arith.addf %add3A_594, %add3A_595 : vector<16xf32>
          %add3A_599 = arith.addf %add3A_596, %add3A_597 : vector<16xf32>
          %add3A_600 = arith.addf %add3A_598, %add3A_599 : vector<16xf32>
          %add3A_601 = arith.addf %while3A_131, %add3A_600 : vector<16xf32>
          scf.yield %add3A_313, %add3A_409, %add3A_505, %add3A_601 : vector<16xf32>, vector<16xf32>, vector<16xf32>, vector<16xf32>
        }
        %while3A_112 = arith.constant 1 : i32
        %while3A_113:4 = scf.for %while3A_127 = %while3A_109 to %while3A_105 step %while3A_112 iter_args(%while3A_128 = %while3A_111#0, %while3A_129 = %while3A_111#1, %while3A_130 = %while3A_111#2, %while3A_131 = %while3A_111#3) -> (vector<16xf32>, vector<16xf32>, vector<16xf32>, vector<16xf32>)  : i32 {
          %shift_left3A_132 = arith.constant 3 : i32
          %shift_left3A_133 = arith.shli %while3A_127, %shift_left3A_132 : i32
          %add3A_134 = arith.addi %sub3A_99, %shift_left3A_133 : i32
          %get3A_135 = arith.index_cast %add3A_134 : i32 to index
          %get3A_136 = tpu.vector_load %arg11[%get3A_135] {strides = array<i32>} : memref<1040xi32, #tpu.memory_space<vmem>>, vector<16xi32>,
          %get3A_137 = vector.shape_cast %get3A_136 : vector<16xi32> to vector<16xi32>
          %slice3A_138 = vector.extract_strided_slice %get3A_137 {offsets = [0], sizes = [1], strides = [1]} : vector<16xi32> to vector<1xi32>
          %squeeze3A_139 = vector.extract %slice3A_138[0] : i32 from vector<1xi32>
          %shift_right_logical3A_140 = arith.constant 10 : i32
          %shift_right_logical3A_141 = arith.shrui %squeeze3A_139, %shift_right_logical3A_140 : i32
          %shift_left3A_142 = arith.constant 6 : i32
          %shift_left3A_143 = arith.shli %shift_right_logical3A_141, %shift_left3A_142 : i32
          %and3A_144 = arith.constant 1023 : i32
          %and3A_145 = arith.andi %squeeze3A_139, %and3A_144 : i32
          %shift_left3A_146 = arith.constant 6 : i32
          %shift_left3A_147 = arith.shli %and3A_145, %shift_left3A_146 : i32
          %slice3A_148 = vector.extract_strided_slice %get3A_137 {offsets = [1], sizes = [1], strides = [1]} : vector<16xi32> to vector<1xi32>
          %squeeze3A_149 = vector.extract %slice3A_148[0] : i32 from vector<1xi32>
          %shift_right_logical3A_150 = arith.constant 10 : i32
          %shift_right_logical3A_151 = arith.shrui %squeeze3A_149, %shift_right_logical3A_150 : i32
          %shift_left3A_152 = arith.constant 6 : i32
          %shift_left3A_153 = arith.shli %shift_right_logical3A_151, %shift_left3A_152 : i32
          %and3A_154 = arith.constant 1023 : i32
          %and3A_155 = arith.andi %squeeze3A_149, %and3A_154 : i32
          %shift_left3A_156 = arith.constant 6 : i32
          %shift_left3A_157 = arith.shli %and3A_155, %shift_left3A_156 : i32
          %slice3A_158 = vector.extract_strided_slice %get3A_137 {offsets = [2], sizes = [1], strides = [1]} : vector<16xi32> to vector<1xi32>
          %squeeze3A_159 = vector.extract %slice3A_158[0] : i32 from vector<1xi32>
          %shift_right_logical3A_160 = arith.constant 10 : i32
          %shift_right_logical3A_161 = arith.shrui %squeeze3A_159, %shift_right_logical3A_160 : i32
          %shift_left3A_162 = arith.constant 6 : i32
          %shift_left3A_163 = arith.shli %shift_right_logical3A_161, %shift_left3A_162 : i32
          %and3A_164 = arith.constant 1023 : i32
          %and3A_165 = arith.andi %squeeze3A_159, %and3A_164 : i32
          %shift_left3A_166 = arith.constant 6 : i32
          %shift_left3A_167 = arith.shli %and3A_165, %shift_left3A_166 : i32
          %slice3A_168 = vector.extract_strided_slice %get3A_137 {offsets = [3], sizes = [1], strides = [1]} : vector<16xi32> to vector<1xi32>
          %squeeze3A_169 = vector.extract %slice3A_168[0] : i32 from vector<1xi32>
          %shift_right_logical3A_170 = arith.constant 10 : i32
          %shift_right_logical3A_171 = arith.shrui %squeeze3A_169, %shift_right_logical3A_170 : i32
          %shift_left3A_172 = arith.constant 6 : i32
          %shift_left3A_173 = arith.shli %shift_right_logical3A_171, %shift_left3A_172 : i32
          %and3A_174 = arith.constant 1023 : i32
          %and3A_175 = arith.andi %squeeze3A_169, %and3A_174 : i32
          %shift_left3A_176 = arith.constant 6 : i32
          %shift_left3A_177 = arith.shli %and3A_175, %shift_left3A_176 : i32
          %slice3A_178 = vector.extract_strided_slice %get3A_137 {offsets = [4], sizes = [1], strides = [1]} : vector<16xi32> to vector<1xi32>
          %squeeze3A_179 = vector.extract %slice3A_178[0] : i32 from vector<1xi32>
          %shift_right_logical3A_180 = arith.constant 10 : i32
          %shift_right_logical3A_181 = arith.shrui %squeeze3A_179, %shift_right_logical3A_180 : i32
          %shift_left3A_182 = arith.constant 6 : i32
          %shift_left3A_183 = arith.shli %shift_right_logical3A_181, %shift_left3A_182 : i32
          %and3A_184 = arith.constant 1023 : i32
          %and3A_185 = arith.andi %squeeze3A_179, %and3A_184 : i32
          %shift_left3A_186 = arith.constant 6 : i32
          %shift_left3A_187 = arith.shli %and3A_185, %shift_left3A_186 : i32
          %slice3A_188 = vector.extract_strided_slice %get3A_137 {offsets = [5], sizes = [1], strides = [1]} : vector<16xi32> to vector<1xi32>
          %squeeze3A_189 = vector.extract %slice3A_188[0] : i32 from vector<1xi32>
          %shift_right_logical3A_190 = arith.constant 10 : i32
          %shift_right_logical3A_191 = arith.shrui %squeeze3A_189, %shift_right_logical3A_190 : i32
          %shift_left3A_192 = arith.constant 6 : i32
          %shift_left3A_193 = arith.shli %shift_right_logical3A_191, %shift_left3A_192 : i32
          %and3A_194 = arith.constant 1023 : i32
          %and3A_195 = arith.andi %squeeze3A_189, %and3A_194 : i32
          %shift_left3A_196 = arith.constant 6 : i32
          %shift_left3A_197 = arith.shli %and3A_195, %shift_left3A_196 : i32
          %slice3A_198 = vector.extract_strided_slice %get3A_137 {offsets = [6], sizes = [1], strides = [1]} : vector<16xi32> to vector<1xi32>
          %squeeze3A_199 = vector.extract %slice3A_198[0] : i32 from vector<1xi32>
          %shift_right_logical3A_200 = arith.constant 10 : i32
          %shift_right_logical3A_201 = arith.shrui %squeeze3A_199, %shift_right_logical3A_200 : i32
          %shift_left3A_202 = arith.constant 6 : i32
          %shift_left3A_203 = arith.shli %shift_right_logical3A_201, %shift_left3A_202 : i32
          %and3A_204 = arith.constant 1023 : i32
          %and3A_205 = arith.andi %squeeze3A_199, %and3A_204 : i32
          %shift_left3A_206 = arith.constant 6 : i32
          %shift_left3A_207 = arith.shli %and3A_205, %shift_left3A_206 : i32
          %slice3A_208 = vector.extract_strided_slice %get3A_137 {offsets = [7], sizes = [1], strides = [1]} : vector<16xi32> to vector<1xi32>
          %squeeze3A_209 = vector.extract %slice3A_208[0] : i32 from vector<1xi32>
          %shift_right_logical3A_210 = arith.constant 10 : i32
          %shift_right_logical3A_211 = arith.shrui %squeeze3A_209, %shift_right_logical3A_210 : i32
          %shift_left3A_212 = arith.constant 6 : i32
          %shift_left3A_213 = arith.shli %shift_right_logical3A_211, %shift_left3A_212 : i32
          %and3A_214 = arith.constant 1023 : i32
          %and3A_215 = arith.andi %squeeze3A_209, %and3A_214 : i32
          %shift_left3A_216 = arith.constant 6 : i32
          %shift_left3A_217 = arith.shli %and3A_215, %shift_left3A_216 : i32
          %add3A_218 = arith.constant 0 : i32
          %add3A_219 = arith.addi %shift_left3A_143, %add3A_218 : i32
          %get3A_220 = arith.index_cast %add3A_219 : i32 to index
          %get3A_221 = tpu.vector_load %arg7[%get3A_220] {strides = array<i32>} : memref<62528xf32, #tpu.memory_space<vmem>>, vector<16xf32>,
          %get3A_222 = vector.shape_cast %get3A_221 : vector<16xf32> to vector<16xf32>
          %add3A_223 = arith.constant 0 : i32
          %add3A_224 = arith.addi %shift_left3A_147, %add3A_223 : i32
          %get3A_225 = arith.index_cast %add3A_224 : i32 to index
          %get3A_226 = tpu.vector_load %arg8[%get3A_225] {strides = array<i32>} : memref<65536xf32, #tpu.memory_space<vmem>>, vector<16xf32>,
          %get3A_227 = vector.shape_cast %get3A_226 : vector<16xf32> to vector<16xf32>
          %add3A_228 = arith.addf %get3A_222, %get3A_227 : vector<16xf32>
          %add3A_229 = arith.constant 0 : i32
          %add3A_230 = arith.addi %shift_left3A_153, %add3A_229 : i32
          %get3A_231 = arith.index_cast %add3A_230 : i32 to index
          %get3A_232 = tpu.vector_load %arg7[%get3A_231] {strides = array<i32>} : memref<62528xf32, #tpu.memory_space<vmem>>, vector<16xf32>,
          %get3A_233 = vector.shape_cast %get3A_232 : vector<16xf32> to vector<16xf32>
          %add3A_234 = arith.constant 0 : i32
          %add3A_235 = arith.addi %shift_left3A_157, %add3A_234 : i32
          %get3A_236 = arith.index_cast %add3A_235 : i32 to index
          %get3A_237 = tpu.vector_load %arg8[%get3A_236] {strides = array<i32>} : memref<65536xf32, #tpu.memory_space<vmem>>, vector<16xf32>,
          %get3A_238 = vector.shape_cast %get3A_237 : vector<16xf32> to vector<16xf32>
          %add3A_239 = arith.addf %get3A_233, %get3A_238 : vector<16xf32>
          %add3A_240 = arith.constant 0 : i32
          %add3A_241 = arith.addi %shift_left3A_163, %add3A_240 : i32
          %get3A_242 = arith.index_cast %add3A_241 : i32 to index
          %get3A_243 = tpu.vector_load %arg7[%get3A_242] {strides = array<i32>} : memref<62528xf32, #tpu.memory_space<vmem>>, vector<16xf32>,
          %get3A_244 = vector.shape_cast %get3A_243 : vector<16xf32> to vector<16xf32>
          %add3A_245 = arith.constant 0 : i32
          %add3A_246 = arith.addi %shift_left3A_167, %add3A_245 : i32
          %get3A_247 = arith.index_cast %add3A_246 : i32 to index
          %get3A_248 = tpu.vector_load %arg8[%get3A_247] {strides = array<i32>} : memref<65536xf32, #tpu.memory_space<vmem>>, vector<16xf32>,
          %get3A_249 = vector.shape_cast %get3A_248 : vector<16xf32> to vector<16xf32>
          %add3A_250 = arith.addf %get3A_244, %get3A_249 : vector<16xf32>
          %add3A_251 = arith.constant 0 : i32
          %add3A_252 = arith.addi %shift_left3A_173, %add3A_251 : i32
          %get3A_253 = arith.index_cast %add3A_252 : i32 to index
          %get3A_254 = tpu.vector_load %arg7[%get3A_253] {strides = array<i32>} : memref<62528xf32, #tpu.memory_space<vmem>>, vector<16xf32>,
          %get3A_255 = vector.shape_cast %get3A_254 : vector<16xf32> to vector<16xf32>
          %add3A_256 = arith.constant 0 : i32
          %add3A_257 = arith.addi %shift_left3A_177, %add3A_256 : i32
          %get3A_258 = arith.index_cast %add3A_257 : i32 to index
          %get3A_259 = tpu.vector_load %arg8[%get3A_258] {strides = array<i32>} : memref<65536xf32, #tpu.memory_space<vmem>>, vector<16xf32>,
          %get3A_260 = vector.shape_cast %get3A_259 : vector<16xf32> to vector<16xf32>
          %add3A_261 = arith.addf %get3A_255, %get3A_260 : vector<16xf32>
          %add3A_262 = arith.constant 0 : i32
          %add3A_263 = arith.addi %shift_left3A_183, %add3A_262 : i32
          %get3A_264 = arith.index_cast %add3A_263 : i32 to index
          %get3A_265 = tpu.vector_load %arg7[%get3A_264] {strides = array<i32>} : memref<62528xf32, #tpu.memory_space<vmem>>, vector<16xf32>,
          %get3A_266 = vector.shape_cast %get3A_265 : vector<16xf32> to vector<16xf32>
          %add3A_267 = arith.constant 0 : i32
          %add3A_268 = arith.addi %shift_left3A_187, %add3A_267 : i32
          %get3A_269 = arith.index_cast %add3A_268 : i32 to index
          %get3A_270 = tpu.vector_load %arg8[%get3A_269] {strides = array<i32>} : memref<65536xf32, #tpu.memory_space<vmem>>, vector<16xf32>,
          %get3A_271 = vector.shape_cast %get3A_270 : vector<16xf32> to vector<16xf32>
          %add3A_272 = arith.addf %get3A_266, %get3A_271 : vector<16xf32>
          %add3A_273 = arith.constant 0 : i32
          %add3A_274 = arith.addi %shift_left3A_193, %add3A_273 : i32
          %get3A_275 = arith.index_cast %add3A_274 : i32 to index
          %get3A_276 = tpu.vector_load %arg7[%get3A_275] {strides = array<i32>} : memref<62528xf32, #tpu.memory_space<vmem>>, vector<16xf32>,
          %get3A_277 = vector.shape_cast %get3A_276 : vector<16xf32> to vector<16xf32>
          %add3A_278 = arith.constant 0 : i32
          %add3A_279 = arith.addi %shift_left3A_197, %add3A_278 : i32
          %get3A_280 = arith.index_cast %add3A_279 : i32 to index
          %get3A_281 = tpu.vector_load %arg8[%get3A_280] {strides = array<i32>} : memref<65536xf32, #tpu.memory_space<vmem>>, vector<16xf32>,
          %get3A_282 = vector.shape_cast %get3A_281 : vector<16xf32> to vector<16xf32>
          %add3A_283 = arith.addf %get3A_277, %get3A_282 : vector<16xf32>
          %add3A_284 = arith.constant 0 : i32
          %add3A_285 = arith.addi %shift_left3A_203, %add3A_284 : i32
          %get3A_286 = arith.index_cast %add3A_285 : i32 to index
          %get3A_287 = tpu.vector_load %arg7[%get3A_286] {strides = array<i32>} : memref<62528xf32, #tpu.memory_space<vmem>>, vector<16xf32>,
          %get3A_288 = vector.shape_cast %get3A_287 : vector<16xf32> to vector<16xf32>
          %add3A_289 = arith.constant 0 : i32
          %add3A_290 = arith.addi %shift_left3A_207, %add3A_289 : i32
          %get3A_291 = arith.index_cast %add3A_290 : i32 to index
          %get3A_292 = tpu.vector_load %arg8[%get3A_291] {strides = array<i32>} : memref<65536xf32, #tpu.memory_space<vmem>>, vector<16xf32>,
          %get3A_293 = vector.shape_cast %get3A_292 : vector<16xf32> to vector<16xf32>
          %add3A_294 = arith.addf %get3A_288, %get3A_293 : vector<16xf32>
          %add3A_295 = arith.constant 0 : i32
          %add3A_296 = arith.addi %shift_left3A_213, %add3A_295 : i32
          %get3A_297 = arith.index_cast %add3A_296 : i32 to index
          %get3A_298 = tpu.vector_load %arg7[%get3A_297] {strides = array<i32>} : memref<62528xf32, #tpu.memory_space<vmem>>, vector<16xf32>,
          %get3A_299 = vector.shape_cast %get3A_298 : vector<16xf32> to vector<16xf32>
          %add3A_300 = arith.constant 0 : i32
          %add3A_301 = arith.addi %shift_left3A_217, %add3A_300 : i32
          %get3A_302 = arith.index_cast %add3A_301 : i32 to index
          %get3A_303 = tpu.vector_load %arg8[%get3A_302] {strides = array<i32>} : memref<65536xf32, #tpu.memory_space<vmem>>, vector<16xf32>,
          %get3A_304 = vector.shape_cast %get3A_303 : vector<16xf32> to vector<16xf32>
          %add3A_305 = arith.addf %get3A_299, %get3A_304 : vector<16xf32>
          %add3A_306 = arith.addf %add3A_228, %add3A_239 : vector<16xf32>
          %add3A_307 = arith.addf %add3A_250, %add3A_261 : vector<16xf32>
          %add3A_308 = arith.addf %add3A_272, %add3A_283 : vector<16xf32>
          %add3A_309 = arith.addf %add3A_294, %add3A_305 : vector<16xf32>
          %add3A_310 = arith.addf %add3A_306, %add3A_307 : vector<16xf32>
          %add3A_311 = arith.addf %add3A_308, %add3A_309 : vector<16xf32>
          %add3A_312 = arith.addf %add3A_310, %add3A_311 : vector<16xf32>
          %add3A_313 = arith.addf %while3A_128, %add3A_312 : vector<16xf32>
          %add3A_314 = arith.constant 16 : i32
          %add3A_315 = arith.addi %shift_left3A_143, %add3A_314 : i32
          %get3A_316 = arith.index_cast %add3A_315 : i32 to index
          %get3A_317 = tpu.vector_load %arg7[%get3A_316] {strides = array<i32>} : memref<62528xf32, #tpu.memory_space<vmem>>, vector<16xf32>,
          %get3A_318 = vector.shape_cast %get3A_317 : vector<16xf32> to vector<16xf32>
          %add3A_319 = arith.constant 16 : i32
          %add3A_320 = arith.addi %shift_left3A_147, %add3A_319 : i32
          %get3A_321 = arith.index_cast %add3A_320 : i32 to index
          %get3A_322 = tpu.vector_load %arg8[%get3A_321] {strides = array<i32>} : memref<65536xf32, #tpu.memory_space<vmem>>, vector<16xf32>,
          %get3A_323 = vector.shape_cast %get3A_322 : vector<16xf32> to vector<16xf32>
          %add3A_324 = arith.addf %get3A_318, %get3A_323 : vector<16xf32>
          %add3A_325 = arith.constant 16 : i32
          %add3A_326 = arith.addi %shift_left3A_153, %add3A_325 : i32
          %get3A_327 = arith.index_cast %add3A_326 : i32 to index
          %get3A_328 = tpu.vector_load %arg7[%get3A_327] {strides = array<i32>} : memref<62528xf32, #tpu.memory_space<vmem>>, vector<16xf32>,
          %get3A_329 = vector.shape_cast %get3A_328 : vector<16xf32> to vector<16xf32>
          %add3A_330 = arith.constant 16 : i32
          %add3A_331 = arith.addi %shift_left3A_157, %add3A_330 : i32
          %get3A_332 = arith.index_cast %add3A_331 : i32 to index
          %get3A_333 = tpu.vector_load %arg8[%get3A_332] {strides = array<i32>} : memref<65536xf32, #tpu.memory_space<vmem>>, vector<16xf32>,
          %get3A_334 = vector.shape_cast %get3A_333 : vector<16xf32> to vector<16xf32>
          %add3A_335 = arith.addf %get3A_329, %get3A_334 : vector<16xf32>
          %add3A_336 = arith.constant 16 : i32
          %add3A_337 = arith.addi %shift_left3A_163, %add3A_336 : i32
          %get3A_338 = arith.index_cast %add3A_337 : i32 to index
          %get3A_339 = tpu.vector_load %arg7[%get3A_338] {strides = array<i32>} : memref<62528xf32, #tpu.memory_space<vmem>>, vector<16xf32>,
          %get3A_340 = vector.shape_cast %get3A_339 : vector<16xf32> to vector<16xf32>
          %add3A_341 = arith.constant 16 : i32
          %add3A_342 = arith.addi %shift_left3A_167, %add3A_341 : i32
          %get3A_343 = arith.index_cast %add3A_342 : i32 to index
          %get3A_344 = tpu.vector_load %arg8[%get3A_343] {strides = array<i32>} : memref<65536xf32, #tpu.memory_space<vmem>>, vector<16xf32>,
          %get3A_345 = vector.shape_cast %get3A_344 : vector<16xf32> to vector<16xf32>
          %add3A_346 = arith.addf %get3A_340, %get3A_345 : vector<16xf32>
          %add3A_347 = arith.constant 16 : i32
          %add3A_348 = arith.addi %shift_left3A_173, %add3A_347 : i32
          %get3A_349 = arith.index_cast %add3A_348 : i32 to index
          %get3A_350 = tpu.vector_load %arg7[%get3A_349] {strides = array<i32>} : memref<62528xf32, #tpu.memory_space<vmem>>, vector<16xf32>,
          %get3A_351 = vector.shape_cast %get3A_350 : vector<16xf32> to vector<16xf32>
          %add3A_352 = arith.constant 16 : i32
          %add3A_353 = arith.addi %shift_left3A_177, %add3A_352 : i32
          %get3A_354 = arith.index_cast %add3A_353 : i32 to index
          %get3A_355 = tpu.vector_load %arg8[%get3A_354] {strides = array<i32>} : memref<65536xf32, #tpu.memory_space<vmem>>, vector<16xf32>,
          %get3A_356 = vector.shape_cast %get3A_355 : vector<16xf32> to vector<16xf32>
          %add3A_357 = arith.addf %get3A_351, %get3A_356 : vector<16xf32>
          %add3A_358 = arith.constant 16 : i32
          %add3A_359 = arith.addi %shift_left3A_183, %add3A_358 : i32
          %get3A_360 = arith.index_cast %add3A_359 : i32 to index
          %get3A_361 = tpu.vector_load %arg7[%get3A_360] {strides = array<i32>} : memref<62528xf32, #tpu.memory_space<vmem>>, vector<16xf32>,
          %get3A_362 = vector.shape_cast %get3A_361 : vector<16xf32> to vector<16xf32>
          %add3A_363 = arith.constant 16 : i32
          %add3A_364 = arith.addi %shift_left3A_187, %add3A_363 : i32
          %get3A_365 = arith.index_cast %add3A_364 : i32 to index
          %get3A_366 = tpu.vector_load %arg8[%get3A_365] {strides = array<i32>} : memref<65536xf32, #tpu.memory_space<vmem>>, vector<16xf32>,
          %get3A_367 = vector.shape_cast %get3A_366 : vector<16xf32> to vector<16xf32>
          %add3A_368 = arith.addf %get3A_362, %get3A_367 : vector<16xf32>
          %add3A_369 = arith.constant 16 : i32
          %add3A_370 = arith.addi %shift_left3A_193, %add3A_369 : i32
          %get3A_371 = arith.index_cast %add3A_370 : i32 to index
          %get3A_372 = tpu.vector_load %arg7[%get3A_371] {strides = array<i32>} : memref<62528xf32, #tpu.memory_space<vmem>>, vector<16xf32>,
          %get3A_373 = vector.shape_cast %get3A_372 : vector<16xf32> to vector<16xf32>
          %add3A_374 = arith.constant 16 : i32
          %add3A_375 = arith.addi %shift_left3A_197, %add3A_374 : i32
          %get3A_376 = arith.index_cast %add3A_375 : i32 to index
          %get3A_377 = tpu.vector_load %arg8[%get3A_376] {strides = array<i32>} : memref<65536xf32, #tpu.memory_space<vmem>>, vector<16xf32>,
          %get3A_378 = vector.shape_cast %get3A_377 : vector<16xf32> to vector<16xf32>
          %add3A_379 = arith.addf %get3A_373, %get3A_378 : vector<16xf32>
          %add3A_380 = arith.constant 16 : i32
          %add3A_381 = arith.addi %shift_left3A_203, %add3A_380 : i32
          %get3A_382 = arith.index_cast %add3A_381 : i32 to index
          %get3A_383 = tpu.vector_load %arg7[%get3A_382] {strides = array<i32>} : memref<62528xf32, #tpu.memory_space<vmem>>, vector<16xf32>,
          %get3A_384 = vector.shape_cast %get3A_383 : vector<16xf32> to vector<16xf32>
          %add3A_385 = arith.constant 16 : i32
          %add3A_386 = arith.addi %shift_left3A_207, %add3A_385 : i32
          %get3A_387 = arith.index_cast %add3A_386 : i32 to index
          %get3A_388 = tpu.vector_load %arg8[%get3A_387] {strides = array<i32>} : memref<65536xf32, #tpu.memory_space<vmem>>, vector<16xf32>,
          %get3A_389 = vector.shape_cast %get3A_388 : vector<16xf32> to vector<16xf32>
          %add3A_390 = arith.addf %get3A_384, %get3A_389 : vector<16xf32>
          %add3A_391 = arith.constant 16 : i32
          %add3A_392 = arith.addi %shift_left3A_213, %add3A_391 : i32
          %get3A_393 = arith.index_cast %add3A_392 : i32 to index
          %get3A_394 = tpu.vector_load %arg7[%get3A_393] {strides = array<i32>} : memref<62528xf32, #tpu.memory_space<vmem>>, vector<16xf32>,
          %get3A_395 = vector.shape_cast %get3A_394 : vector<16xf32> to vector<16xf32>
          %add3A_396 = arith.constant 16 : i32
          %add3A_397 = arith.addi %shift_left3A_217, %add3A_396 : i32
          %get3A_398 = arith.index_cast %add3A_397 : i32 to index
          %get3A_399 = tpu.vector_load %arg8[%get3A_398] {strides = array<i32>} : memref<65536xf32, #tpu.memory_space<vmem>>, vector<16xf32>,
          %get3A_400 = vector.shape_cast %get3A_399 : vector<16xf32> to vector<16xf32>
          %add3A_401 = arith.addf %get3A_395, %get3A_400 : vector<16xf32>
          %add3A_402 = arith.addf %add3A_324, %add3A_335 : vector<16xf32>
          %add3A_403 = arith.addf %add3A_346, %add3A_357 : vector<16xf32>
          %add3A_404 = arith.addf %add3A_368, %add3A_379 : vector<16xf32>
          %add3A_405 = arith.addf %add3A_390, %add3A_401 : vector<16xf32>
          %add3A_406 = arith.addf %add3A_402, %add3A_403 : vector<16xf32>
          %add3A_407 = arith.addf %add3A_404, %add3A_405 : vector<16xf32>
          %add3A_408 = arith.addf %add3A_406, %add3A_407 : vector<16xf32>
          %add3A_409 = arith.addf %while3A_129, %add3A_408 : vector<16xf32>
          %add3A_410 = arith.constant 32 : i32
          %add3A_411 = arith.addi %shift_left3A_143, %add3A_410 : i32
          %get3A_412 = arith.index_cast %add3A_411 : i32 to index
          %get3A_413 = tpu.vector_load %arg7[%get3A_412] {strides = array<i32>} : memref<62528xf32, #tpu.memory_space<vmem>>, vector<16xf32>,
          %get3A_414 = vector.shape_cast %get3A_413 : vector<16xf32> to vector<16xf32>
          %add3A_415 = arith.constant 32 : i32
          %add3A_416 = arith.addi %shift_left3A_147, %add3A_415 : i32
          %get3A_417 = arith.index_cast %add3A_416 : i32 to index
          %get3A_418 = tpu.vector_load %arg8[%get3A_417] {strides = array<i32>} : memref<65536xf32, #tpu.memory_space<vmem>>, vector<16xf32>,
          %get3A_419 = vector.shape_cast %get3A_418 : vector<16xf32> to vector<16xf32>
          %add3A_420 = arith.addf %get3A_414, %get3A_419 : vector<16xf32>
          %add3A_421 = arith.constant 32 : i32
          %add3A_422 = arith.addi %shift_left3A_153, %add3A_421 : i32
          %get3A_423 = arith.index_cast %add3A_422 : i32 to index
          %get3A_424 = tpu.vector_load %arg7[%get3A_423] {strides = array<i32>} : memref<62528xf32, #tpu.memory_space<vmem>>, vector<16xf32>,
          %get3A_425 = vector.shape_cast %get3A_424 : vector<16xf32> to vector<16xf32>
          %add3A_426 = arith.constant 32 : i32
          %add3A_427 = arith.addi %shift_left3A_157, %add3A_426 : i32
          %get3A_428 = arith.index_cast %add3A_427 : i32 to index
          %get3A_429 = tpu.vector_load %arg8[%get3A_428] {strides = array<i32>} : memref<65536xf32, #tpu.memory_space<vmem>>, vector<16xf32>,
          %get3A_430 = vector.shape_cast %get3A_429 : vector<16xf32> to vector<16xf32>
          %add3A_431 = arith.addf %get3A_425, %get3A_430 : vector<16xf32>
          %add3A_432 = arith.constant 32 : i32
          %add3A_433 = arith.addi %shift_left3A_163, %add3A_432 : i32
          %get3A_434 = arith.index_cast %add3A_433 : i32 to index
          %get3A_435 = tpu.vector_load %arg7[%get3A_434] {strides = array<i32>} : memref<62528xf32, #tpu.memory_space<vmem>>, vector<16xf32>,
          %get3A_436 = vector.shape_cast %get3A_435 : vector<16xf32> to vector<16xf32>
          %add3A_437 = arith.constant 32 : i32
          %add3A_438 = arith.addi %shift_left3A_167, %add3A_437 : i32
          %get3A_439 = arith.index_cast %add3A_438 : i32 to index
          %get3A_440 = tpu.vector_load %arg8[%get3A_439] {strides = array<i32>} : memref<65536xf32, #tpu.memory_space<vmem>>, vector<16xf32>,
          %get3A_441 = vector.shape_cast %get3A_440 : vector<16xf32> to vector<16xf32>
          %add3A_442 = arith.addf %get3A_436, %get3A_441 : vector<16xf32>
          %add3A_443 = arith.constant 32 : i32
          %add3A_444 = arith.addi %shift_left3A_173, %add3A_443 : i32
          %get3A_445 = arith.index_cast %add3A_444 : i32 to index
          %get3A_446 = tpu.vector_load %arg7[%get3A_445] {strides = array<i32>} : memref<62528xf32, #tpu.memory_space<vmem>>, vector<16xf32>,
          %get3A_447 = vector.shape_cast %get3A_446 : vector<16xf32> to vector<16xf32>
          %add3A_448 = arith.constant 32 : i32
          %add3A_449 = arith.addi %shift_left3A_177, %add3A_448 : i32
          %get3A_450 = arith.index_cast %add3A_449 : i32 to index
          %get3A_451 = tpu.vector_load %arg8[%get3A_450] {strides = array<i32>} : memref<65536xf32, #tpu.memory_space<vmem>>, vector<16xf32>,
          %get3A_452 = vector.shape_cast %get3A_451 : vector<16xf32> to vector<16xf32>
          %add3A_453 = arith.addf %get3A_447, %get3A_452 : vector<16xf32>
          %add3A_454 = arith.constant 32 : i32
          %add3A_455 = arith.addi %shift_left3A_183, %add3A_454 : i32
          %get3A_456 = arith.index_cast %add3A_455 : i32 to index
          %get3A_457 = tpu.vector_load %arg7[%get3A_456] {strides = array<i32>} : memref<62528xf32, #tpu.memory_space<vmem>>, vector<16xf32>,
          %get3A_458 = vector.shape_cast %get3A_457 : vector<16xf32> to vector<16xf32>
          %add3A_459 = arith.constant 32 : i32
          %add3A_460 = arith.addi %shift_left3A_187, %add3A_459 : i32
          %get3A_461 = arith.index_cast %add3A_460 : i32 to index
          %get3A_462 = tpu.vector_load %arg8[%get3A_461] {strides = array<i32>} : memref<65536xf32, #tpu.memory_space<vmem>>, vector<16xf32>,
          %get3A_463 = vector.shape_cast %get3A_462 : vector<16xf32> to vector<16xf32>
          %add3A_464 = arith.addf %get3A_458, %get3A_463 : vector<16xf32>
          %add3A_465 = arith.constant 32 : i32
          %add3A_466 = arith.addi %shift_left3A_193, %add3A_465 : i32
          %get3A_467 = arith.index_cast %add3A_466 : i32 to index
          %get3A_468 = tpu.vector_load %arg7[%get3A_467] {strides = array<i32>} : memref<62528xf32, #tpu.memory_space<vmem>>, vector<16xf32>,
          %get3A_469 = vector.shape_cast %get3A_468 : vector<16xf32> to vector<16xf32>
          %add3A_470 = arith.constant 32 : i32
          %add3A_471 = arith.addi %shift_left3A_197, %add3A_470 : i32
          %get3A_472 = arith.index_cast %add3A_471 : i32 to index
          %get3A_473 = tpu.vector_load %arg8[%get3A_472] {strides = array<i32>} : memref<65536xf32, #tpu.memory_space<vmem>>, vector<16xf32>,
          %get3A_474 = vector.shape_cast %get3A_473 : vector<16xf32> to vector<16xf32>
          %add3A_475 = arith.addf %get3A_469, %get3A_474 : vector<16xf32>
          %add3A_476 = arith.constant 32 : i32
          %add3A_477 = arith.addi %shift_left3A_203, %add3A_476 : i32
          %get3A_478 = arith.index_cast %add3A_477 : i32 to index
          %get3A_479 = tpu.vector_load %arg7[%get3A_478] {strides = array<i32>} : memref<62528xf32, #tpu.memory_space<vmem>>, vector<16xf32>,
          %get3A_480 = vector.shape_cast %get3A_479 : vector<16xf32> to vector<16xf32>
          %add3A_481 = arith.constant 32 : i32
          %add3A_482 = arith.addi %shift_left3A_207, %add3A_481 : i32
          %get3A_483 = arith.index_cast %add3A_482 : i32 to index
          %get3A_484 = tpu.vector_load %arg8[%get3A_483] {strides = array<i32>} : memref<65536xf32, #tpu.memory_space<vmem>>, vector<16xf32>,
          %get3A_485 = vector.shape_cast %get3A_484 : vector<16xf32> to vector<16xf32>
          %add3A_486 = arith.addf %get3A_480, %get3A_485 : vector<16xf32>
          %add3A_487 = arith.constant 32 : i32
          %add3A_488 = arith.addi %shift_left3A_213, %add3A_487 : i32
          %get3A_489 = arith.index_cast %add3A_488 : i32 to index
          %get3A_490 = tpu.vector_load %arg7[%get3A_489] {strides = array<i32>} : memref<62528xf32, #tpu.memory_space<vmem>>, vector<16xf32>,
          %get3A_491 = vector.shape_cast %get3A_490 : vector<16xf32> to vector<16xf32>
          %add3A_492 = arith.constant 32 : i32
          %add3A_493 = arith.addi %shift_left3A_217, %add3A_492 : i32
          %get3A_494 = arith.index_cast %add3A_493 : i32 to index
          %get3A_495 = tpu.vector_load %arg8[%get3A_494] {strides = array<i32>} : memref<65536xf32, #tpu.memory_space<vmem>>, vector<16xf32>,
          %get3A_496 = vector.shape_cast %get3A_495 : vector<16xf32> to vector<16xf32>
          %add3A_497 = arith.addf %get3A_491, %get3A_496 : vector<16xf32>
          %add3A_498 = arith.addf %add3A_420, %add3A_431 : vector<16xf32>
          %add3A_499 = arith.addf %add3A_442, %add3A_453 : vector<16xf32>
          %add3A_500 = arith.addf %add3A_464, %add3A_475 : vector<16xf32>
          %add3A_501 = arith.addf %add3A_486, %add3A_497 : vector<16xf32>
          %add3A_502 = arith.addf %add3A_498, %add3A_499 : vector<16xf32>
          %add3A_503 = arith.addf %add3A_500, %add3A_501 : vector<16xf32>
          %add3A_504 = arith.addf %add3A_502, %add3A_503 : vector<16xf32>
          %add3A_505 = arith.addf %while3A_130, %add3A_504 : vector<16xf32>
          %add3A_506 = arith.constant 48 : i32
          %add3A_507 = arith.addi %shift_left3A_143, %add3A_506 : i32
          %get3A_508 = arith.index_cast %add3A_507 : i32 to index
          %get3A_509 = tpu.vector_load %arg7[%get3A_508] {strides = array<i32>} : memref<62528xf32, #tpu.memory_space<vmem>>, vector<16xf32>,
          %get3A_510 = vector.shape_cast %get3A_509 : vector<16xf32> to vector<16xf32>
          %add3A_511 = arith.constant 48 : i32
          %add3A_512 = arith.addi %shift_left3A_147, %add3A_511 : i32
          %get3A_513 = arith.index_cast %add3A_512 : i32 to index
          %get3A_514 = tpu.vector_load %arg8[%get3A_513] {strides = array<i32>} : memref<65536xf32, #tpu.memory_space<vmem>>, vector<16xf32>,
          %get3A_515 = vector.shape_cast %get3A_514 : vector<16xf32> to vector<16xf32>
          %add3A_516 = arith.addf %get3A_510, %get3A_515 : vector<16xf32>
          %add3A_517 = arith.constant 48 : i32
          %add3A_518 = arith.addi %shift_left3A_153, %add3A_517 : i32
          %get3A_519 = arith.index_cast %add3A_518 : i32 to index
          %get3A_520 = tpu.vector_load %arg7[%get3A_519] {strides = array<i32>} : memref<62528xf32, #tpu.memory_space<vmem>>, vector<16xf32>,
          %get3A_521 = vector.shape_cast %get3A_520 : vector<16xf32> to vector<16xf32>
          %add3A_522 = arith.constant 48 : i32
          %add3A_523 = arith.addi %shift_left3A_157, %add3A_522 : i32
          %get3A_524 = arith.index_cast %add3A_523 : i32 to index
          %get3A_525 = tpu.vector_load %arg8[%get3A_524] {strides = array<i32>} : memref<65536xf32, #tpu.memory_space<vmem>>, vector<16xf32>,
          %get3A_526 = vector.shape_cast %get3A_525 : vector<16xf32> to vector<16xf32>
          %add3A_527 = arith.addf %get3A_521, %get3A_526 : vector<16xf32>
          %add3A_528 = arith.constant 48 : i32
          %add3A_529 = arith.addi %shift_left3A_163, %add3A_528 : i32
          %get3A_530 = arith.index_cast %add3A_529 : i32 to index
          %get3A_531 = tpu.vector_load %arg7[%get3A_530] {strides = array<i32>} : memref<62528xf32, #tpu.memory_space<vmem>>, vector<16xf32>,
          %get3A_532 = vector.shape_cast %get3A_531 : vector<16xf32> to vector<16xf32>
          %add3A_533 = arith.constant 48 : i32
          %add3A_534 = arith.addi %shift_left3A_167, %add3A_533 : i32
          %get3A_535 = arith.index_cast %add3A_534 : i32 to index
          %get3A_536 = tpu.vector_load %arg8[%get3A_535] {strides = array<i32>} : memref<65536xf32, #tpu.memory_space<vmem>>, vector<16xf32>,
          %get3A_537 = vector.shape_cast %get3A_536 : vector<16xf32> to vector<16xf32>
          %add3A_538 = arith.addf %get3A_532, %get3A_537 : vector<16xf32>
          %add3A_539 = arith.constant 48 : i32
          %add3A_540 = arith.addi %shift_left3A_173, %add3A_539 : i32
          %get3A_541 = arith.index_cast %add3A_540 : i32 to index
          %get3A_542 = tpu.vector_load %arg7[%get3A_541] {strides = array<i32>} : memref<62528xf32, #tpu.memory_space<vmem>>, vector<16xf32>,
          %get3A_543 = vector.shape_cast %get3A_542 : vector<16xf32> to vector<16xf32>
          %add3A_544 = arith.constant 48 : i32
          %add3A_545 = arith.addi %shift_left3A_177, %add3A_544 : i32
          %get3A_546 = arith.index_cast %add3A_545 : i32 to index
          %get3A_547 = tpu.vector_load %arg8[%get3A_546] {strides = array<i32>} : memref<65536xf32, #tpu.memory_space<vmem>>, vector<16xf32>,
          %get3A_548 = vector.shape_cast %get3A_547 : vector<16xf32> to vector<16xf32>
          %add3A_549 = arith.addf %get3A_543, %get3A_548 : vector<16xf32>
          %add3A_550 = arith.constant 48 : i32
          %add3A_551 = arith.addi %shift_left3A_183, %add3A_550 : i32
          %get3A_552 = arith.index_cast %add3A_551 : i32 to index
          %get3A_553 = tpu.vector_load %arg7[%get3A_552] {strides = array<i32>} : memref<62528xf32, #tpu.memory_space<vmem>>, vector<16xf32>,
          %get3A_554 = vector.shape_cast %get3A_553 : vector<16xf32> to vector<16xf32>
          %add3A_555 = arith.constant 48 : i32
          %add3A_556 = arith.addi %shift_left3A_187, %add3A_555 : i32
          %get3A_557 = arith.index_cast %add3A_556 : i32 to index
          %get3A_558 = tpu.vector_load %arg8[%get3A_557] {strides = array<i32>} : memref<65536xf32, #tpu.memory_space<vmem>>, vector<16xf32>,
          %get3A_559 = vector.shape_cast %get3A_558 : vector<16xf32> to vector<16xf32>
          %add3A_560 = arith.addf %get3A_554, %get3A_559 : vector<16xf32>
          %add3A_561 = arith.constant 48 : i32
          %add3A_562 = arith.addi %shift_left3A_193, %add3A_561 : i32
          %get3A_563 = arith.index_cast %add3A_562 : i32 to index
          %get3A_564 = tpu.vector_load %arg7[%get3A_563] {strides = array<i32>} : memref<62528xf32, #tpu.memory_space<vmem>>, vector<16xf32>,
          %get3A_565 = vector.shape_cast %get3A_564 : vector<16xf32> to vector<16xf32>
          %add3A_566 = arith.constant 48 : i32
          %add3A_567 = arith.addi %shift_left3A_197, %add3A_566 : i32
          %get3A_568 = arith.index_cast %add3A_567 : i32 to index
          %get3A_569 = tpu.vector_load %arg8[%get3A_568] {strides = array<i32>} : memref<65536xf32, #tpu.memory_space<vmem>>, vector<16xf32>,
          %get3A_570 = vector.shape_cast %get3A_569 : vector<16xf32> to vector<16xf32>
          %add3A_571 = arith.addf %get3A_565, %get3A_570 : vector<16xf32>
          %add3A_572 = arith.constant 48 : i32
          %add3A_573 = arith.addi %shift_left3A_203, %add3A_572 : i32
          %get3A_574 = arith.index_cast %add3A_573 : i32 to index
          %get3A_575 = tpu.vector_load %arg7[%get3A_574] {strides = array<i32>} : memref<62528xf32, #tpu.memory_space<vmem>>, vector<16xf32>,
          %get3A_576 = vector.shape_cast %get3A_575 : vector<16xf32> to vector<16xf32>
          %add3A_577 = arith.constant 48 : i32
          %add3A_578 = arith.addi %shift_left3A_207, %add3A_577 : i32
          %get3A_579 = arith.index_cast %add3A_578 : i32 to index
          %get3A_580 = tpu.vector_load %arg8[%get3A_579] {strides = array<i32>} : memref<65536xf32, #tpu.memory_space<vmem>>, vector<16xf32>,
          %get3A_581 = vector.shape_cast %get3A_580 : vector<16xf32> to vector<16xf32>
          %add3A_582 = arith.addf %get3A_576, %get3A_581 : vector<16xf32>
          %add3A_583 = arith.constant 48 : i32
          %add3A_584 = arith.addi %shift_left3A_213, %add3A_583 : i32
          %get3A_585 = arith.index_cast %add3A_584 : i32 to index
          %get3A_586 = tpu.vector_load %arg7[%get3A_585] {strides = array<i32>} : memref<62528xf32, #tpu.memory_space<vmem>>, vector<16xf32>,
          %get3A_587 = vector.shape_cast %get3A_586 : vector<16xf32> to vector<16xf32>
          %add3A_588 = arith.constant 48 : i32
          %add3A_589 = arith.addi %shift_left3A_217, %add3A_588 : i32
          %get3A_590 = arith.index_cast %add3A_589 : i32 to index
          %get3A_591 = tpu.vector_load %arg8[%get3A_590] {strides = array<i32>} : memref<65536xf32, #tpu.memory_space<vmem>>, vector<16xf32>,
          %get3A_592 = vector.shape_cast %get3A_591 : vector<16xf32> to vector<16xf32>
          %add3A_593 = arith.addf %get3A_587, %get3A_592 : vector<16xf32>
          %add3A_594 = arith.addf %add3A_516, %add3A_527 : vector<16xf32>
          %add3A_595 = arith.addf %add3A_538, %add3A_549 : vector<16xf32>
          %add3A_596 = arith.addf %add3A_560, %add3A_571 : vector<16xf32>
          %add3A_597 = arith.addf %add3A_582, %add3A_593 : vector<16xf32>
          %add3A_598 = arith.addf %add3A_594, %add3A_595 : vector<16xf32>
          %add3A_599 = arith.addf %add3A_596, %add3A_597 : vector<16xf32>
          %add3A_600 = arith.addf %add3A_598, %add3A_599 : vector<16xf32>
          %add3A_601 = arith.addf %while3A_131, %add3A_600 : vector<16xf32>
          scf.yield %add3A_313, %add3A_409, %add3A_505, %add3A_601 : vector<16xf32>, vector<16xf32>, vector<16xf32>, vector<16xf32>
        }
        %shift_left3A_114 = arith.constant 3 : i32
        %shift_left3A_115 = arith.shli %shift_right_logical3A_102, %shift_left3A_114 : i32
        %add3A_116 = arith.addi %add3A_85, %shift_left3A_115 : i32
        %while3A_117 = arith.subi %min3A, %add3A_116 : i32
        %while3A_118 = arith.addi %add3A_116, %while3A_117 : i32
        %while3A_119 = arith.constant 1 : i32
        %while3A_120 = arith.divsi %while3A_117, %while3A_119 : i32
        %while3A_121 = arith.muli %while3A_120, %while3A_119 : i32
        %while3A_122 = arith.addi %add3A_116, %while3A_121 : i32
        %while3A_123 = arith.constant 1 : i32
        %while3A_124:4 = scf.for %while3A_127 = %add3A_116 to %while3A_122 step %while3A_123 iter_args(%while3A_128 = %while3A_113#0, %while3A_129 = %while3A_113#1, %while3A_130 = %while3A_113#2, %while3A_131 = %while3A_113#3) -> (vector<16xf32>, vector<16xf32>, vector<16xf32>, vector<16xf32>)  : i32 {
          %sub3A_132 = arith.subi %while3A_127, %multiple_of3A_95 : i32
          %get3A_133 = arith.index_cast %sub3A_132 : i32 to index
          %get3A_134 = tpu.vector_load %arg11[%get3A_133] {strides = array<i32>} : memref<1040xi32, #tpu.memory_space<vmem>>, vector<16xi32>,
          %get3A_135 = vector.shape_cast %get3A_134 : vector<16xi32> to vector<16xi32>
          %slice3A_136 = vector.extract_strided_slice %get3A_135 {offsets = [0], sizes = [1], strides = [1]} : vector<16xi32> to vector<1xi32>
          %squeeze3A_137 = vector.extract %slice3A_136[0] : i32 from vector<1xi32>
          %shift_right_logical3A_138 = arith.constant 10 : i32
          %shift_right_logical3A_139 = arith.shrui %squeeze3A_137, %shift_right_logical3A_138 : i32
          %shift_left3A_140 = arith.constant 6 : i32
          %shift_left3A_141 = arith.shli %shift_right_logical3A_139, %shift_left3A_140 : i32
          %and3A_142 = arith.constant 1023 : i32
          %and3A_143 = arith.andi %squeeze3A_137, %and3A_142 : i32
          %shift_left3A_144 = arith.constant 6 : i32
          %shift_left3A_145 = arith.shli %and3A_143, %shift_left3A_144 : i32
          %add3A_146 = arith.constant 0 : i32
          %add3A_147 = arith.addi %shift_left3A_141, %add3A_146 : i32
          %get3A_148 = arith.index_cast %add3A_147 : i32 to index
          %get3A_149 = tpu.vector_load %arg7[%get3A_148] {strides = array<i32>} : memref<62528xf32, #tpu.memory_space<vmem>>, vector<16xf32>,
          %get3A_150 = vector.shape_cast %get3A_149 : vector<16xf32> to vector<16xf32>
          %add3A_151 = arith.constant 0 : i32
          %add3A_152 = arith.addi %shift_left3A_145, %add3A_151 : i32
          %get3A_153 = arith.index_cast %add3A_152 : i32 to index
          %get3A_154 = tpu.vector_load %arg8[%get3A_153] {strides = array<i32>} : memref<65536xf32, #tpu.memory_space<vmem>>, vector<16xf32>,
          %get3A_155 = vector.shape_cast %get3A_154 : vector<16xf32> to vector<16xf32>
          %add3A_156 = arith.addf %get3A_150, %get3A_155 : vector<16xf32>
          %add3A_157 = arith.addf %while3A_128, %add3A_156 : vector<16xf32>
          %add3A_158 = arith.constant 16 : i32
          %add3A_159 = arith.addi %shift_left3A_141, %add3A_158 : i32
          %get3A_160 = arith.index_cast %add3A_159 : i32 to index
          %get3A_161 = tpu.vector_load %arg7[%get3A_160] {strides = array<i32>} : memref<62528xf32, #tpu.memory_space<vmem>>, vector<16xf32>,
          %get3A_162 = vector.shape_cast %get3A_161 : vector<16xf32> to vector<16xf32>
          %add3A_163 = arith.constant 16 : i32
          %add3A_164 = arith.addi %shift_left3A_145, %add3A_163 : i32
          %get3A_165 = arith.index_cast %add3A_164 : i32 to index
          %get3A_166 = tpu.vector_load %arg8[%get3A_165] {strides = array<i32>} : memref<65536xf32, #tpu.memory_space<vmem>>, vector<16xf32>,
          %get3A_167 = vector.shape_cast %get3A_166 : vector<16xf32> to vector<16xf32>
          %add3A_168 = arith.addf %get3A_162, %get3A_167 : vector<16xf32>
          %add3A_169 = arith.addf %while3A_129, %add3A_168 : vector<16xf32>
          %add3A_170 = arith.constant 32 : i32
          %add3A_171 = arith.addi %shift_left3A_141, %add3A_170 : i32
          %get3A_172 = arith.index_cast %add3A_171 : i32 to index
          %get3A_173 = tpu.vector_load %arg7[%get3A_172] {strides = array<i32>} : memref<62528xf32, #tpu.memory_space<vmem>>, vector<16xf32>,
          %get3A_174 = vector.shape_cast %get3A_173 : vector<16xf32> to vector<16xf32>
          %add3A_175 = arith.constant 32 : i32
          %add3A_176 = arith.addi %shift_left3A_145, %add3A_175 : i32
          %get3A_177 = arith.index_cast %add3A_176 : i32 to index
          %get3A_178 = tpu.vector_load %arg8[%get3A_177] {strides = array<i32>} : memref<65536xf32, #tpu.memory_space<vmem>>, vector<16xf32>,
          %get3A_179 = vector.shape_cast %get3A_178 : vector<16xf32> to vector<16xf32>
          %add3A_180 = arith.addf %get3A_174, %get3A_179 : vector<16xf32>
          %add3A_181 = arith.addf %while3A_130, %add3A_180 : vector<16xf32>
          %add3A_182 = arith.constant 48 : i32
          %add3A_183 = arith.addi %shift_left3A_141, %add3A_182 : i32
          %get3A_184 = arith.index_cast %add3A_183 : i32 to index
          %get3A_185 = tpu.vector_load %arg7[%get3A_184] {strides = array<i32>} : memref<62528xf32, #tpu.memory_space<vmem>>, vector<16xf32>,
          %get3A_186 = vector.shape_cast %get3A_185 : vector<16xf32> to vector<16xf32>
          %add3A_187 = arith.constant 48 : i32
          %add3A_188 = arith.addi %shift_left3A_145, %add3A_187 : i32
          %get3A_189 = arith.index_cast %add3A_188 : i32 to index
          %get3A_190 = tpu.vector_load %arg8[%get3A_189] {strides = array<i32>} : memref<65536xf32, #tpu.memory_space<vmem>>, vector<16xf32>,
          %get3A_191 = vector.shape_cast %get3A_190 : vector<16xf32> to vector<16xf32>
          %add3A_192 = arith.addf %get3A_186, %get3A_191 : vector<16xf32>
          %add3A_193 = arith.addf %while3A_131, %add3A_192 : vector<16xf32>
          scf.yield %add3A_157, %add3A_169, %add3A_181, %add3A_193 : vector<16xf32>, vector<16xf32>, vector<16xf32>, vector<16xf32>
        }
        %while3A_125 = arith.constant 1 : i32
        %while3A_126:4 = scf.for %while3A_127 = %while3A_122 to %while3A_118 step %while3A_125 iter_args(%while3A_128 = %while3A_124#0, %while3A_129 = %while3A_124#1, %while3A_130 = %while3A_124#2, %while3A_131 = %while3A_124#3) -> (vector<16xf32>, vector<16xf32>, vector<16xf32>, vector<16xf32>)  : i32 {
          %sub3A_132 = arith.subi %while3A_127, %multiple_of3A_95 : i32
          %get3A_133 = arith.index_cast %sub3A_132 : i32 to index
          %get3A_134 = tpu.vector_load %arg11[%get3A_133] {strides = array<i32>} : memref<1040xi32, #tpu.memory_space<vmem>>, vector<16xi32>,
          %get3A_135 = vector.shape_cast %get3A_134 : vector<16xi32> to vector<16xi32>
          %slice3A_136 = vector.extract_strided_slice %get3A_135 {offsets = [0], sizes = [1], strides = [1]} : vector<16xi32> to vector<1xi32>
          %squeeze3A_137 = vector.extract %slice3A_136[0] : i32 from vector<1xi32>
          %shift_right_logical3A_138 = arith.constant 10 : i32
          %shift_right_logical3A_139 = arith.shrui %squeeze3A_137, %shift_right_logical3A_138 : i32
          %shift_left3A_140 = arith.constant 6 : i32
          %shift_left3A_141 = arith.shli %shift_right_logical3A_139, %shift_left3A_140 : i32
          %and3A_142 = arith.constant 1023 : i32
          %and3A_143 = arith.andi %squeeze3A_137, %and3A_142 : i32
          %shift_left3A_144 = arith.constant 6 : i32
          %shift_left3A_145 = arith.shli %and3A_143, %shift_left3A_144 : i32
          %add3A_146 = arith.constant 0 : i32
          %add3A_147 = arith.addi %shift_left3A_141, %add3A_146 : i32
          %get3A_148 = arith.index_cast %add3A_147 : i32 to index
          %get3A_149 = tpu.vector_load %arg7[%get3A_148] {strides = array<i32>} : memref<62528xf32, #tpu.memory_space<vmem>>, vector<16xf32>,
          %get3A_150 = vector.shape_cast %get3A_149 : vector<16xf32> to vector<16xf32>
          %add3A_151 = arith.constant 0 : i32
          %add3A_152 = arith.addi %shift_left3A_145, %add3A_151 : i32
          %get3A_153 = arith.index_cast %add3A_152 : i32 to index
          %get3A_154 = tpu.vector_load %arg8[%get3A_153] {strides = array<i32>} : memref<65536xf32, #tpu.memory_space<vmem>>, vector<16xf32>,
          %get3A_155 = vector.shape_cast %get3A_154 : vector<16xf32> to vector<16xf32>
          %add3A_156 = arith.addf %get3A_150, %get3A_155 : vector<16xf32>
          %add3A_157 = arith.addf %while3A_128, %add3A_156 : vector<16xf32>
          %add3A_158 = arith.constant 16 : i32
          %add3A_159 = arith.addi %shift_left3A_141, %add3A_158 : i32
          %get3A_160 = arith.index_cast %add3A_159 : i32 to index
          %get3A_161 = tpu.vector_load %arg7[%get3A_160] {strides = array<i32>} : memref<62528xf32, #tpu.memory_space<vmem>>, vector<16xf32>,
          %get3A_162 = vector.shape_cast %get3A_161 : vector<16xf32> to vector<16xf32>
          %add3A_163 = arith.constant 16 : i32
          %add3A_164 = arith.addi %shift_left3A_145, %add3A_163 : i32
          %get3A_165 = arith.index_cast %add3A_164 : i32 to index
          %get3A_166 = tpu.vector_load %arg8[%get3A_165] {strides = array<i32>} : memref<65536xf32, #tpu.memory_space<vmem>>, vector<16xf32>,
          %get3A_167 = vector.shape_cast %get3A_166 : vector<16xf32> to vector<16xf32>
          %add3A_168 = arith.addf %get3A_162, %get3A_167 : vector<16xf32>
          %add3A_169 = arith.addf %while3A_129, %add3A_168 : vector<16xf32>
          %add3A_170 = arith.constant 32 : i32
          %add3A_171 = arith.addi %shift_left3A_141, %add3A_170 : i32
          %get3A_172 = arith.index_cast %add3A_171 : i32 to index
          %get3A_173 = tpu.vector_load %arg7[%get3A_172] {strides = array<i32>} : memref<62528xf32, #tpu.memory_space<vmem>>, vector<16xf32>,
          %get3A_174 = vector.shape_cast %get3A_173 : vector<16xf32> to vector<16xf32>
          %add3A_175 = arith.constant 32 : i32
          %add3A_176 = arith.addi %shift_left3A_145, %add3A_175 : i32
          %get3A_177 = arith.index_cast %add3A_176 : i32 to index
          %get3A_178 = tpu.vector_load %arg8[%get3A_177] {strides = array<i32>} : memref<65536xf32, #tpu.memory_space<vmem>>, vector<16xf32>,
          %get3A_179 = vector.shape_cast %get3A_178 : vector<16xf32> to vector<16xf32>
          %add3A_180 = arith.addf %get3A_174, %get3A_179 : vector<16xf32>
          %add3A_181 = arith.addf %while3A_130, %add3A_180 : vector<16xf32>
          %add3A_182 = arith.constant 48 : i32
          %add3A_183 = arith.addi %shift_left3A_141, %add3A_182 : i32
          %get3A_184 = arith.index_cast %add3A_183 : i32 to index
          %get3A_185 = tpu.vector_load %arg7[%get3A_184] {strides = array<i32>} : memref<62528xf32, #tpu.memory_space<vmem>>, vector<16xf32>,
          %get3A_186 = vector.shape_cast %get3A_185 : vector<16xf32> to vector<16xf32>
          %add3A_187 = arith.constant 48 : i32
          %add3A_188 = arith.addi %shift_left3A_145, %add3A_187 : i32
          %get3A_189 = arith.index_cast %add3A_188 : i32 to index
          %get3A_190 = tpu.vector_load %arg8[%get3A_189] {strides = array<i32>} : memref<65536xf32, #tpu.memory_space<vmem>>, vector<16xf32>,
          %get3A_191 = vector.shape_cast %get3A_190 : vector<16xf32> to vector<16xf32>
          %add3A_192 = arith.addf %get3A_186, %get3A_191 : vector<16xf32>
          %add3A_193 = arith.addf %while3A_131, %add3A_192 : vector<16xf32>
          scf.yield %add3A_157, %add3A_169, %add3A_181, %add3A_193 : vector<16xf32>, vector<16xf32>, vector<16xf32>, vector<16xf32>
        }
        scf.yield %multiple_of3A_95, %while3A_126#0, %while3A_126#1, %while3A_126#2, %while3A_126#3 : i32, vector<16xf32>, vector<16xf32>, vector<16xf32>, vector<16xf32>
      }
      %while3A_46 = arith.constant 1 : i32
      %while3A_47:5 = scf.for %while3A_78 = %while3A_43 to %while3A_39 step %while3A_46 iter_args(%while3A_79 = %while3A_45#0, %while3A_80 = %while3A_45#1, %while3A_81 = %while3A_45#2, %while3A_82 = %while3A_45#3, %while3A_83 = %while3A_45#4) -> (i32, vector<16xf32>, vector<16xf32>, vector<16xf32>, vector<16xf32>)  : i32 {
        %shift_left3A = arith.constant 9 : i32
        %shift_left3A_84 = arith.shli %while3A_78, %shift_left3A : i32
        %add3A_85 = arith.addi %squeeze3A_22, %shift_left3A_84 : i32
        %add3A_86 = arith.constant 512 : i32
        %add3A_87 = arith.addi %add3A_85, %add3A_86 : i32
        %min3A = arith.minsi %add3A_87, %select_n3A_32 : i32
        %add3A_88 = arith.constant 1024 : i32
        %add3A_89 = arith.addi %while3A_79, %add3A_88 : i32
        %gt3A = arith.cmpi sgt, %min3A, %add3A_89 : i32
        %and3A_90 = arith.constant -8 : i32
        %and3A_91 = arith.andi %add3A_85, %and3A_90 : i32
        %min3A_92 = arith.constant 818176 : i32
        %min3A_93 = arith.minsi %and3A_91, %min3A_92 : i32
        %select_n3A_94 = arith.select %gt3A, %min3A_93, %while3A_79 : i32
        %multiple_of3A_95 = tpu.assume_multiple %select_n3A_94, 8 : i32
        %convert_element_type3A_96 = arith.extui %gt3A : i1 to i32
        %cond3A_97 = arith.constant 0 : i32
        %cond3A_98 = arith.cmpi ne, %convert_element_type3A_96, %cond3A_97 : i32
        scf.if %cond3A_98 {
          "tpu.region"() ({
            %run_scoped3A = tpu.sem_alloc : memref<!tpu.dma_semaphore, #tpu.memory_space<semaphore_mem>>
            %dma_start3A = arith.constant 0 : i32
            %dma_start3A_127 = tpu.memref_slice %arg11[%dma_start3A] : memref<1040xi32, #tpu.memory_space<vmem>> -> memref<1024xi32, #tpu.memory_space<vmem>>
            %dma_start3A_128 = tpu.memref_slice %arg2[%multiple_of3A_95] : memref<819200xi32, #tpu.memory_space<hbm>> -> memref<1024xi32, #tpu.memory_space<hbm>>
            %dma_start3A_129 = arith.constant 0 : i32
            %dma_start3A_130 = tpu.memref_slice %arg11[%dma_start3A_129] : memref<1040xi32, #tpu.memory_space<vmem>> -> memref<1024xi32, #tpu.memory_space<vmem>>
            %dma_start3A_131 = tpu.memref_slice %arg2[%multiple_of3A_95] : memref<819200xi32, #tpu.memory_space<hbm>> -> memref<1024xi32, #tpu.memory_space<hbm>>
            tpu.enqueue_dma source(%dma_start3A_131 : memref<1024xi32, #tpu.memory_space<hbm>>) target(%dma_start3A_130 : memref<1024xi32, #tpu.memory_space<vmem>>) target_semaphore(%run_scoped3A : memref<!tpu.dma_semaphore, #tpu.memory_space<semaphore_mem>>)
            %dma_wait3A = arith.constant 0 : i32
            %dma_wait3A_132 = tpu.memref_slice %arg11[%dma_wait3A] : memref<1040xi32, #tpu.memory_space<vmem>> -> memref<1024xi32, #tpu.memory_space<vmem>>
            %dma_wait3A_133 = tpu.memref_slice %arg2[%multiple_of3A_95] : memref<819200xi32, #tpu.memory_space<hbm>> -> memref<1024xi32, #tpu.memory_space<hbm>>
            %dma_wait3A_134 = arith.constant 0 : i32
            %dma_wait3A_135 = tpu.memref_slice %arg11[%dma_wait3A_134] : memref<1040xi32, #tpu.memory_space<vmem>> -> memref<1024xi32, #tpu.memory_space<vmem>>
            %dma_wait3A_136 = tpu.memref_slice %arg2[%multiple_of3A_95] : memref<819200xi32, #tpu.memory_space<hbm>> -> memref<1024xi32, #tpu.memory_space<hbm>>
            tpu.wait_dma2 semaphore(%run_scoped3A : memref<!tpu.dma_semaphore, #tpu.memory_space<semaphore_mem>>) src(%dma_wait3A_136 : memref<1024xi32, #tpu.memory_space<hbm>>) dst(%dma_wait3A_135 : memref<1024xi32, #tpu.memory_space<vmem>>)
            tpu.yield
          }) : () -> ()
        } else {
        }
        %sub3A_99 = arith.subi %add3A_85, %multiple_of3A_95 : i32
        %sub3A_100 = arith.subi %min3A, %add3A_85 : i32
        %shift_right_logical3A_101 = arith.constant 3 : i32
        %shift_right_logical3A_102 = arith.shrui %sub3A_100, %shift_right_logical3A_101 : i32
        %while3A_103 = arith.constant 0 : i32
        %while3A_104 = arith.subi %shift_right_logical3A_102, %while3A_103 : i32
        %while3A_105 = arith.addi %while3A_103, %while3A_104 : i32
        %while3A_106 = arith.constant 1 : i32
        %while3A_107 = arith.divsi %while3A_104, %while3A_106 : i32
        %while3A_108 = arith.muli %while3A_107, %while3A_106 : i32
        %while3A_109 = arith.addi %while3A_103, %while3A_108 : i32
        %while3A_110 = arith.constant 1 : i32
        %while3A_111:4 = scf.for %while3A_127 = %while3A_103 to %while3A_109 step %while3A_110 iter_args(%while3A_128 = %while3A_80, %while3A_129 = %while3A_81, %while3A_130 = %while3A_82, %while3A_131 = %while3A_83) -> (vector<16xf32>, vector<16xf32>, vector<16xf32>, vector<16xf32>)  : i32 {
          %shift_left3A_132 = arith.constant 3 : i32
          %shift_left3A_133 = arith.shli %while3A_127, %shift_left3A_132 : i32
          %add3A_134 = arith.addi %sub3A_99, %shift_left3A_133 : i32
          %get3A_135 = arith.index_cast %add3A_134 : i32 to index
          %get3A_136 = tpu.vector_load %arg11[%get3A_135] {strides = array<i32>} : memref<1040xi32, #tpu.memory_space<vmem>>, vector<16xi32>,
          %get3A_137 = vector.shape_cast %get3A_136 : vector<16xi32> to vector<16xi32>
          %slice3A_138 = vector.extract_strided_slice %get3A_137 {offsets = [0], sizes = [1], strides = [1]} : vector<16xi32> to vector<1xi32>
          %squeeze3A_139 = vector.extract %slice3A_138[0] : i32 from vector<1xi32>
          %shift_right_logical3A_140 = arith.constant 10 : i32
          %shift_right_logical3A_141 = arith.shrui %squeeze3A_139, %shift_right_logical3A_140 : i32
          %shift_left3A_142 = arith.constant 6 : i32
          %shift_left3A_143 = arith.shli %shift_right_logical3A_141, %shift_left3A_142 : i32
          %and3A_144 = arith.constant 1023 : i32
          %and3A_145 = arith.andi %squeeze3A_139, %and3A_144 : i32
          %shift_left3A_146 = arith.constant 6 : i32
          %shift_left3A_147 = arith.shli %and3A_145, %shift_left3A_146 : i32
          %slice3A_148 = vector.extract_strided_slice %get3A_137 {offsets = [1], sizes = [1], strides = [1]} : vector<16xi32> to vector<1xi32>
          %squeeze3A_149 = vector.extract %slice3A_148[0] : i32 from vector<1xi32>
          %shift_right_logical3A_150 = arith.constant 10 : i32
          %shift_right_logical3A_151 = arith.shrui %squeeze3A_149, %shift_right_logical3A_150 : i32
          %shift_left3A_152 = arith.constant 6 : i32
          %shift_left3A_153 = arith.shli %shift_right_logical3A_151, %shift_left3A_152 : i32
          %and3A_154 = arith.constant 1023 : i32
          %and3A_155 = arith.andi %squeeze3A_149, %and3A_154 : i32
          %shift_left3A_156 = arith.constant 6 : i32
          %shift_left3A_157 = arith.shli %and3A_155, %shift_left3A_156 : i32
          %slice3A_158 = vector.extract_strided_slice %get3A_137 {offsets = [2], sizes = [1], strides = [1]} : vector<16xi32> to vector<1xi32>
          %squeeze3A_159 = vector.extract %slice3A_158[0] : i32 from vector<1xi32>
          %shift_right_logical3A_160 = arith.constant 10 : i32
          %shift_right_logical3A_161 = arith.shrui %squeeze3A_159, %shift_right_logical3A_160 : i32
          %shift_left3A_162 = arith.constant 6 : i32
          %shift_left3A_163 = arith.shli %shift_right_logical3A_161, %shift_left3A_162 : i32
          %and3A_164 = arith.constant 1023 : i32
          %and3A_165 = arith.andi %squeeze3A_159, %and3A_164 : i32
          %shift_left3A_166 = arith.constant 6 : i32
          %shift_left3A_167 = arith.shli %and3A_165, %shift_left3A_166 : i32
          %slice3A_168 = vector.extract_strided_slice %get3A_137 {offsets = [3], sizes = [1], strides = [1]} : vector<16xi32> to vector<1xi32>
          %squeeze3A_169 = vector.extract %slice3A_168[0] : i32 from vector<1xi32>
          %shift_right_logical3A_170 = arith.constant 10 : i32
          %shift_right_logical3A_171 = arith.shrui %squeeze3A_169, %shift_right_logical3A_170 : i32
          %shift_left3A_172 = arith.constant 6 : i32
          %shift_left3A_173 = arith.shli %shift_right_logical3A_171, %shift_left3A_172 : i32
          %and3A_174 = arith.constant 1023 : i32
          %and3A_175 = arith.andi %squeeze3A_169, %and3A_174 : i32
          %shift_left3A_176 = arith.constant 6 : i32
          %shift_left3A_177 = arith.shli %and3A_175, %shift_left3A_176 : i32
          %slice3A_178 = vector.extract_strided_slice %get3A_137 {offsets = [4], sizes = [1], strides = [1]} : vector<16xi32> to vector<1xi32>
          %squeeze3A_179 = vector.extract %slice3A_178[0] : i32 from vector<1xi32>
          %shift_right_logical3A_180 = arith.constant 10 : i32
          %shift_right_logical3A_181 = arith.shrui %squeeze3A_179, %shift_right_logical3A_180 : i32
          %shift_left3A_182 = arith.constant 6 : i32
          %shift_left3A_183 = arith.shli %shift_right_logical3A_181, %shift_left3A_182 : i32
          %and3A_184 = arith.constant 1023 : i32
          %and3A_185 = arith.andi %squeeze3A_179, %and3A_184 : i32
          %shift_left3A_186 = arith.constant 6 : i32
          %shift_left3A_187 = arith.shli %and3A_185, %shift_left3A_186 : i32
          %slice3A_188 = vector.extract_strided_slice %get3A_137 {offsets = [5], sizes = [1], strides = [1]} : vector<16xi32> to vector<1xi32>
          %squeeze3A_189 = vector.extract %slice3A_188[0] : i32 from vector<1xi32>
          %shift_right_logical3A_190 = arith.constant 10 : i32
          %shift_right_logical3A_191 = arith.shrui %squeeze3A_189, %shift_right_logical3A_190 : i32
          %shift_left3A_192 = arith.constant 6 : i32
          %shift_left3A_193 = arith.shli %shift_right_logical3A_191, %shift_left3A_192 : i32
          %and3A_194 = arith.constant 1023 : i32
          %and3A_195 = arith.andi %squeeze3A_189, %and3A_194 : i32
          %shift_left3A_196 = arith.constant 6 : i32
          %shift_left3A_197 = arith.shli %and3A_195, %shift_left3A_196 : i32
          %slice3A_198 = vector.extract_strided_slice %get3A_137 {offsets = [6], sizes = [1], strides = [1]} : vector<16xi32> to vector<1xi32>
          %squeeze3A_199 = vector.extract %slice3A_198[0] : i32 from vector<1xi32>
          %shift_right_logical3A_200 = arith.constant 10 : i32
          %shift_right_logical3A_201 = arith.shrui %squeeze3A_199, %shift_right_logical3A_200 : i32
          %shift_left3A_202 = arith.constant 6 : i32
          %shift_left3A_203 = arith.shli %shift_right_logical3A_201, %shift_left3A_202 : i32
          %and3A_204 = arith.constant 1023 : i32
          %and3A_205 = arith.andi %squeeze3A_199, %and3A_204 : i32
          %shift_left3A_206 = arith.constant 6 : i32
          %shift_left3A_207 = arith.shli %and3A_205, %shift_left3A_206 : i32
          %slice3A_208 = vector.extract_strided_slice %get3A_137 {offsets = [7], sizes = [1], strides = [1]} : vector<16xi32> to vector<1xi32>
          %squeeze3A_209 = vector.extract %slice3A_208[0] : i32 from vector<1xi32>
          %shift_right_logical3A_210 = arith.constant 10 : i32
          %shift_right_logical3A_211 = arith.shrui %squeeze3A_209, %shift_right_logical3A_210 : i32
          %shift_left3A_212 = arith.constant 6 : i32
          %shift_left3A_213 = arith.shli %shift_right_logical3A_211, %shift_left3A_212 : i32
          %and3A_214 = arith.constant 1023 : i32
          %and3A_215 = arith.andi %squeeze3A_209, %and3A_214 : i32
          %shift_left3A_216 = arith.constant 6 : i32
          %shift_left3A_217 = arith.shli %and3A_215, %shift_left3A_216 : i32
          %add3A_218 = arith.constant 0 : i32
          %add3A_219 = arith.addi %shift_left3A_143, %add3A_218 : i32
          %get3A_220 = arith.index_cast %add3A_219 : i32 to index
          %get3A_221 = tpu.vector_load %arg7[%get3A_220] {strides = array<i32>} : memref<62528xf32, #tpu.memory_space<vmem>>, vector<16xf32>,
          %get3A_222 = vector.shape_cast %get3A_221 : vector<16xf32> to vector<16xf32>
          %add3A_223 = arith.constant 0 : i32
          %add3A_224 = arith.addi %shift_left3A_147, %add3A_223 : i32
          %get3A_225 = arith.index_cast %add3A_224 : i32 to index
          %get3A_226 = tpu.vector_load %arg8[%get3A_225] {strides = array<i32>} : memref<65536xf32, #tpu.memory_space<vmem>>, vector<16xf32>,
          %get3A_227 = vector.shape_cast %get3A_226 : vector<16xf32> to vector<16xf32>
          %add3A_228 = arith.addf %get3A_222, %get3A_227 : vector<16xf32>
          %add3A_229 = arith.constant 0 : i32
          %add3A_230 = arith.addi %shift_left3A_153, %add3A_229 : i32
          %get3A_231 = arith.index_cast %add3A_230 : i32 to index
          %get3A_232 = tpu.vector_load %arg7[%get3A_231] {strides = array<i32>} : memref<62528xf32, #tpu.memory_space<vmem>>, vector<16xf32>,
          %get3A_233 = vector.shape_cast %get3A_232 : vector<16xf32> to vector<16xf32>
          %add3A_234 = arith.constant 0 : i32
          %add3A_235 = arith.addi %shift_left3A_157, %add3A_234 : i32
          %get3A_236 = arith.index_cast %add3A_235 : i32 to index
          %get3A_237 = tpu.vector_load %arg8[%get3A_236] {strides = array<i32>} : memref<65536xf32, #tpu.memory_space<vmem>>, vector<16xf32>,
          %get3A_238 = vector.shape_cast %get3A_237 : vector<16xf32> to vector<16xf32>
          %add3A_239 = arith.addf %get3A_233, %get3A_238 : vector<16xf32>
          %add3A_240 = arith.constant 0 : i32
          %add3A_241 = arith.addi %shift_left3A_163, %add3A_240 : i32
          %get3A_242 = arith.index_cast %add3A_241 : i32 to index
          %get3A_243 = tpu.vector_load %arg7[%get3A_242] {strides = array<i32>} : memref<62528xf32, #tpu.memory_space<vmem>>, vector<16xf32>,
          %get3A_244 = vector.shape_cast %get3A_243 : vector<16xf32> to vector<16xf32>
          %add3A_245 = arith.constant 0 : i32
          %add3A_246 = arith.addi %shift_left3A_167, %add3A_245 : i32
          %get3A_247 = arith.index_cast %add3A_246 : i32 to index
          %get3A_248 = tpu.vector_load %arg8[%get3A_247] {strides = array<i32>} : memref<65536xf32, #tpu.memory_space<vmem>>, vector<16xf32>,
          %get3A_249 = vector.shape_cast %get3A_248 : vector<16xf32> to vector<16xf32>
          %add3A_250 = arith.addf %get3A_244, %get3A_249 : vector<16xf32>
          %add3A_251 = arith.constant 0 : i32
          %add3A_252 = arith.addi %shift_left3A_173, %add3A_251 : i32
          %get3A_253 = arith.index_cast %add3A_252 : i32 to index
          %get3A_254 = tpu.vector_load %arg7[%get3A_253] {strides = array<i32>} : memref<62528xf32, #tpu.memory_space<vmem>>, vector<16xf32>,
          %get3A_255 = vector.shape_cast %get3A_254 : vector<16xf32> to vector<16xf32>
          %add3A_256 = arith.constant 0 : i32
          %add3A_257 = arith.addi %shift_left3A_177, %add3A_256 : i32
          %get3A_258 = arith.index_cast %add3A_257 : i32 to index
          %get3A_259 = tpu.vector_load %arg8[%get3A_258] {strides = array<i32>} : memref<65536xf32, #tpu.memory_space<vmem>>, vector<16xf32>,
          %get3A_260 = vector.shape_cast %get3A_259 : vector<16xf32> to vector<16xf32>
          %add3A_261 = arith.addf %get3A_255, %get3A_260 : vector<16xf32>
          %add3A_262 = arith.constant 0 : i32
          %add3A_263 = arith.addi %shift_left3A_183, %add3A_262 : i32
          %get3A_264 = arith.index_cast %add3A_263 : i32 to index
          %get3A_265 = tpu.vector_load %arg7[%get3A_264] {strides = array<i32>} : memref<62528xf32, #tpu.memory_space<vmem>>, vector<16xf32>,
          %get3A_266 = vector.shape_cast %get3A_265 : vector<16xf32> to vector<16xf32>
          %add3A_267 = arith.constant 0 : i32
          %add3A_268 = arith.addi %shift_left3A_187, %add3A_267 : i32
          %get3A_269 = arith.index_cast %add3A_268 : i32 to index
          %get3A_270 = tpu.vector_load %arg8[%get3A_269] {strides = array<i32>} : memref<65536xf32, #tpu.memory_space<vmem>>, vector<16xf32>,
          %get3A_271 = vector.shape_cast %get3A_270 : vector<16xf32> to vector<16xf32>
          %add3A_272 = arith.addf %get3A_266, %get3A_271 : vector<16xf32>
          %add3A_273 = arith.constant 0 : i32
          %add3A_274 = arith.addi %shift_left3A_193, %add3A_273 : i32
          %get3A_275 = arith.index_cast %add3A_274 : i32 to index
          %get3A_276 = tpu.vector_load %arg7[%get3A_275] {strides = array<i32>} : memref<62528xf32, #tpu.memory_space<vmem>>, vector<16xf32>,
          %get3A_277 = vector.shape_cast %get3A_276 : vector<16xf32> to vector<16xf32>
          %add3A_278 = arith.constant 0 : i32
          %add3A_279 = arith.addi %shift_left3A_197, %add3A_278 : i32
          %get3A_280 = arith.index_cast %add3A_279 : i32 to index
          %get3A_281 = tpu.vector_load %arg8[%get3A_280] {strides = array<i32>} : memref<65536xf32, #tpu.memory_space<vmem>>, vector<16xf32>,
          %get3A_282 = vector.shape_cast %get3A_281 : vector<16xf32> to vector<16xf32>
          %add3A_283 = arith.addf %get3A_277, %get3A_282 : vector<16xf32>
          %add3A_284 = arith.constant 0 : i32
          %add3A_285 = arith.addi %shift_left3A_203, %add3A_284 : i32
          %get3A_286 = arith.index_cast %add3A_285 : i32 to index
          %get3A_287 = tpu.vector_load %arg7[%get3A_286] {strides = array<i32>} : memref<62528xf32, #tpu.memory_space<vmem>>, vector<16xf32>,
          %get3A_288 = vector.shape_cast %get3A_287 : vector<16xf32> to vector<16xf32>
          %add3A_289 = arith.constant 0 : i32
          %add3A_290 = arith.addi %shift_left3A_207, %add3A_289 : i32
          %get3A_291 = arith.index_cast %add3A_290 : i32 to index
          %get3A_292 = tpu.vector_load %arg8[%get3A_291] {strides = array<i32>} : memref<65536xf32, #tpu.memory_space<vmem>>, vector<16xf32>,
          %get3A_293 = vector.shape_cast %get3A_292 : vector<16xf32> to vector<16xf32>
          %add3A_294 = arith.addf %get3A_288, %get3A_293 : vector<16xf32>
          %add3A_295 = arith.constant 0 : i32
          %add3A_296 = arith.addi %shift_left3A_213, %add3A_295 : i32
          %get3A_297 = arith.index_cast %add3A_296 : i32 to index
          %get3A_298 = tpu.vector_load %arg7[%get3A_297] {strides = array<i32>} : memref<62528xf32, #tpu.memory_space<vmem>>, vector<16xf32>,
          %get3A_299 = vector.shape_cast %get3A_298 : vector<16xf32> to vector<16xf32>
          %add3A_300 = arith.constant 0 : i32
          %add3A_301 = arith.addi %shift_left3A_217, %add3A_300 : i32
          %get3A_302 = arith.index_cast %add3A_301 : i32 to index
          %get3A_303 = tpu.vector_load %arg8[%get3A_302] {strides = array<i32>} : memref<65536xf32, #tpu.memory_space<vmem>>, vector<16xf32>,
          %get3A_304 = vector.shape_cast %get3A_303 : vector<16xf32> to vector<16xf32>
          %add3A_305 = arith.addf %get3A_299, %get3A_304 : vector<16xf32>
          %add3A_306 = arith.addf %add3A_228, %add3A_239 : vector<16xf32>
          %add3A_307 = arith.addf %add3A_250, %add3A_261 : vector<16xf32>
          %add3A_308 = arith.addf %add3A_272, %add3A_283 : vector<16xf32>
          %add3A_309 = arith.addf %add3A_294, %add3A_305 : vector<16xf32>
          %add3A_310 = arith.addf %add3A_306, %add3A_307 : vector<16xf32>
          %add3A_311 = arith.addf %add3A_308, %add3A_309 : vector<16xf32>
          %add3A_312 = arith.addf %add3A_310, %add3A_311 : vector<16xf32>
          %add3A_313 = arith.addf %while3A_128, %add3A_312 : vector<16xf32>
          %add3A_314 = arith.constant 16 : i32
          %add3A_315 = arith.addi %shift_left3A_143, %add3A_314 : i32
          %get3A_316 = arith.index_cast %add3A_315 : i32 to index
          %get3A_317 = tpu.vector_load %arg7[%get3A_316] {strides = array<i32>} : memref<62528xf32, #tpu.memory_space<vmem>>, vector<16xf32>,
          %get3A_318 = vector.shape_cast %get3A_317 : vector<16xf32> to vector<16xf32>
          %add3A_319 = arith.constant 16 : i32
          %add3A_320 = arith.addi %shift_left3A_147, %add3A_319 : i32
          %get3A_321 = arith.index_cast %add3A_320 : i32 to index
          %get3A_322 = tpu.vector_load %arg8[%get3A_321] {strides = array<i32>} : memref<65536xf32, #tpu.memory_space<vmem>>, vector<16xf32>,
          %get3A_323 = vector.shape_cast %get3A_322 : vector<16xf32> to vector<16xf32>
          %add3A_324 = arith.addf %get3A_318, %get3A_323 : vector<16xf32>
          %add3A_325 = arith.constant 16 : i32
          %add3A_326 = arith.addi %shift_left3A_153, %add3A_325 : i32
          %get3A_327 = arith.index_cast %add3A_326 : i32 to index
          %get3A_328 = tpu.vector_load %arg7[%get3A_327] {strides = array<i32>} : memref<62528xf32, #tpu.memory_space<vmem>>, vector<16xf32>,
          %get3A_329 = vector.shape_cast %get3A_328 : vector<16xf32> to vector<16xf32>
          %add3A_330 = arith.constant 16 : i32
          %add3A_331 = arith.addi %shift_left3A_157, %add3A_330 : i32
          %get3A_332 = arith.index_cast %add3A_331 : i32 to index
          %get3A_333 = tpu.vector_load %arg8[%get3A_332] {strides = array<i32>} : memref<65536xf32, #tpu.memory_space<vmem>>, vector<16xf32>,
          %get3A_334 = vector.shape_cast %get3A_333 : vector<16xf32> to vector<16xf32>
          %add3A_335 = arith.addf %get3A_329, %get3A_334 : vector<16xf32>
          %add3A_336 = arith.constant 16 : i32
          %add3A_337 = arith.addi %shift_left3A_163, %add3A_336 : i32
          %get3A_338 = arith.index_cast %add3A_337 : i32 to index
          %get3A_339 = tpu.vector_load %arg7[%get3A_338] {strides = array<i32>} : memref<62528xf32, #tpu.memory_space<vmem>>, vector<16xf32>,
          %get3A_340 = vector.shape_cast %get3A_339 : vector<16xf32> to vector<16xf32>
          %add3A_341 = arith.constant 16 : i32
          %add3A_342 = arith.addi %shift_left3A_167, %add3A_341 : i32
          %get3A_343 = arith.index_cast %add3A_342 : i32 to index
          %get3A_344 = tpu.vector_load %arg8[%get3A_343] {strides = array<i32>} : memref<65536xf32, #tpu.memory_space<vmem>>, vector<16xf32>,
          %get3A_345 = vector.shape_cast %get3A_344 : vector<16xf32> to vector<16xf32>
          %add3A_346 = arith.addf %get3A_340, %get3A_345 : vector<16xf32>
          %add3A_347 = arith.constant 16 : i32
          %add3A_348 = arith.addi %shift_left3A_173, %add3A_347 : i32
          %get3A_349 = arith.index_cast %add3A_348 : i32 to index
          %get3A_350 = tpu.vector_load %arg7[%get3A_349] {strides = array<i32>} : memref<62528xf32, #tpu.memory_space<vmem>>, vector<16xf32>,
          %get3A_351 = vector.shape_cast %get3A_350 : vector<16xf32> to vector<16xf32>
          %add3A_352 = arith.constant 16 : i32
          %add3A_353 = arith.addi %shift_left3A_177, %add3A_352 : i32
          %get3A_354 = arith.index_cast %add3A_353 : i32 to index
          %get3A_355 = tpu.vector_load %arg8[%get3A_354] {strides = array<i32>} : memref<65536xf32, #tpu.memory_space<vmem>>, vector<16xf32>,
          %get3A_356 = vector.shape_cast %get3A_355 : vector<16xf32> to vector<16xf32>
          %add3A_357 = arith.addf %get3A_351, %get3A_356 : vector<16xf32>
          %add3A_358 = arith.constant 16 : i32
          %add3A_359 = arith.addi %shift_left3A_183, %add3A_358 : i32
          %get3A_360 = arith.index_cast %add3A_359 : i32 to index
          %get3A_361 = tpu.vector_load %arg7[%get3A_360] {strides = array<i32>} : memref<62528xf32, #tpu.memory_space<vmem>>, vector<16xf32>,
          %get3A_362 = vector.shape_cast %get3A_361 : vector<16xf32> to vector<16xf32>
          %add3A_363 = arith.constant 16 : i32
          %add3A_364 = arith.addi %shift_left3A_187, %add3A_363 : i32
          %get3A_365 = arith.index_cast %add3A_364 : i32 to index
          %get3A_366 = tpu.vector_load %arg8[%get3A_365] {strides = array<i32>} : memref<65536xf32, #tpu.memory_space<vmem>>, vector<16xf32>,
          %get3A_367 = vector.shape_cast %get3A_366 : vector<16xf32> to vector<16xf32>
          %add3A_368 = arith.addf %get3A_362, %get3A_367 : vector<16xf32>
          %add3A_369 = arith.constant 16 : i32
          %add3A_370 = arith.addi %shift_left3A_193, %add3A_369 : i32
          %get3A_371 = arith.index_cast %add3A_370 : i32 to index
          %get3A_372 = tpu.vector_load %arg7[%get3A_371] {strides = array<i32>} : memref<62528xf32, #tpu.memory_space<vmem>>, vector<16xf32>,
          %get3A_373 = vector.shape_cast %get3A_372 : vector<16xf32> to vector<16xf32>
          %add3A_374 = arith.constant 16 : i32
          %add3A_375 = arith.addi %shift_left3A_197, %add3A_374 : i32
          %get3A_376 = arith.index_cast %add3A_375 : i32 to index
          %get3A_377 = tpu.vector_load %arg8[%get3A_376] {strides = array<i32>} : memref<65536xf32, #tpu.memory_space<vmem>>, vector<16xf32>,
          %get3A_378 = vector.shape_cast %get3A_377 : vector<16xf32> to vector<16xf32>
          %add3A_379 = arith.addf %get3A_373, %get3A_378 : vector<16xf32>
          %add3A_380 = arith.constant 16 : i32
          %add3A_381 = arith.addi %shift_left3A_203, %add3A_380 : i32
          %get3A_382 = arith.index_cast %add3A_381 : i32 to index
          %get3A_383 = tpu.vector_load %arg7[%get3A_382] {strides = array<i32>} : memref<62528xf32, #tpu.memory_space<vmem>>, vector<16xf32>,
          %get3A_384 = vector.shape_cast %get3A_383 : vector<16xf32> to vector<16xf32>
          %add3A_385 = arith.constant 16 : i32
          %add3A_386 = arith.addi %shift_left3A_207, %add3A_385 : i32
          %get3A_387 = arith.index_cast %add3A_386 : i32 to index
          %get3A_388 = tpu.vector_load %arg8[%get3A_387] {strides = array<i32>} : memref<65536xf32, #tpu.memory_space<vmem>>, vector<16xf32>,
          %get3A_389 = vector.shape_cast %get3A_388 : vector<16xf32> to vector<16xf32>
          %add3A_390 = arith.addf %get3A_384, %get3A_389 : vector<16xf32>
          %add3A_391 = arith.constant 16 : i32
          %add3A_392 = arith.addi %shift_left3A_213, %add3A_391 : i32
          %get3A_393 = arith.index_cast %add3A_392 : i32 to index
          %get3A_394 = tpu.vector_load %arg7[%get3A_393] {strides = array<i32>} : memref<62528xf32, #tpu.memory_space<vmem>>, vector<16xf32>,
          %get3A_395 = vector.shape_cast %get3A_394 : vector<16xf32> to vector<16xf32>
          %add3A_396 = arith.constant 16 : i32
          %add3A_397 = arith.addi %shift_left3A_217, %add3A_396 : i32
          %get3A_398 = arith.index_cast %add3A_397 : i32 to index
          %get3A_399 = tpu.vector_load %arg8[%get3A_398] {strides = array<i32>} : memref<65536xf32, #tpu.memory_space<vmem>>, vector<16xf32>,
          %get3A_400 = vector.shape_cast %get3A_399 : vector<16xf32> to vector<16xf32>
          %add3A_401 = arith.addf %get3A_395, %get3A_400 : vector<16xf32>
          %add3A_402 = arith.addf %add3A_324, %add3A_335 : vector<16xf32>
          %add3A_403 = arith.addf %add3A_346, %add3A_357 : vector<16xf32>
          %add3A_404 = arith.addf %add3A_368, %add3A_379 : vector<16xf32>
          %add3A_405 = arith.addf %add3A_390, %add3A_401 : vector<16xf32>
          %add3A_406 = arith.addf %add3A_402, %add3A_403 : vector<16xf32>
          %add3A_407 = arith.addf %add3A_404, %add3A_405 : vector<16xf32>
          %add3A_408 = arith.addf %add3A_406, %add3A_407 : vector<16xf32>
          %add3A_409 = arith.addf %while3A_129, %add3A_408 : vector<16xf32>
          %add3A_410 = arith.constant 32 : i32
          %add3A_411 = arith.addi %shift_left3A_143, %add3A_410 : i32
          %get3A_412 = arith.index_cast %add3A_411 : i32 to index
          %get3A_413 = tpu.vector_load %arg7[%get3A_412] {strides = array<i32>} : memref<62528xf32, #tpu.memory_space<vmem>>, vector<16xf32>,
          %get3A_414 = vector.shape_cast %get3A_413 : vector<16xf32> to vector<16xf32>
          %add3A_415 = arith.constant 32 : i32
          %add3A_416 = arith.addi %shift_left3A_147, %add3A_415 : i32
          %get3A_417 = arith.index_cast %add3A_416 : i32 to index
          %get3A_418 = tpu.vector_load %arg8[%get3A_417] {strides = array<i32>} : memref<65536xf32, #tpu.memory_space<vmem>>, vector<16xf32>,
          %get3A_419 = vector.shape_cast %get3A_418 : vector<16xf32> to vector<16xf32>
          %add3A_420 = arith.addf %get3A_414, %get3A_419 : vector<16xf32>
          %add3A_421 = arith.constant 32 : i32
          %add3A_422 = arith.addi %shift_left3A_153, %add3A_421 : i32
          %get3A_423 = arith.index_cast %add3A_422 : i32 to index
          %get3A_424 = tpu.vector_load %arg7[%get3A_423] {strides = array<i32>} : memref<62528xf32, #tpu.memory_space<vmem>>, vector<16xf32>,
          %get3A_425 = vector.shape_cast %get3A_424 : vector<16xf32> to vector<16xf32>
          %add3A_426 = arith.constant 32 : i32
          %add3A_427 = arith.addi %shift_left3A_157, %add3A_426 : i32
          %get3A_428 = arith.index_cast %add3A_427 : i32 to index
          %get3A_429 = tpu.vector_load %arg8[%get3A_428] {strides = array<i32>} : memref<65536xf32, #tpu.memory_space<vmem>>, vector<16xf32>,
          %get3A_430 = vector.shape_cast %get3A_429 : vector<16xf32> to vector<16xf32>
          %add3A_431 = arith.addf %get3A_425, %get3A_430 : vector<16xf32>
          %add3A_432 = arith.constant 32 : i32
          %add3A_433 = arith.addi %shift_left3A_163, %add3A_432 : i32
          %get3A_434 = arith.index_cast %add3A_433 : i32 to index
          %get3A_435 = tpu.vector_load %arg7[%get3A_434] {strides = array<i32>} : memref<62528xf32, #tpu.memory_space<vmem>>, vector<16xf32>,
          %get3A_436 = vector.shape_cast %get3A_435 : vector<16xf32> to vector<16xf32>
          %add3A_437 = arith.constant 32 : i32
          %add3A_438 = arith.addi %shift_left3A_167, %add3A_437 : i32
          %get3A_439 = arith.index_cast %add3A_438 : i32 to index
          %get3A_440 = tpu.vector_load %arg8[%get3A_439] {strides = array<i32>} : memref<65536xf32, #tpu.memory_space<vmem>>, vector<16xf32>,
          %get3A_441 = vector.shape_cast %get3A_440 : vector<16xf32> to vector<16xf32>
          %add3A_442 = arith.addf %get3A_436, %get3A_441 : vector<16xf32>
          %add3A_443 = arith.constant 32 : i32
          %add3A_444 = arith.addi %shift_left3A_173, %add3A_443 : i32
          %get3A_445 = arith.index_cast %add3A_444 : i32 to index
          %get3A_446 = tpu.vector_load %arg7[%get3A_445] {strides = array<i32>} : memref<62528xf32, #tpu.memory_space<vmem>>, vector<16xf32>,
          %get3A_447 = vector.shape_cast %get3A_446 : vector<16xf32> to vector<16xf32>
          %add3A_448 = arith.constant 32 : i32
          %add3A_449 = arith.addi %shift_left3A_177, %add3A_448 : i32
          %get3A_450 = arith.index_cast %add3A_449 : i32 to index
          %get3A_451 = tpu.vector_load %arg8[%get3A_450] {strides = array<i32>} : memref<65536xf32, #tpu.memory_space<vmem>>, vector<16xf32>,
          %get3A_452 = vector.shape_cast %get3A_451 : vector<16xf32> to vector<16xf32>
          %add3A_453 = arith.addf %get3A_447, %get3A_452 : vector<16xf32>
          %add3A_454 = arith.constant 32 : i32
          %add3A_455 = arith.addi %shift_left3A_183, %add3A_454 : i32
          %get3A_456 = arith.index_cast %add3A_455 : i32 to index
          %get3A_457 = tpu.vector_load %arg7[%get3A_456] {strides = array<i32>} : memref<62528xf32, #tpu.memory_space<vmem>>, vector<16xf32>,
          %get3A_458 = vector.shape_cast %get3A_457 : vector<16xf32> to vector<16xf32>
          %add3A_459 = arith.constant 32 : i32
          %add3A_460 = arith.addi %shift_left3A_187, %add3A_459 : i32
          %get3A_461 = arith.index_cast %add3A_460 : i32 to index
          %get3A_462 = tpu.vector_load %arg8[%get3A_461] {strides = array<i32>} : memref<65536xf32, #tpu.memory_space<vmem>>, vector<16xf32>,
          %get3A_463 = vector.shape_cast %get3A_462 : vector<16xf32> to vector<16xf32>
          %add3A_464 = arith.addf %get3A_458, %get3A_463 : vector<16xf32>
          %add3A_465 = arith.constant 32 : i32
          %add3A_466 = arith.addi %shift_left3A_193, %add3A_465 : i32
          %get3A_467 = arith.index_cast %add3A_466 : i32 to index
          %get3A_468 = tpu.vector_load %arg7[%get3A_467] {strides = array<i32>} : memref<62528xf32, #tpu.memory_space<vmem>>, vector<16xf32>,
          %get3A_469 = vector.shape_cast %get3A_468 : vector<16xf32> to vector<16xf32>
          %add3A_470 = arith.constant 32 : i32
          %add3A_471 = arith.addi %shift_left3A_197, %add3A_470 : i32
          %get3A_472 = arith.index_cast %add3A_471 : i32 to index
          %get3A_473 = tpu.vector_load %arg8[%get3A_472] {strides = array<i32>} : memref<65536xf32, #tpu.memory_space<vmem>>, vector<16xf32>,
          %get3A_474 = vector.shape_cast %get3A_473 : vector<16xf32> to vector<16xf32>
          %add3A_475 = arith.addf %get3A_469, %get3A_474 : vector<16xf32>
          %add3A_476 = arith.constant 32 : i32
          %add3A_477 = arith.addi %shift_left3A_203, %add3A_476 : i32
          %get3A_478 = arith.index_cast %add3A_477 : i32 to index
          %get3A_479 = tpu.vector_load %arg7[%get3A_478] {strides = array<i32>} : memref<62528xf32, #tpu.memory_space<vmem>>, vector<16xf32>,
          %get3A_480 = vector.shape_cast %get3A_479 : vector<16xf32> to vector<16xf32>
          %add3A_481 = arith.constant 32 : i32
          %add3A_482 = arith.addi %shift_left3A_207, %add3A_481 : i32
          %get3A_483 = arith.index_cast %add3A_482 : i32 to index
          %get3A_484 = tpu.vector_load %arg8[%get3A_483] {strides = array<i32>} : memref<65536xf32, #tpu.memory_space<vmem>>, vector<16xf32>,
          %get3A_485 = vector.shape_cast %get3A_484 : vector<16xf32> to vector<16xf32>
          %add3A_486 = arith.addf %get3A_480, %get3A_485 : vector<16xf32>
          %add3A_487 = arith.constant 32 : i32
          %add3A_488 = arith.addi %shift_left3A_213, %add3A_487 : i32
          %get3A_489 = arith.index_cast %add3A_488 : i32 to index
          %get3A_490 = tpu.vector_load %arg7[%get3A_489] {strides = array<i32>} : memref<62528xf32, #tpu.memory_space<vmem>>, vector<16xf32>,
          %get3A_491 = vector.shape_cast %get3A_490 : vector<16xf32> to vector<16xf32>
          %add3A_492 = arith.constant 32 : i32
          %add3A_493 = arith.addi %shift_left3A_217, %add3A_492 : i32
          %get3A_494 = arith.index_cast %add3A_493 : i32 to index
          %get3A_495 = tpu.vector_load %arg8[%get3A_494] {strides = array<i32>} : memref<65536xf32, #tpu.memory_space<vmem>>, vector<16xf32>,
          %get3A_496 = vector.shape_cast %get3A_495 : vector<16xf32> to vector<16xf32>
          %add3A_497 = arith.addf %get3A_491, %get3A_496 : vector<16xf32>
          %add3A_498 = arith.addf %add3A_420, %add3A_431 : vector<16xf32>
          %add3A_499 = arith.addf %add3A_442, %add3A_453 : vector<16xf32>
          %add3A_500 = arith.addf %add3A_464, %add3A_475 : vector<16xf32>
          %add3A_501 = arith.addf %add3A_486, %add3A_497 : vector<16xf32>
          %add3A_502 = arith.addf %add3A_498, %add3A_499 : vector<16xf32>
          %add3A_503 = arith.addf %add3A_500, %add3A_501 : vector<16xf32>
          %add3A_504 = arith.addf %add3A_502, %add3A_503 : vector<16xf32>
          %add3A_505 = arith.addf %while3A_130, %add3A_504 : vector<16xf32>
          %add3A_506 = arith.constant 48 : i32
          %add3A_507 = arith.addi %shift_left3A_143, %add3A_506 : i32
          %get3A_508 = arith.index_cast %add3A_507 : i32 to index
          %get3A_509 = tpu.vector_load %arg7[%get3A_508] {strides = array<i32>} : memref<62528xf32, #tpu.memory_space<vmem>>, vector<16xf32>,
          %get3A_510 = vector.shape_cast %get3A_509 : vector<16xf32> to vector<16xf32>
          %add3A_511 = arith.constant 48 : i32
          %add3A_512 = arith.addi %shift_left3A_147, %add3A_511 : i32
          %get3A_513 = arith.index_cast %add3A_512 : i32 to index
          %get3A_514 = tpu.vector_load %arg8[%get3A_513] {strides = array<i32>} : memref<65536xf32, #tpu.memory_space<vmem>>, vector<16xf32>,
          %get3A_515 = vector.shape_cast %get3A_514 : vector<16xf32> to vector<16xf32>
          %add3A_516 = arith.addf %get3A_510, %get3A_515 : vector<16xf32>
          %add3A_517 = arith.constant 48 : i32
          %add3A_518 = arith.addi %shift_left3A_153, %add3A_517 : i32
          %get3A_519 = arith.index_cast %add3A_518 : i32 to index
          %get3A_520 = tpu.vector_load %arg7[%get3A_519] {strides = array<i32>} : memref<62528xf32, #tpu.memory_space<vmem>>, vector<16xf32>,
          %get3A_521 = vector.shape_cast %get3A_520 : vector<16xf32> to vector<16xf32>
          %add3A_522 = arith.constant 48 : i32
          %add3A_523 = arith.addi %shift_left3A_157, %add3A_522 : i32
          %get3A_524 = arith.index_cast %add3A_523 : i32 to index
          %get3A_525 = tpu.vector_load %arg8[%get3A_524] {strides = array<i32>} : memref<65536xf32, #tpu.memory_space<vmem>>, vector<16xf32>,
          %get3A_526 = vector.shape_cast %get3A_525 : vector<16xf32> to vector<16xf32>
          %add3A_527 = arith.addf %get3A_521, %get3A_526 : vector<16xf32>
          %add3A_528 = arith.constant 48 : i32
          %add3A_529 = arith.addi %shift_left3A_163, %add3A_528 : i32
          %get3A_530 = arith.index_cast %add3A_529 : i32 to index
          %get3A_531 = tpu.vector_load %arg7[%get3A_530] {strides = array<i32>} : memref<62528xf32, #tpu.memory_space<vmem>>, vector<16xf32>,
          %get3A_532 = vector.shape_cast %get3A_531 : vector<16xf32> to vector<16xf32>
          %add3A_533 = arith.constant 48 : i32
          %add3A_534 = arith.addi %shift_left3A_167, %add3A_533 : i32
          %get3A_535 = arith.index_cast %add3A_534 : i32 to index
          %get3A_536 = tpu.vector_load %arg8[%get3A_535] {strides = array<i32>} : memref<65536xf32, #tpu.memory_space<vmem>>, vector<16xf32>,
          %get3A_537 = vector.shape_cast %get3A_536 : vector<16xf32> to vector<16xf32>
          %add3A_538 = arith.addf %get3A_532, %get3A_537 : vector<16xf32>
          %add3A_539 = arith.constant 48 : i32
          %add3A_540 = arith.addi %shift_left3A_173, %add3A_539 : i32
          %get3A_541 = arith.index_cast %add3A_540 : i32 to index
          %get3A_542 = tpu.vector_load %arg7[%get3A_541] {strides = array<i32>} : memref<62528xf32, #tpu.memory_space<vmem>>, vector<16xf32>,
          %get3A_543 = vector.shape_cast %get3A_542 : vector<16xf32> to vector<16xf32>
          %add3A_544 = arith.constant 48 : i32
          %add3A_545 = arith.addi %shift_left3A_177, %add3A_544 : i32
          %get3A_546 = arith.index_cast %add3A_545 : i32 to index
          %get3A_547 = tpu.vector_load %arg8[%get3A_546] {strides = array<i32>} : memref<65536xf32, #tpu.memory_space<vmem>>, vector<16xf32>,
          %get3A_548 = vector.shape_cast %get3A_547 : vector<16xf32> to vector<16xf32>
          %add3A_549 = arith.addf %get3A_543, %get3A_548 : vector<16xf32>
          %add3A_550 = arith.constant 48 : i32
          %add3A_551 = arith.addi %shift_left3A_183, %add3A_550 : i32
          %get3A_552 = arith.index_cast %add3A_551 : i32 to index
          %get3A_553 = tpu.vector_load %arg7[%get3A_552] {strides = array<i32>} : memref<62528xf32, #tpu.memory_space<vmem>>, vector<16xf32>,
          %get3A_554 = vector.shape_cast %get3A_553 : vector<16xf32> to vector<16xf32>
          %add3A_555 = arith.constant 48 : i32
          %add3A_556 = arith.addi %shift_left3A_187, %add3A_555 : i32
          %get3A_557 = arith.index_cast %add3A_556 : i32 to index
          %get3A_558 = tpu.vector_load %arg8[%get3A_557] {strides = array<i32>} : memref<65536xf32, #tpu.memory_space<vmem>>, vector<16xf32>,
          %get3A_559 = vector.shape_cast %get3A_558 : vector<16xf32> to vector<16xf32>
          %add3A_560 = arith.addf %get3A_554, %get3A_559 : vector<16xf32>
          %add3A_561 = arith.constant 48 : i32
          %add3A_562 = arith.addi %shift_left3A_193, %add3A_561 : i32
          %get3A_563 = arith.index_cast %add3A_562 : i32 to index
          %get3A_564 = tpu.vector_load %arg7[%get3A_563] {strides = array<i32>} : memref<62528xf32, #tpu.memory_space<vmem>>, vector<16xf32>,
          %get3A_565 = vector.shape_cast %get3A_564 : vector<16xf32> to vector<16xf32>
          %add3A_566 = arith.constant 48 : i32
          %add3A_567 = arith.addi %shift_left3A_197, %add3A_566 : i32
          %get3A_568 = arith.index_cast %add3A_567 : i32 to index
          %get3A_569 = tpu.vector_load %arg8[%get3A_568] {strides = array<i32>} : memref<65536xf32, #tpu.memory_space<vmem>>, vector<16xf32>,
          %get3A_570 = vector.shape_cast %get3A_569 : vector<16xf32> to vector<16xf32>
          %add3A_571 = arith.addf %get3A_565, %get3A_570 : vector<16xf32>
          %add3A_572 = arith.constant 48 : i32
          %add3A_573 = arith.addi %shift_left3A_203, %add3A_572 : i32
          %get3A_574 = arith.index_cast %add3A_573 : i32 to index
          %get3A_575 = tpu.vector_load %arg7[%get3A_574] {strides = array<i32>} : memref<62528xf32, #tpu.memory_space<vmem>>, vector<16xf32>,
          %get3A_576 = vector.shape_cast %get3A_575 : vector<16xf32> to vector<16xf32>
          %add3A_577 = arith.constant 48 : i32
          %add3A_578 = arith.addi %shift_left3A_207, %add3A_577 : i32
          %get3A_579 = arith.index_cast %add3A_578 : i32 to index
          %get3A_580 = tpu.vector_load %arg8[%get3A_579] {strides = array<i32>} : memref<65536xf32, #tpu.memory_space<vmem>>, vector<16xf32>,
          %get3A_581 = vector.shape_cast %get3A_580 : vector<16xf32> to vector<16xf32>
          %add3A_582 = arith.addf %get3A_576, %get3A_581 : vector<16xf32>
          %add3A_583 = arith.constant 48 : i32
          %add3A_584 = arith.addi %shift_left3A_213, %add3A_583 : i32
          %get3A_585 = arith.index_cast %add3A_584 : i32 to index
          %get3A_586 = tpu.vector_load %arg7[%get3A_585] {strides = array<i32>} : memref<62528xf32, #tpu.memory_space<vmem>>, vector<16xf32>,
          %get3A_587 = vector.shape_cast %get3A_586 : vector<16xf32> to vector<16xf32>
          %add3A_588 = arith.constant 48 : i32
          %add3A_589 = arith.addi %shift_left3A_217, %add3A_588 : i32
          %get3A_590 = arith.index_cast %add3A_589 : i32 to index
          %get3A_591 = tpu.vector_load %arg8[%get3A_590] {strides = array<i32>} : memref<65536xf32, #tpu.memory_space<vmem>>, vector<16xf32>,
          %get3A_592 = vector.shape_cast %get3A_591 : vector<16xf32> to vector<16xf32>
          %add3A_593 = arith.addf %get3A_587, %get3A_592 : vector<16xf32>
          %add3A_594 = arith.addf %add3A_516, %add3A_527 : vector<16xf32>
          %add3A_595 = arith.addf %add3A_538, %add3A_549 : vector<16xf32>
          %add3A_596 = arith.addf %add3A_560, %add3A_571 : vector<16xf32>
          %add3A_597 = arith.addf %add3A_582, %add3A_593 : vector<16xf32>
          %add3A_598 = arith.addf %add3A_594, %add3A_595 : vector<16xf32>
          %add3A_599 = arith.addf %add3A_596, %add3A_597 : vector<16xf32>
          %add3A_600 = arith.addf %add3A_598, %add3A_599 : vector<16xf32>
          %add3A_601 = arith.addf %while3A_131, %add3A_600 : vector<16xf32>
          scf.yield %add3A_313, %add3A_409, %add3A_505, %add3A_601 : vector<16xf32>, vector<16xf32>, vector<16xf32>, vector<16xf32>
        }
        %while3A_112 = arith.constant 1 : i32
        %while3A_113:4 = scf.for %while3A_127 = %while3A_109 to %while3A_105 step %while3A_112 iter_args(%while3A_128 = %while3A_111#0, %while3A_129 = %while3A_111#1, %while3A_130 = %while3A_111#2, %while3A_131 = %while3A_111#3) -> (vector<16xf32>, vector<16xf32>, vector<16xf32>, vector<16xf32>)  : i32 {
          %shift_left3A_132 = arith.constant 3 : i32
          %shift_left3A_133 = arith.shli %while3A_127, %shift_left3A_132 : i32
          %add3A_134 = arith.addi %sub3A_99, %shift_left3A_133 : i32
          %get3A_135 = arith.index_cast %add3A_134 : i32 to index
          %get3A_136 = tpu.vector_load %arg11[%get3A_135] {strides = array<i32>} : memref<1040xi32, #tpu.memory_space<vmem>>, vector<16xi32>,
          %get3A_137 = vector.shape_cast %get3A_136 : vector<16xi32> to vector<16xi32>
          %slice3A_138 = vector.extract_strided_slice %get3A_137 {offsets = [0], sizes = [1], strides = [1]} : vector<16xi32> to vector<1xi32>
          %squeeze3A_139 = vector.extract %slice3A_138[0] : i32 from vector<1xi32>
          %shift_right_logical3A_140 = arith.constant 10 : i32
          %shift_right_logical3A_141 = arith.shrui %squeeze3A_139, %shift_right_logical3A_140 : i32
          %shift_left3A_142 = arith.constant 6 : i32
          %shift_left3A_143 = arith.shli %shift_right_logical3A_141, %shift_left3A_142 : i32
          %and3A_144 = arith.constant 1023 : i32
          %and3A_145 = arith.andi %squeeze3A_139, %and3A_144 : i32
          %shift_left3A_146 = arith.constant 6 : i32
          %shift_left3A_147 = arith.shli %and3A_145, %shift_left3A_146 : i32
          %slice3A_148 = vector.extract_strided_slice %get3A_137 {offsets = [1], sizes = [1], strides = [1]} : vector<16xi32> to vector<1xi32>
          %squeeze3A_149 = vector.extract %slice3A_148[0] : i32 from vector<1xi32>
          %shift_right_logical3A_150 = arith.constant 10 : i32
          %shift_right_logical3A_151 = arith.shrui %squeeze3A_149, %shift_right_logical3A_150 : i32
          %shift_left3A_152 = arith.constant 6 : i32
          %shift_left3A_153 = arith.shli %shift_right_logical3A_151, %shift_left3A_152 : i32
          %and3A_154 = arith.constant 1023 : i32
          %and3A_155 = arith.andi %squeeze3A_149, %and3A_154 : i32
          %shift_left3A_156 = arith.constant 6 : i32
          %shift_left3A_157 = arith.shli %and3A_155, %shift_left3A_156 : i32
          %slice3A_158 = vector.extract_strided_slice %get3A_137 {offsets = [2], sizes = [1], strides = [1]} : vector<16xi32> to vector<1xi32>
          %squeeze3A_159 = vector.extract %slice3A_158[0] : i32 from vector<1xi32>
          %shift_right_logical3A_160 = arith.constant 10 : i32
          %shift_right_logical3A_161 = arith.shrui %squeeze3A_159, %shift_right_logical3A_160 : i32
          %shift_left3A_162 = arith.constant 6 : i32
          %shift_left3A_163 = arith.shli %shift_right_logical3A_161, %shift_left3A_162 : i32
          %and3A_164 = arith.constant 1023 : i32
          %and3A_165 = arith.andi %squeeze3A_159, %and3A_164 : i32
          %shift_left3A_166 = arith.constant 6 : i32
          %shift_left3A_167 = arith.shli %and3A_165, %shift_left3A_166 : i32
          %slice3A_168 = vector.extract_strided_slice %get3A_137 {offsets = [3], sizes = [1], strides = [1]} : vector<16xi32> to vector<1xi32>
          %squeeze3A_169 = vector.extract %slice3A_168[0] : i32 from vector<1xi32>
          %shift_right_logical3A_170 = arith.constant 10 : i32
          %shift_right_logical3A_171 = arith.shrui %squeeze3A_169, %shift_right_logical3A_170 : i32
          %shift_left3A_172 = arith.constant 6 : i32
          %shift_left3A_173 = arith.shli %shift_right_logical3A_171, %shift_left3A_172 : i32
          %and3A_174 = arith.constant 1023 : i32
          %and3A_175 = arith.andi %squeeze3A_169, %and3A_174 : i32
          %shift_left3A_176 = arith.constant 6 : i32
          %shift_left3A_177 = arith.shli %and3A_175, %shift_left3A_176 : i32
          %slice3A_178 = vector.extract_strided_slice %get3A_137 {offsets = [4], sizes = [1], strides = [1]} : vector<16xi32> to vector<1xi32>
          %squeeze3A_179 = vector.extract %slice3A_178[0] : i32 from vector<1xi32>
          %shift_right_logical3A_180 = arith.constant 10 : i32
          %shift_right_logical3A_181 = arith.shrui %squeeze3A_179, %shift_right_logical3A_180 : i32
          %shift_left3A_182 = arith.constant 6 : i32
          %shift_left3A_183 = arith.shli %shift_right_logical3A_181, %shift_left3A_182 : i32
          %and3A_184 = arith.constant 1023 : i32
          %and3A_185 = arith.andi %squeeze3A_179, %and3A_184 : i32
          %shift_left3A_186 = arith.constant 6 : i32
          %shift_left3A_187 = arith.shli %and3A_185, %shift_left3A_186 : i32
          %slice3A_188 = vector.extract_strided_slice %get3A_137 {offsets = [5], sizes = [1], strides = [1]} : vector<16xi32> to vector<1xi32>
          %squeeze3A_189 = vector.extract %slice3A_188[0] : i32 from vector<1xi32>
          %shift_right_logical3A_190 = arith.constant 10 : i32
          %shift_right_logical3A_191 = arith.shrui %squeeze3A_189, %shift_right_logical3A_190 : i32
          %shift_left3A_192 = arith.constant 6 : i32
          %shift_left3A_193 = arith.shli %shift_right_logical3A_191, %shift_left3A_192 : i32
          %and3A_194 = arith.constant 1023 : i32
          %and3A_195 = arith.andi %squeeze3A_189, %and3A_194 : i32
          %shift_left3A_196 = arith.constant 6 : i32
          %shift_left3A_197 = arith.shli %and3A_195, %shift_left3A_196 : i32
          %slice3A_198 = vector.extract_strided_slice %get3A_137 {offsets = [6], sizes = [1], strides = [1]} : vector<16xi32> to vector<1xi32>
          %squeeze3A_199 = vector.extract %slice3A_198[0] : i32 from vector<1xi32>
          %shift_right_logical3A_200 = arith.constant 10 : i32
          %shift_right_logical3A_201 = arith.shrui %squeeze3A_199, %shift_right_logical3A_200 : i32
          %shift_left3A_202 = arith.constant 6 : i32
          %shift_left3A_203 = arith.shli %shift_right_logical3A_201, %shift_left3A_202 : i32
          %and3A_204 = arith.constant 1023 : i32
          %and3A_205 = arith.andi %squeeze3A_199, %and3A_204 : i32
          %shift_left3A_206 = arith.constant 6 : i32
          %shift_left3A_207 = arith.shli %and3A_205, %shift_left3A_206 : i32
          %slice3A_208 = vector.extract_strided_slice %get3A_137 {offsets = [7], sizes = [1], strides = [1]} : vector<16xi32> to vector<1xi32>
          %squeeze3A_209 = vector.extract %slice3A_208[0] : i32 from vector<1xi32>
          %shift_right_logical3A_210 = arith.constant 10 : i32
          %shift_right_logical3A_211 = arith.shrui %squeeze3A_209, %shift_right_logical3A_210 : i32
          %shift_left3A_212 = arith.constant 6 : i32
          %shift_left3A_213 = arith.shli %shift_right_logical3A_211, %shift_left3A_212 : i32
          %and3A_214 = arith.constant 1023 : i32
          %and3A_215 = arith.andi %squeeze3A_209, %and3A_214 : i32
          %shift_left3A_216 = arith.constant 6 : i32
          %shift_left3A_217 = arith.shli %and3A_215, %shift_left3A_216 : i32
          %add3A_218 = arith.constant 0 : i32
          %add3A_219 = arith.addi %shift_left3A_143, %add3A_218 : i32
          %get3A_220 = arith.index_cast %add3A_219 : i32 to index
          %get3A_221 = tpu.vector_load %arg7[%get3A_220] {strides = array<i32>} : memref<62528xf32, #tpu.memory_space<vmem>>, vector<16xf32>,
          %get3A_222 = vector.shape_cast %get3A_221 : vector<16xf32> to vector<16xf32>
          %add3A_223 = arith.constant 0 : i32
          %add3A_224 = arith.addi %shift_left3A_147, %add3A_223 : i32
          %get3A_225 = arith.index_cast %add3A_224 : i32 to index
          %get3A_226 = tpu.vector_load %arg8[%get3A_225] {strides = array<i32>} : memref<65536xf32, #tpu.memory_space<vmem>>, vector<16xf32>,
          %get3A_227 = vector.shape_cast %get3A_226 : vector<16xf32> to vector<16xf32>
          %add3A_228 = arith.addf %get3A_222, %get3A_227 : vector<16xf32>
          %add3A_229 = arith.constant 0 : i32
          %add3A_230 = arith.addi %shift_left3A_153, %add3A_229 : i32
          %get3A_231 = arith.index_cast %add3A_230 : i32 to index
          %get3A_232 = tpu.vector_load %arg7[%get3A_231] {strides = array<i32>} : memref<62528xf32, #tpu.memory_space<vmem>>, vector<16xf32>,
          %get3A_233 = vector.shape_cast %get3A_232 : vector<16xf32> to vector<16xf32>
          %add3A_234 = arith.constant 0 : i32
          %add3A_235 = arith.addi %shift_left3A_157, %add3A_234 : i32
          %get3A_236 = arith.index_cast %add3A_235 : i32 to index
          %get3A_237 = tpu.vector_load %arg8[%get3A_236] {strides = array<i32>} : memref<65536xf32, #tpu.memory_space<vmem>>, vector<16xf32>,
          %get3A_238 = vector.shape_cast %get3A_237 : vector<16xf32> to vector<16xf32>
          %add3A_239 = arith.addf %get3A_233, %get3A_238 : vector<16xf32>
          %add3A_240 = arith.constant 0 : i32
          %add3A_241 = arith.addi %shift_left3A_163, %add3A_240 : i32
          %get3A_242 = arith.index_cast %add3A_241 : i32 to index
          %get3A_243 = tpu.vector_load %arg7[%get3A_242] {strides = array<i32>} : memref<62528xf32, #tpu.memory_space<vmem>>, vector<16xf32>,
          %get3A_244 = vector.shape_cast %get3A_243 : vector<16xf32> to vector<16xf32>
          %add3A_245 = arith.constant 0 : i32
          %add3A_246 = arith.addi %shift_left3A_167, %add3A_245 : i32
          %get3A_247 = arith.index_cast %add3A_246 : i32 to index
          %get3A_248 = tpu.vector_load %arg8[%get3A_247] {strides = array<i32>} : memref<65536xf32, #tpu.memory_space<vmem>>, vector<16xf32>,
          %get3A_249 = vector.shape_cast %get3A_248 : vector<16xf32> to vector<16xf32>
          %add3A_250 = arith.addf %get3A_244, %get3A_249 : vector<16xf32>
          %add3A_251 = arith.constant 0 : i32
          %add3A_252 = arith.addi %shift_left3A_173, %add3A_251 : i32
          %get3A_253 = arith.index_cast %add3A_252 : i32 to index
          %get3A_254 = tpu.vector_load %arg7[%get3A_253] {strides = array<i32>} : memref<62528xf32, #tpu.memory_space<vmem>>, vector<16xf32>,
          %get3A_255 = vector.shape_cast %get3A_254 : vector<16xf32> to vector<16xf32>
          %add3A_256 = arith.constant 0 : i32
          %add3A_257 = arith.addi %shift_left3A_177, %add3A_256 : i32
          %get3A_258 = arith.index_cast %add3A_257 : i32 to index
          %get3A_259 = tpu.vector_load %arg8[%get3A_258] {strides = array<i32>} : memref<65536xf32, #tpu.memory_space<vmem>>, vector<16xf32>,
          %get3A_260 = vector.shape_cast %get3A_259 : vector<16xf32> to vector<16xf32>
          %add3A_261 = arith.addf %get3A_255, %get3A_260 : vector<16xf32>
          %add3A_262 = arith.constant 0 : i32
          %add3A_263 = arith.addi %shift_left3A_183, %add3A_262 : i32
          %get3A_264 = arith.index_cast %add3A_263 : i32 to index
          %get3A_265 = tpu.vector_load %arg7[%get3A_264] {strides = array<i32>} : memref<62528xf32, #tpu.memory_space<vmem>>, vector<16xf32>,
          %get3A_266 = vector.shape_cast %get3A_265 : vector<16xf32> to vector<16xf32>
          %add3A_267 = arith.constant 0 : i32
          %add3A_268 = arith.addi %shift_left3A_187, %add3A_267 : i32
          %get3A_269 = arith.index_cast %add3A_268 : i32 to index
          %get3A_270 = tpu.vector_load %arg8[%get3A_269] {strides = array<i32>} : memref<65536xf32, #tpu.memory_space<vmem>>, vector<16xf32>,
          %get3A_271 = vector.shape_cast %get3A_270 : vector<16xf32> to vector<16xf32>
          %add3A_272 = arith.addf %get3A_266, %get3A_271 : vector<16xf32>
          %add3A_273 = arith.constant 0 : i32
          %add3A_274 = arith.addi %shift_left3A_193, %add3A_273 : i32
          %get3A_275 = arith.index_cast %add3A_274 : i32 to index
          %get3A_276 = tpu.vector_load %arg7[%get3A_275] {strides = array<i32>} : memref<62528xf32, #tpu.memory_space<vmem>>, vector<16xf32>,
          %get3A_277 = vector.shape_cast %get3A_276 : vector<16xf32> to vector<16xf32>
          %add3A_278 = arith.constant 0 : i32
          %add3A_279 = arith.addi %shift_left3A_197, %add3A_278 : i32
          %get3A_280 = arith.index_cast %add3A_279 : i32 to index
          %get3A_281 = tpu.vector_load %arg8[%get3A_280] {strides = array<i32>} : memref<65536xf32, #tpu.memory_space<vmem>>, vector<16xf32>,
          %get3A_282 = vector.shape_cast %get3A_281 : vector<16xf32> to vector<16xf32>
          %add3A_283 = arith.addf %get3A_277, %get3A_282 : vector<16xf32>
          %add3A_284 = arith.constant 0 : i32
          %add3A_285 = arith.addi %shift_left3A_203, %add3A_284 : i32
          %get3A_286 = arith.index_cast %add3A_285 : i32 to index
          %get3A_287 = tpu.vector_load %arg7[%get3A_286] {strides = array<i32>} : memref<62528xf32, #tpu.memory_space<vmem>>, vector<16xf32>,
          %get3A_288 = vector.shape_cast %get3A_287 : vector<16xf32> to vector<16xf32>
          %add3A_289 = arith.constant 0 : i32
          %add3A_290 = arith.addi %shift_left3A_207, %add3A_289 : i32
          %get3A_291 = arith.index_cast %add3A_290 : i32 to index
          %get3A_292 = tpu.vector_load %arg8[%get3A_291] {strides = array<i32>} : memref<65536xf32, #tpu.memory_space<vmem>>, vector<16xf32>,
          %get3A_293 = vector.shape_cast %get3A_292 : vector<16xf32> to vector<16xf32>
          %add3A_294 = arith.addf %get3A_288, %get3A_293 : vector<16xf32>
          %add3A_295 = arith.constant 0 : i32
          %add3A_296 = arith.addi %shift_left3A_213, %add3A_295 : i32
          %get3A_297 = arith.index_cast %add3A_296 : i32 to index
          %get3A_298 = tpu.vector_load %arg7[%get3A_297] {strides = array<i32>} : memref<62528xf32, #tpu.memory_space<vmem>>, vector<16xf32>,
          %get3A_299 = vector.shape_cast %get3A_298 : vector<16xf32> to vector<16xf32>
          %add3A_300 = arith.constant 0 : i32
          %add3A_301 = arith.addi %shift_left3A_217, %add3A_300 : i32
          %get3A_302 = arith.index_cast %add3A_301 : i32 to index
          %get3A_303 = tpu.vector_load %arg8[%get3A_302] {strides = array<i32>} : memref<65536xf32, #tpu.memory_space<vmem>>, vector<16xf32>,
          %get3A_304 = vector.shape_cast %get3A_303 : vector<16xf32> to vector<16xf32>
          %add3A_305 = arith.addf %get3A_299, %get3A_304 : vector<16xf32>
          %add3A_306 = arith.addf %add3A_228, %add3A_239 : vector<16xf32>
          %add3A_307 = arith.addf %add3A_250, %add3A_261 : vector<16xf32>
          %add3A_308 = arith.addf %add3A_272, %add3A_283 : vector<16xf32>
          %add3A_309 = arith.addf %add3A_294, %add3A_305 : vector<16xf32>
          %add3A_310 = arith.addf %add3A_306, %add3A_307 : vector<16xf32>
          %add3A_311 = arith.addf %add3A_308, %add3A_309 : vector<16xf32>
          %add3A_312 = arith.addf %add3A_310, %add3A_311 : vector<16xf32>
          %add3A_313 = arith.addf %while3A_128, %add3A_312 : vector<16xf32>
          %add3A_314 = arith.constant 16 : i32
          %add3A_315 = arith.addi %shift_left3A_143, %add3A_314 : i32
          %get3A_316 = arith.index_cast %add3A_315 : i32 to index
          %get3A_317 = tpu.vector_load %arg7[%get3A_316] {strides = array<i32>} : memref<62528xf32, #tpu.memory_space<vmem>>, vector<16xf32>,
          %get3A_318 = vector.shape_cast %get3A_317 : vector<16xf32> to vector<16xf32>
          %add3A_319 = arith.constant 16 : i32
          %add3A_320 = arith.addi %shift_left3A_147, %add3A_319 : i32
          %get3A_321 = arith.index_cast %add3A_320 : i32 to index
          %get3A_322 = tpu.vector_load %arg8[%get3A_321] {strides = array<i32>} : memref<65536xf32, #tpu.memory_space<vmem>>, vector<16xf32>,
          %get3A_323 = vector.shape_cast %get3A_322 : vector<16xf32> to vector<16xf32>
          %add3A_324 = arith.addf %get3A_318, %get3A_323 : vector<16xf32>
          %add3A_325 = arith.constant 16 : i32
          %add3A_326 = arith.addi %shift_left3A_153, %add3A_325 : i32
          %get3A_327 = arith.index_cast %add3A_326 : i32 to index
          %get3A_328 = tpu.vector_load %arg7[%get3A_327] {strides = array<i32>} : memref<62528xf32, #tpu.memory_space<vmem>>, vector<16xf32>,
          %get3A_329 = vector.shape_cast %get3A_328 : vector<16xf32> to vector<16xf32>
          %add3A_330 = arith.constant 16 : i32
          %add3A_331 = arith.addi %shift_left3A_157, %add3A_330 : i32
          %get3A_332 = arith.index_cast %add3A_331 : i32 to index
          %get3A_333 = tpu.vector_load %arg8[%get3A_332] {strides = array<i32>} : memref<65536xf32, #tpu.memory_space<vmem>>, vector<16xf32>,
          %get3A_334 = vector.shape_cast %get3A_333 : vector<16xf32> to vector<16xf32>
          %add3A_335 = arith.addf %get3A_329, %get3A_334 : vector<16xf32>
          %add3A_336 = arith.constant 16 : i32
          %add3A_337 = arith.addi %shift_left3A_163, %add3A_336 : i32
          %get3A_338 = arith.index_cast %add3A_337 : i32 to index
          %get3A_339 = tpu.vector_load %arg7[%get3A_338] {strides = array<i32>} : memref<62528xf32, #tpu.memory_space<vmem>>, vector<16xf32>,
          %get3A_340 = vector.shape_cast %get3A_339 : vector<16xf32> to vector<16xf32>
          %add3A_341 = arith.constant 16 : i32
          %add3A_342 = arith.addi %shift_left3A_167, %add3A_341 : i32
          %get3A_343 = arith.index_cast %add3A_342 : i32 to index
          %get3A_344 = tpu.vector_load %arg8[%get3A_343] {strides = array<i32>} : memref<65536xf32, #tpu.memory_space<vmem>>, vector<16xf32>,
          %get3A_345 = vector.shape_cast %get3A_344 : vector<16xf32> to vector<16xf32>
          %add3A_346 = arith.addf %get3A_340, %get3A_345 : vector<16xf32>
          %add3A_347 = arith.constant 16 : i32
          %add3A_348 = arith.addi %shift_left3A_173, %add3A_347 : i32
          %get3A_349 = arith.index_cast %add3A_348 : i32 to index
          %get3A_350 = tpu.vector_load %arg7[%get3A_349] {strides = array<i32>} : memref<62528xf32, #tpu.memory_space<vmem>>, vector<16xf32>,
          %get3A_351 = vector.shape_cast %get3A_350 : vector<16xf32> to vector<16xf32>
          %add3A_352 = arith.constant 16 : i32
          %add3A_353 = arith.addi %shift_left3A_177, %add3A_352 : i32
          %get3A_354 = arith.index_cast %add3A_353 : i32 to index
          %get3A_355 = tpu.vector_load %arg8[%get3A_354] {strides = array<i32>} : memref<65536xf32, #tpu.memory_space<vmem>>, vector<16xf32>,
          %get3A_356 = vector.shape_cast %get3A_355 : vector<16xf32> to vector<16xf32>
          %add3A_357 = arith.addf %get3A_351, %get3A_356 : vector<16xf32>
          %add3A_358 = arith.constant 16 : i32
          %add3A_359 = arith.addi %shift_left3A_183, %add3A_358 : i32
          %get3A_360 = arith.index_cast %add3A_359 : i32 to index
          %get3A_361 = tpu.vector_load %arg7[%get3A_360] {strides = array<i32>} : memref<62528xf32, #tpu.memory_space<vmem>>, vector<16xf32>,
          %get3A_362 = vector.shape_cast %get3A_361 : vector<16xf32> to vector<16xf32>
          %add3A_363 = arith.constant 16 : i32
          %add3A_364 = arith.addi %shift_left3A_187, %add3A_363 : i32
          %get3A_365 = arith.index_cast %add3A_364 : i32 to index
          %get3A_366 = tpu.vector_load %arg8[%get3A_365] {strides = array<i32>} : memref<65536xf32, #tpu.memory_space<vmem>>, vector<16xf32>,
          %get3A_367 = vector.shape_cast %get3A_366 : vector<16xf32> to vector<16xf32>
          %add3A_368 = arith.addf %get3A_362, %get3A_367 : vector<16xf32>
          %add3A_369 = arith.constant 16 : i32
          %add3A_370 = arith.addi %shift_left3A_193, %add3A_369 : i32
          %get3A_371 = arith.index_cast %add3A_370 : i32 to index
          %get3A_372 = tpu.vector_load %arg7[%get3A_371] {strides = array<i32>} : memref<62528xf32, #tpu.memory_space<vmem>>, vector<16xf32>,
          %get3A_373 = vector.shape_cast %get3A_372 : vector<16xf32> to vector<16xf32>
          %add3A_374 = arith.constant 16 : i32
          %add3A_375 = arith.addi %shift_left3A_197, %add3A_374 : i32
          %get3A_376 = arith.index_cast %add3A_375 : i32 to index
          %get3A_377 = tpu.vector_load %arg8[%get3A_376] {strides = array<i32>} : memref<65536xf32, #tpu.memory_space<vmem>>, vector<16xf32>,
          %get3A_378 = vector.shape_cast %get3A_377 : vector<16xf32> to vector<16xf32>
          %add3A_379 = arith.addf %get3A_373, %get3A_378 : vector<16xf32>
          %add3A_380 = arith.constant 16 : i32
          %add3A_381 = arith.addi %shift_left3A_203, %add3A_380 : i32
          %get3A_382 = arith.index_cast %add3A_381 : i32 to index
          %get3A_383 = tpu.vector_load %arg7[%get3A_382] {strides = array<i32>} : memref<62528xf32, #tpu.memory_space<vmem>>, vector<16xf32>,
          %get3A_384 = vector.shape_cast %get3A_383 : vector<16xf32> to vector<16xf32>
          %add3A_385 = arith.constant 16 : i32
          %add3A_386 = arith.addi %shift_left3A_207, %add3A_385 : i32
          %get3A_387 = arith.index_cast %add3A_386 : i32 to index
          %get3A_388 = tpu.vector_load %arg8[%get3A_387] {strides = array<i32>} : memref<65536xf32, #tpu.memory_space<vmem>>, vector<16xf32>,
          %get3A_389 = vector.shape_cast %get3A_388 : vector<16xf32> to vector<16xf32>
          %add3A_390 = arith.addf %get3A_384, %get3A_389 : vector<16xf32>
          %add3A_391 = arith.constant 16 : i32
          %add3A_392 = arith.addi %shift_left3A_213, %add3A_391 : i32
          %get3A_393 = arith.index_cast %add3A_392 : i32 to index
          %get3A_394 = tpu.vector_load %arg7[%get3A_393] {strides = array<i32>} : memref<62528xf32, #tpu.memory_space<vmem>>, vector<16xf32>,
          %get3A_395 = vector.shape_cast %get3A_394 : vector<16xf32> to vector<16xf32>
          %add3A_396 = arith.constant 16 : i32
          %add3A_397 = arith.addi %shift_left3A_217, %add3A_396 : i32
          %get3A_398 = arith.index_cast %add3A_397 : i32 to index
          %get3A_399 = tpu.vector_load %arg8[%get3A_398] {strides = array<i32>} : memref<65536xf32, #tpu.memory_space<vmem>>, vector<16xf32>,
          %get3A_400 = vector.shape_cast %get3A_399 : vector<16xf32> to vector<16xf32>
          %add3A_401 = arith.addf %get3A_395, %get3A_400 : vector<16xf32>
          %add3A_402 = arith.addf %add3A_324, %add3A_335 : vector<16xf32>
          %add3A_403 = arith.addf %add3A_346, %add3A_357 : vector<16xf32>
          %add3A_404 = arith.addf %add3A_368, %add3A_379 : vector<16xf32>
          %add3A_405 = arith.addf %add3A_390, %add3A_401 : vector<16xf32>
          %add3A_406 = arith.addf %add3A_402, %add3A_403 : vector<16xf32>
          %add3A_407 = arith.addf %add3A_404, %add3A_405 : vector<16xf32>
          %add3A_408 = arith.addf %add3A_406, %add3A_407 : vector<16xf32>
          %add3A_409 = arith.addf %while3A_129, %add3A_408 : vector<16xf32>
          %add3A_410 = arith.constant 32 : i32
          %add3A_411 = arith.addi %shift_left3A_143, %add3A_410 : i32
          %get3A_412 = arith.index_cast %add3A_411 : i32 to index
          %get3A_413 = tpu.vector_load %arg7[%get3A_412] {strides = array<i32>} : memref<62528xf32, #tpu.memory_space<vmem>>, vector<16xf32>,
          %get3A_414 = vector.shape_cast %get3A_413 : vector<16xf32> to vector<16xf32>
          %add3A_415 = arith.constant 32 : i32
          %add3A_416 = arith.addi %shift_left3A_147, %add3A_415 : i32
          %get3A_417 = arith.index_cast %add3A_416 : i32 to index
          %get3A_418 = tpu.vector_load %arg8[%get3A_417] {strides = array<i32>} : memref<65536xf32, #tpu.memory_space<vmem>>, vector<16xf32>,
          %get3A_419 = vector.shape_cast %get3A_418 : vector<16xf32> to vector<16xf32>
          %add3A_420 = arith.addf %get3A_414, %get3A_419 : vector<16xf32>
          %add3A_421 = arith.constant 32 : i32
          %add3A_422 = arith.addi %shift_left3A_153, %add3A_421 : i32
          %get3A_423 = arith.index_cast %add3A_422 : i32 to index
          %get3A_424 = tpu.vector_load %arg7[%get3A_423] {strides = array<i32>} : memref<62528xf32, #tpu.memory_space<vmem>>, vector<16xf32>,
          %get3A_425 = vector.shape_cast %get3A_424 : vector<16xf32> to vector<16xf32>
          %add3A_426 = arith.constant 32 : i32
          %add3A_427 = arith.addi %shift_left3A_157, %add3A_426 : i32
          %get3A_428 = arith.index_cast %add3A_427 : i32 to index
          %get3A_429 = tpu.vector_load %arg8[%get3A_428] {strides = array<i32>} : memref<65536xf32, #tpu.memory_space<vmem>>, vector<16xf32>,
          %get3A_430 = vector.shape_cast %get3A_429 : vector<16xf32> to vector<16xf32>
          %add3A_431 = arith.addf %get3A_425, %get3A_430 : vector<16xf32>
          %add3A_432 = arith.constant 32 : i32
          %add3A_433 = arith.addi %shift_left3A_163, %add3A_432 : i32
          %get3A_434 = arith.index_cast %add3A_433 : i32 to index
          %get3A_435 = tpu.vector_load %arg7[%get3A_434] {strides = array<i32>} : memref<62528xf32, #tpu.memory_space<vmem>>, vector<16xf32>,
          %get3A_436 = vector.shape_cast %get3A_435 : vector<16xf32> to vector<16xf32>
          %add3A_437 = arith.constant 32 : i32
          %add3A_438 = arith.addi %shift_left3A_167, %add3A_437 : i32
          %get3A_439 = arith.index_cast %add3A_438 : i32 to index
          %get3A_440 = tpu.vector_load %arg8[%get3A_439] {strides = array<i32>} : memref<65536xf32, #tpu.memory_space<vmem>>, vector<16xf32>,
          %get3A_441 = vector.shape_cast %get3A_440 : vector<16xf32> to vector<16xf32>
          %add3A_442 = arith.addf %get3A_436, %get3A_441 : vector<16xf32>
          %add3A_443 = arith.constant 32 : i32
          %add3A_444 = arith.addi %shift_left3A_173, %add3A_443 : i32
          %get3A_445 = arith.index_cast %add3A_444 : i32 to index
          %get3A_446 = tpu.vector_load %arg7[%get3A_445] {strides = array<i32>} : memref<62528xf32, #tpu.memory_space<vmem>>, vector<16xf32>,
          %get3A_447 = vector.shape_cast %get3A_446 : vector<16xf32> to vector<16xf32>
          %add3A_448 = arith.constant 32 : i32
          %add3A_449 = arith.addi %shift_left3A_177, %add3A_448 : i32
          %get3A_450 = arith.index_cast %add3A_449 : i32 to index
          %get3A_451 = tpu.vector_load %arg8[%get3A_450] {strides = array<i32>} : memref<65536xf32, #tpu.memory_space<vmem>>, vector<16xf32>,
          %get3A_452 = vector.shape_cast %get3A_451 : vector<16xf32> to vector<16xf32>
          %add3A_453 = arith.addf %get3A_447, %get3A_452 : vector<16xf32>
          %add3A_454 = arith.constant 32 : i32
          %add3A_455 = arith.addi %shift_left3A_183, %add3A_454 : i32
          %get3A_456 = arith.index_cast %add3A_455 : i32 to index
          %get3A_457 = tpu.vector_load %arg7[%get3A_456] {strides = array<i32>} : memref<62528xf32, #tpu.memory_space<vmem>>, vector<16xf32>,
          %get3A_458 = vector.shape_cast %get3A_457 : vector<16xf32> to vector<16xf32>
          %add3A_459 = arith.constant 32 : i32
          %add3A_460 = arith.addi %shift_left3A_187, %add3A_459 : i32
          %get3A_461 = arith.index_cast %add3A_460 : i32 to index
          %get3A_462 = tpu.vector_load %arg8[%get3A_461] {strides = array<i32>} : memref<65536xf32, #tpu.memory_space<vmem>>, vector<16xf32>,
          %get3A_463 = vector.shape_cast %get3A_462 : vector<16xf32> to vector<16xf32>
          %add3A_464 = arith.addf %get3A_458, %get3A_463 : vector<16xf32>
          %add3A_465 = arith.constant 32 : i32
          %add3A_466 = arith.addi %shift_left3A_193, %add3A_465 : i32
          %get3A_467 = arith.index_cast %add3A_466 : i32 to index
          %get3A_468 = tpu.vector_load %arg7[%get3A_467] {strides = array<i32>} : memref<62528xf32, #tpu.memory_space<vmem>>, vector<16xf32>,
          %get3A_469 = vector.shape_cast %get3A_468 : vector<16xf32> to vector<16xf32>
          %add3A_470 = arith.constant 32 : i32
          %add3A_471 = arith.addi %shift_left3A_197, %add3A_470 : i32
          %get3A_472 = arith.index_cast %add3A_471 : i32 to index
          %get3A_473 = tpu.vector_load %arg8[%get3A_472] {strides = array<i32>} : memref<65536xf32, #tpu.memory_space<vmem>>, vector<16xf32>,
          %get3A_474 = vector.shape_cast %get3A_473 : vector<16xf32> to vector<16xf32>
          %add3A_475 = arith.addf %get3A_469, %get3A_474 : vector<16xf32>
          %add3A_476 = arith.constant 32 : i32
          %add3A_477 = arith.addi %shift_left3A_203, %add3A_476 : i32
          %get3A_478 = arith.index_cast %add3A_477 : i32 to index
          %get3A_479 = tpu.vector_load %arg7[%get3A_478] {strides = array<i32>} : memref<62528xf32, #tpu.memory_space<vmem>>, vector<16xf32>,
          %get3A_480 = vector.shape_cast %get3A_479 : vector<16xf32> to vector<16xf32>
          %add3A_481 = arith.constant 32 : i32
          %add3A_482 = arith.addi %shift_left3A_207, %add3A_481 : i32
          %get3A_483 = arith.index_cast %add3A_482 : i32 to index
          %get3A_484 = tpu.vector_load %arg8[%get3A_483] {strides = array<i32>} : memref<65536xf32, #tpu.memory_space<vmem>>, vector<16xf32>,
          %get3A_485 = vector.shape_cast %get3A_484 : vector<16xf32> to vector<16xf32>
          %add3A_486 = arith.addf %get3A_480, %get3A_485 : vector<16xf32>
          %add3A_487 = arith.constant 32 : i32
          %add3A_488 = arith.addi %shift_left3A_213, %add3A_487 : i32
          %get3A_489 = arith.index_cast %add3A_488 : i32 to index
          %get3A_490 = tpu.vector_load %arg7[%get3A_489] {strides = array<i32>} : memref<62528xf32, #tpu.memory_space<vmem>>, vector<16xf32>,
          %get3A_491 = vector.shape_cast %get3A_490 : vector<16xf32> to vector<16xf32>
          %add3A_492 = arith.constant 32 : i32
          %add3A_493 = arith.addi %shift_left3A_217, %add3A_492 : i32
          %get3A_494 = arith.index_cast %add3A_493 : i32 to index
          %get3A_495 = tpu.vector_load %arg8[%get3A_494] {strides = array<i32>} : memref<65536xf32, #tpu.memory_space<vmem>>, vector<16xf32>,
          %get3A_496 = vector.shape_cast %get3A_495 : vector<16xf32> to vector<16xf32>
          %add3A_497 = arith.addf %get3A_491, %get3A_496 : vector<16xf32>
          %add3A_498 = arith.addf %add3A_420, %add3A_431 : vector<16xf32>
          %add3A_499 = arith.addf %add3A_442, %add3A_453 : vector<16xf32>
          %add3A_500 = arith.addf %add3A_464, %add3A_475 : vector<16xf32>
          %add3A_501 = arith.addf %add3A_486, %add3A_497 : vector<16xf32>
          %add3A_502 = arith.addf %add3A_498, %add3A_499 : vector<16xf32>
          %add3A_503 = arith.addf %add3A_500, %add3A_501 : vector<16xf32>
          %add3A_504 = arith.addf %add3A_502, %add3A_503 : vector<16xf32>
          %add3A_505 = arith.addf %while3A_130, %add3A_504 : vector<16xf32>
          %add3A_506 = arith.constant 48 : i32
          %add3A_507 = arith.addi %shift_left3A_143, %add3A_506 : i32
          %get3A_508 = arith.index_cast %add3A_507 : i32 to index
          %get3A_509 = tpu.vector_load %arg7[%get3A_508] {strides = array<i32>} : memref<62528xf32, #tpu.memory_space<vmem>>, vector<16xf32>,
          %get3A_510 = vector.shape_cast %get3A_509 : vector<16xf32> to vector<16xf32>
          %add3A_511 = arith.constant 48 : i32
          %add3A_512 = arith.addi %shift_left3A_147, %add3A_511 : i32
          %get3A_513 = arith.index_cast %add3A_512 : i32 to index
          %get3A_514 = tpu.vector_load %arg8[%get3A_513] {strides = array<i32>} : memref<65536xf32, #tpu.memory_space<vmem>>, vector<16xf32>,
          %get3A_515 = vector.shape_cast %get3A_514 : vector<16xf32> to vector<16xf32>
          %add3A_516 = arith.addf %get3A_510, %get3A_515 : vector<16xf32>
          %add3A_517 = arith.constant 48 : i32
          %add3A_518 = arith.addi %shift_left3A_153, %add3A_517 : i32
          %get3A_519 = arith.index_cast %add3A_518 : i32 to index
          %get3A_520 = tpu.vector_load %arg7[%get3A_519] {strides = array<i32>} : memref<62528xf32, #tpu.memory_space<vmem>>, vector<16xf32>,
          %get3A_521 = vector.shape_cast %get3A_520 : vector<16xf32> to vector<16xf32>
          %add3A_522 = arith.constant 48 : i32
          %add3A_523 = arith.addi %shift_left3A_157, %add3A_522 : i32
          %get3A_524 = arith.index_cast %add3A_523 : i32 to index
          %get3A_525 = tpu.vector_load %arg8[%get3A_524] {strides = array<i32>} : memref<65536xf32, #tpu.memory_space<vmem>>, vector<16xf32>,
          %get3A_526 = vector.shape_cast %get3A_525 : vector<16xf32> to vector<16xf32>
          %add3A_527 = arith.addf %get3A_521, %get3A_526 : vector<16xf32>
          %add3A_528 = arith.constant 48 : i32
          %add3A_529 = arith.addi %shift_left3A_163, %add3A_528 : i32
          %get3A_530 = arith.index_cast %add3A_529 : i32 to index
          %get3A_531 = tpu.vector_load %arg7[%get3A_530] {strides = array<i32>} : memref<62528xf32, #tpu.memory_space<vmem>>, vector<16xf32>,
          %get3A_532 = vector.shape_cast %get3A_531 : vector<16xf32> to vector<16xf32>
          %add3A_533 = arith.constant 48 : i32
          %add3A_534 = arith.addi %shift_left3A_167, %add3A_533 : i32
          %get3A_535 = arith.index_cast %add3A_534 : i32 to index
          %get3A_536 = tpu.vector_load %arg8[%get3A_535] {strides = array<i32>} : memref<65536xf32, #tpu.memory_space<vmem>>, vector<16xf32>,
          %get3A_537 = vector.shape_cast %get3A_536 : vector<16xf32> to vector<16xf32>
          %add3A_538 = arith.addf %get3A_532, %get3A_537 : vector<16xf32>
          %add3A_539 = arith.constant 48 : i32
          %add3A_540 = arith.addi %shift_left3A_173, %add3A_539 : i32
          %get3A_541 = arith.index_cast %add3A_540 : i32 to index
          %get3A_542 = tpu.vector_load %arg7[%get3A_541] {strides = array<i32>} : memref<62528xf32, #tpu.memory_space<vmem>>, vector<16xf32>,
          %get3A_543 = vector.shape_cast %get3A_542 : vector<16xf32> to vector<16xf32>
          %add3A_544 = arith.constant 48 : i32
          %add3A_545 = arith.addi %shift_left3A_177, %add3A_544 : i32
          %get3A_546 = arith.index_cast %add3A_545 : i32 to index
          %get3A_547 = tpu.vector_load %arg8[%get3A_546] {strides = array<i32>} : memref<65536xf32, #tpu.memory_space<vmem>>, vector<16xf32>,
          %get3A_548 = vector.shape_cast %get3A_547 : vector<16xf32> to vector<16xf32>
          %add3A_549 = arith.addf %get3A_543, %get3A_548 : vector<16xf32>
          %add3A_550 = arith.constant 48 : i32
          %add3A_551 = arith.addi %shift_left3A_183, %add3A_550 : i32
          %get3A_552 = arith.index_cast %add3A_551 : i32 to index
          %get3A_553 = tpu.vector_load %arg7[%get3A_552] {strides = array<i32>} : memref<62528xf32, #tpu.memory_space<vmem>>, vector<16xf32>,
          %get3A_554 = vector.shape_cast %get3A_553 : vector<16xf32> to vector<16xf32>
          %add3A_555 = arith.constant 48 : i32
          %add3A_556 = arith.addi %shift_left3A_187, %add3A_555 : i32
          %get3A_557 = arith.index_cast %add3A_556 : i32 to index
          %get3A_558 = tpu.vector_load %arg8[%get3A_557] {strides = array<i32>} : memref<65536xf32, #tpu.memory_space<vmem>>, vector<16xf32>,
          %get3A_559 = vector.shape_cast %get3A_558 : vector<16xf32> to vector<16xf32>
          %add3A_560 = arith.addf %get3A_554, %get3A_559 : vector<16xf32>
          %add3A_561 = arith.constant 48 : i32
          %add3A_562 = arith.addi %shift_left3A_193, %add3A_561 : i32
          %get3A_563 = arith.index_cast %add3A_562 : i32 to index
          %get3A_564 = tpu.vector_load %arg7[%get3A_563] {strides = array<i32>} : memref<62528xf32, #tpu.memory_space<vmem>>, vector<16xf32>,
          %get3A_565 = vector.shape_cast %get3A_564 : vector<16xf32> to vector<16xf32>
          %add3A_566 = arith.constant 48 : i32
          %add3A_567 = arith.addi %shift_left3A_197, %add3A_566 : i32
          %get3A_568 = arith.index_cast %add3A_567 : i32 to index
          %get3A_569 = tpu.vector_load %arg8[%get3A_568] {strides = array<i32>} : memref<65536xf32, #tpu.memory_space<vmem>>, vector<16xf32>,
          %get3A_570 = vector.shape_cast %get3A_569 : vector<16xf32> to vector<16xf32>
          %add3A_571 = arith.addf %get3A_565, %get3A_570 : vector<16xf32>
          %add3A_572 = arith.constant 48 : i32
          %add3A_573 = arith.addi %shift_left3A_203, %add3A_572 : i32
          %get3A_574 = arith.index_cast %add3A_573 : i32 to index
          %get3A_575 = tpu.vector_load %arg7[%get3A_574] {strides = array<i32>} : memref<62528xf32, #tpu.memory_space<vmem>>, vector<16xf32>,
          %get3A_576 = vector.shape_cast %get3A_575 : vector<16xf32> to vector<16xf32>
          %add3A_577 = arith.constant 48 : i32
          %add3A_578 = arith.addi %shift_left3A_207, %add3A_577 : i32
          %get3A_579 = arith.index_cast %add3A_578 : i32 to index
          %get3A_580 = tpu.vector_load %arg8[%get3A_579] {strides = array<i32>} : memref<65536xf32, #tpu.memory_space<vmem>>, vector<16xf32>,
          %get3A_581 = vector.shape_cast %get3A_580 : vector<16xf32> to vector<16xf32>
          %add3A_582 = arith.addf %get3A_576, %get3A_581 : vector<16xf32>
          %add3A_583 = arith.constant 48 : i32
          %add3A_584 = arith.addi %shift_left3A_213, %add3A_583 : i32
          %get3A_585 = arith.index_cast %add3A_584 : i32 to index
          %get3A_586 = tpu.vector_load %arg7[%get3A_585] {strides = array<i32>} : memref<62528xf32, #tpu.memory_space<vmem>>, vector<16xf32>,
          %get3A_587 = vector.shape_cast %get3A_586 : vector<16xf32> to vector<16xf32>
          %add3A_588 = arith.constant 48 : i32
          %add3A_589 = arith.addi %shift_left3A_217, %add3A_588 : i32
          %get3A_590 = arith.index_cast %add3A_589 : i32 to index
          %get3A_591 = tpu.vector_load %arg8[%get3A_590] {strides = array<i32>} : memref<65536xf32, #tpu.memory_space<vmem>>, vector<16xf32>,
          %get3A_592 = vector.shape_cast %get3A_591 : vector<16xf32> to vector<16xf32>
          %add3A_593 = arith.addf %get3A_587, %get3A_592 : vector<16xf32>
          %add3A_594 = arith.addf %add3A_516, %add3A_527 : vector<16xf32>
          %add3A_595 = arith.addf %add3A_538, %add3A_549 : vector<16xf32>
          %add3A_596 = arith.addf %add3A_560, %add3A_571 : vector<16xf32>
          %add3A_597 = arith.addf %add3A_582, %add3A_593 : vector<16xf32>
          %add3A_598 = arith.addf %add3A_594, %add3A_595 : vector<16xf32>
          %add3A_599 = arith.addf %add3A_596, %add3A_597 : vector<16xf32>
          %add3A_600 = arith.addf %add3A_598, %add3A_599 : vector<16xf32>
          %add3A_601 = arith.addf %while3A_131, %add3A_600 : vector<16xf32>
          scf.yield %add3A_313, %add3A_409, %add3A_505, %add3A_601 : vector<16xf32>, vector<16xf32>, vector<16xf32>, vector<16xf32>
        }
        %shift_left3A_114 = arith.constant 3 : i32
        %shift_left3A_115 = arith.shli %shift_right_logical3A_102, %shift_left3A_114 : i32
        %add3A_116 = arith.addi %add3A_85, %shift_left3A_115 : i32
        %while3A_117 = arith.subi %min3A, %add3A_116 : i32
        %while3A_118 = arith.addi %add3A_116, %while3A_117 : i32
        %while3A_119 = arith.constant 1 : i32
        %while3A_120 = arith.divsi %while3A_117, %while3A_119 : i32
        %while3A_121 = arith.muli %while3A_120, %while3A_119 : i32
        %while3A_122 = arith.addi %add3A_116, %while3A_121 : i32
        %while3A_123 = arith.constant 1 : i32
        %while3A_124:4 = scf.for %while3A_127 = %add3A_116 to %while3A_122 step %while3A_123 iter_args(%while3A_128 = %while3A_113#0, %while3A_129 = %while3A_113#1, %while3A_130 = %while3A_113#2, %while3A_131 = %while3A_113#3) -> (vector<16xf32>, vector<16xf32>, vector<16xf32>, vector<16xf32>)  : i32 {
          %sub3A_132 = arith.subi %while3A_127, %multiple_of3A_95 : i32
          %get3A_133 = arith.index_cast %sub3A_132 : i32 to index
          %get3A_134 = tpu.vector_load %arg11[%get3A_133] {strides = array<i32>} : memref<1040xi32, #tpu.memory_space<vmem>>, vector<16xi32>,
          %get3A_135 = vector.shape_cast %get3A_134 : vector<16xi32> to vector<16xi32>
          %slice3A_136 = vector.extract_strided_slice %get3A_135 {offsets = [0], sizes = [1], strides = [1]} : vector<16xi32> to vector<1xi32>
          %squeeze3A_137 = vector.extract %slice3A_136[0] : i32 from vector<1xi32>
          %shift_right_logical3A_138 = arith.constant 10 : i32
          %shift_right_logical3A_139 = arith.shrui %squeeze3A_137, %shift_right_logical3A_138 : i32
          %shift_left3A_140 = arith.constant 6 : i32
          %shift_left3A_141 = arith.shli %shift_right_logical3A_139, %shift_left3A_140 : i32
          %and3A_142 = arith.constant 1023 : i32
          %and3A_143 = arith.andi %squeeze3A_137, %and3A_142 : i32
          %shift_left3A_144 = arith.constant 6 : i32
          %shift_left3A_145 = arith.shli %and3A_143, %shift_left3A_144 : i32
          %add3A_146 = arith.constant 0 : i32
          %add3A_147 = arith.addi %shift_left3A_141, %add3A_146 : i32
          %get3A_148 = arith.index_cast %add3A_147 : i32 to index
          %get3A_149 = tpu.vector_load %arg7[%get3A_148] {strides = array<i32>} : memref<62528xf32, #tpu.memory_space<vmem>>, vector<16xf32>,
          %get3A_150 = vector.shape_cast %get3A_149 : vector<16xf32> to vector<16xf32>
          %add3A_151 = arith.constant 0 : i32
          %add3A_152 = arith.addi %shift_left3A_145, %add3A_151 : i32
          %get3A_153 = arith.index_cast %add3A_152 : i32 to index
          %get3A_154 = tpu.vector_load %arg8[%get3A_153] {strides = array<i32>} : memref<65536xf32, #tpu.memory_space<vmem>>, vector<16xf32>,
          %get3A_155 = vector.shape_cast %get3A_154 : vector<16xf32> to vector<16xf32>
          %add3A_156 = arith.addf %get3A_150, %get3A_155 : vector<16xf32>
          %add3A_157 = arith.addf %while3A_128, %add3A_156 : vector<16xf32>
          %add3A_158 = arith.constant 16 : i32
          %add3A_159 = arith.addi %shift_left3A_141, %add3A_158 : i32
          %get3A_160 = arith.index_cast %add3A_159 : i32 to index
          %get3A_161 = tpu.vector_load %arg7[%get3A_160] {strides = array<i32>} : memref<62528xf32, #tpu.memory_space<vmem>>, vector<16xf32>,
          %get3A_162 = vector.shape_cast %get3A_161 : vector<16xf32> to vector<16xf32>
          %add3A_163 = arith.constant 16 : i32
          %add3A_164 = arith.addi %shift_left3A_145, %add3A_163 : i32
          %get3A_165 = arith.index_cast %add3A_164 : i32 to index
          %get3A_166 = tpu.vector_load %arg8[%get3A_165] {strides = array<i32>} : memref<65536xf32, #tpu.memory_space<vmem>>, vector<16xf32>,
          %get3A_167 = vector.shape_cast %get3A_166 : vector<16xf32> to vector<16xf32>
          %add3A_168 = arith.addf %get3A_162, %get3A_167 : vector<16xf32>
          %add3A_169 = arith.addf %while3A_129, %add3A_168 : vector<16xf32>
          %add3A_170 = arith.constant 32 : i32
          %add3A_171 = arith.addi %shift_left3A_141, %add3A_170 : i32
          %get3A_172 = arith.index_cast %add3A_171 : i32 to index
          %get3A_173 = tpu.vector_load %arg7[%get3A_172] {strides = array<i32>} : memref<62528xf32, #tpu.memory_space<vmem>>, vector<16xf32>,
          %get3A_174 = vector.shape_cast %get3A_173 : vector<16xf32> to vector<16xf32>
          %add3A_175 = arith.constant 32 : i32
          %add3A_176 = arith.addi %shift_left3A_145, %add3A_175 : i32
          %get3A_177 = arith.index_cast %add3A_176 : i32 to index
          %get3A_178 = tpu.vector_load %arg8[%get3A_177] {strides = array<i32>} : memref<65536xf32, #tpu.memory_space<vmem>>, vector<16xf32>,
          %get3A_179 = vector.shape_cast %get3A_178 : vector<16xf32> to vector<16xf32>
          %add3A_180 = arith.addf %get3A_174, %get3A_179 : vector<16xf32>
          %add3A_181 = arith.addf %while3A_130, %add3A_180 : vector<16xf32>
          %add3A_182 = arith.constant 48 : i32
          %add3A_183 = arith.addi %shift_left3A_141, %add3A_182 : i32
          %get3A_184 = arith.index_cast %add3A_183 : i32 to index
          %get3A_185 = tpu.vector_load %arg7[%get3A_184] {strides = array<i32>} : memref<62528xf32, #tpu.memory_space<vmem>>, vector<16xf32>,
          %get3A_186 = vector.shape_cast %get3A_185 : vector<16xf32> to vector<16xf32>
          %add3A_187 = arith.constant 48 : i32
          %add3A_188 = arith.addi %shift_left3A_145, %add3A_187 : i32
          %get3A_189 = arith.index_cast %add3A_188 : i32 to index
          %get3A_190 = tpu.vector_load %arg8[%get3A_189] {strides = array<i32>} : memref<65536xf32, #tpu.memory_space<vmem>>, vector<16xf32>,
          %get3A_191 = vector.shape_cast %get3A_190 : vector<16xf32> to vector<16xf32>
          %add3A_192 = arith.addf %get3A_186, %get3A_191 : vector<16xf32>
          %add3A_193 = arith.addf %while3A_131, %add3A_192 : vector<16xf32>
          scf.yield %add3A_157, %add3A_169, %add3A_181, %add3A_193 : vector<16xf32>, vector<16xf32>, vector<16xf32>, vector<16xf32>
        }
        %while3A_125 = arith.constant 1 : i32
        %while3A_126:4 = scf.for %while3A_127 = %while3A_122 to %while3A_118 step %while3A_125 iter_args(%while3A_128 = %while3A_124#0, %while3A_129 = %while3A_124#1, %while3A_130 = %while3A_124#2, %while3A_131 = %while3A_124#3) -> (vector<16xf32>, vector<16xf32>, vector<16xf32>, vector<16xf32>)  : i32 {
          %sub3A_132 = arith.subi %while3A_127, %multiple_of3A_95 : i32
          %get3A_133 = arith.index_cast %sub3A_132 : i32 to index
          %get3A_134 = tpu.vector_load %arg11[%get3A_133] {strides = array<i32>} : memref<1040xi32, #tpu.memory_space<vmem>>, vector<16xi32>,
          %get3A_135 = vector.shape_cast %get3A_134 : vector<16xi32> to vector<16xi32>
          %slice3A_136 = vector.extract_strided_slice %get3A_135 {offsets = [0], sizes = [1], strides = [1]} : vector<16xi32> to vector<1xi32>
          %squeeze3A_137 = vector.extract %slice3A_136[0] : i32 from vector<1xi32>
          %shift_right_logical3A_138 = arith.constant 10 : i32
          %shift_right_logical3A_139 = arith.shrui %squeeze3A_137, %shift_right_logical3A_138 : i32
          %shift_left3A_140 = arith.constant 6 : i32
          %shift_left3A_141 = arith.shli %shift_right_logical3A_139, %shift_left3A_140 : i32
          %and3A_142 = arith.constant 1023 : i32
          %and3A_143 = arith.andi %squeeze3A_137, %and3A_142 : i32
          %shift_left3A_144 = arith.constant 6 : i32
          %shift_left3A_145 = arith.shli %and3A_143, %shift_left3A_144 : i32
          %add3A_146 = arith.constant 0 : i32
          %add3A_147 = arith.addi %shift_left3A_141, %add3A_146 : i32
          %get3A_148 = arith.index_cast %add3A_147 : i32 to index
          %get3A_149 = tpu.vector_load %arg7[%get3A_148] {strides = array<i32>} : memref<62528xf32, #tpu.memory_space<vmem>>, vector<16xf32>,
          %get3A_150 = vector.shape_cast %get3A_149 : vector<16xf32> to vector<16xf32>
          %add3A_151 = arith.constant 0 : i32
          %add3A_152 = arith.addi %shift_left3A_145, %add3A_151 : i32
          %get3A_153 = arith.index_cast %add3A_152 : i32 to index
          %get3A_154 = tpu.vector_load %arg8[%get3A_153] {strides = array<i32>} : memref<65536xf32, #tpu.memory_space<vmem>>, vector<16xf32>,
          %get3A_155 = vector.shape_cast %get3A_154 : vector<16xf32> to vector<16xf32>
          %add3A_156 = arith.addf %get3A_150, %get3A_155 : vector<16xf32>
          %add3A_157 = arith.addf %while3A_128, %add3A_156 : vector<16xf32>
          %add3A_158 = arith.constant 16 : i32
          %add3A_159 = arith.addi %shift_left3A_141, %add3A_158 : i32
          %get3A_160 = arith.index_cast %add3A_159 : i32 to index
          %get3A_161 = tpu.vector_load %arg7[%get3A_160] {strides = array<i32>} : memref<62528xf32, #tpu.memory_space<vmem>>, vector<16xf32>,
          %get3A_162 = vector.shape_cast %get3A_161 : vector<16xf32> to vector<16xf32>
          %add3A_163 = arith.constant 16 : i32
          %add3A_164 = arith.addi %shift_left3A_145, %add3A_163 : i32
          %get3A_165 = arith.index_cast %add3A_164 : i32 to index
          %get3A_166 = tpu.vector_load %arg8[%get3A_165] {strides = array<i32>} : memref<65536xf32, #tpu.memory_space<vmem>>, vector<16xf32>,
          %get3A_167 = vector.shape_cast %get3A_166 : vector<16xf32> to vector<16xf32>
          %add3A_168 = arith.addf %get3A_162, %get3A_167 : vector<16xf32>
          %add3A_169 = arith.addf %while3A_129, %add3A_168 : vector<16xf32>
          %add3A_170 = arith.constant 32 : i32
          %add3A_171 = arith.addi %shift_left3A_141, %add3A_170 : i32
          %get3A_172 = arith.index_cast %add3A_171 : i32 to index
          %get3A_173 = tpu.vector_load %arg7[%get3A_172] {strides = array<i32>} : memref<62528xf32, #tpu.memory_space<vmem>>, vector<16xf32>,
          %get3A_174 = vector.shape_cast %get3A_173 : vector<16xf32> to vector<16xf32>
          %add3A_175 = arith.constant 32 : i32
          %add3A_176 = arith.addi %shift_left3A_145, %add3A_175 : i32
          %get3A_177 = arith.index_cast %add3A_176 : i32 to index
          %get3A_178 = tpu.vector_load %arg8[%get3A_177] {strides = array<i32>} : memref<65536xf32, #tpu.memory_space<vmem>>, vector<16xf32>,
          %get3A_179 = vector.shape_cast %get3A_178 : vector<16xf32> to vector<16xf32>
          %add3A_180 = arith.addf %get3A_174, %get3A_179 : vector<16xf32>
          %add3A_181 = arith.addf %while3A_130, %add3A_180 : vector<16xf32>
          %add3A_182 = arith.constant 48 : i32
          %add3A_183 = arith.addi %shift_left3A_141, %add3A_182 : i32
          %get3A_184 = arith.index_cast %add3A_183 : i32 to index
          %get3A_185 = tpu.vector_load %arg7[%get3A_184] {strides = array<i32>} : memref<62528xf32, #tpu.memory_space<vmem>>, vector<16xf32>,
          %get3A_186 = vector.shape_cast %get3A_185 : vector<16xf32> to vector<16xf32>
          %add3A_187 = arith.constant 48 : i32
          %add3A_188 = arith.addi %shift_left3A_145, %add3A_187 : i32
          %get3A_189 = arith.index_cast %add3A_188 : i32 to index
          %get3A_190 = tpu.vector_load %arg8[%get3A_189] {strides = array<i32>} : memref<65536xf32, #tpu.memory_space<vmem>>, vector<16xf32>,
          %get3A_191 = vector.shape_cast %get3A_190 : vector<16xf32> to vector<16xf32>
          %add3A_192 = arith.addf %get3A_186, %get3A_191 : vector<16xf32>
          %add3A_193 = arith.addf %while3A_131, %add3A_192 : vector<16xf32>
          scf.yield %add3A_157, %add3A_169, %add3A_181, %add3A_193 : vector<16xf32>, vector<16xf32>, vector<16xf32>, vector<16xf32>
        }
        scf.yield %multiple_of3A_95, %while3A_126#0, %while3A_126#1, %while3A_126#2, %while3A_126#3 : i32, vector<16xf32>, vector<16xf32>, vector<16xf32>, vector<16xf32>
      }
      %and3A = arith.constant 7 : i32
      %and3A_48 = arith.andi %scan3A_16, %and3A : i32
      %mul3A_49 = arith.constant 64 : i32
      %mul3A_50 = arith.muli %and3A_48, %mul3A_49 : i32
      %add3A_51 = arith.constant 0 : i32
      %add3A_52 = arith.addi %mul3A_50, %add3A_51 : i32
      %swap3A = arith.index_cast %add3A_52 : i32 to index
      %swap3A_53 = tpu.vector_load %arg12[%swap3A] {strides = array<i32>} : memref<512xf32, #tpu.memory_space<vmem>>, vector<16xf32>,
      %swap3A_54 = vector.shape_cast %swap3A_53 : vector<16xf32> to vector<16xf32>
      %swap3A_55 = vector.shape_cast %while3A_47#1 : vector<16xf32> to vector<16xf32>
      tpu.vector_store %arg12[%swap3A], %swap3A_55 {strides = array<i32>} : memref<512xf32, #tpu.memory_space<vmem>>, vector<16xf32>,
      %add3A_56 = arith.constant 16 : i32
      %add3A_57 = arith.addi %mul3A_50, %add3A_56 : i32
      %swap3A_58 = arith.index_cast %add3A_57 : i32 to index
      %swap3A_59 = tpu.vector_load %arg12[%swap3A_58] {strides = array<i32>} : memref<512xf32, #tpu.memory_space<vmem>>, vector<16xf32>,
      %swap3A_60 = vector.shape_cast %swap3A_59 : vector<16xf32> to vector<16xf32>
      %swap3A_61 = vector.shape_cast %while3A_47#2 : vector<16xf32> to vector<16xf32>
      tpu.vector_store %arg12[%swap3A_58], %swap3A_61 {strides = array<i32>} : memref<512xf32, #tpu.memory_space<vmem>>, vector<16xf32>,
      %add3A_62 = arith.constant 32 : i32
      %add3A_63 = arith.addi %mul3A_50, %add3A_62 : i32
      %swap3A_64 = arith.index_cast %add3A_63 : i32 to index
      %swap3A_65 = tpu.vector_load %arg12[%swap3A_64] {strides = array<i32>} : memref<512xf32, #tpu.memory_space<vmem>>, vector<16xf32>,
      %swap3A_66 = vector.shape_cast %swap3A_65 : vector<16xf32> to vector<16xf32>
      %swap3A_67 = vector.shape_cast %while3A_47#3 : vector<16xf32> to vector<16xf32>
      tpu.vector_store %arg12[%swap3A_64], %swap3A_67 {strides = array<i32>} : memref<512xf32, #tpu.memory_space<vmem>>, vector<16xf32>,
      %add3A_68 = arith.constant 48 : i32
      %add3A_69 = arith.addi %mul3A_50, %add3A_68 : i32
      %swap3A_70 = arith.index_cast %add3A_69 : i32 to index
      %swap3A_71 = tpu.vector_load %arg12[%swap3A_70] {strides = array<i32>} : memref<512xf32, #tpu.memory_space<vmem>>, vector<16xf32>,
      %swap3A_72 = vector.shape_cast %swap3A_71 : vector<16xf32> to vector<16xf32>
      %swap3A_73 = vector.shape_cast %while3A_47#4 : vector<16xf32> to vector<16xf32>
      tpu.vector_store %arg12[%swap3A_70], %swap3A_73 {strides = array<i32>} : memref<512xf32, #tpu.memory_space<vmem>>, vector<16xf32>,
      %eq3A = arith.constant 448 : i32
      %eq3A_74 = arith.cmpi eq, %mul3A_50, %eq3A : i32
      %convert_element_type3A_75 = arith.extui %eq3A_74 : i1 to i32
      %cond3A_76 = arith.constant 0 : i32
      %cond3A_77 = arith.cmpi ne, %convert_element_type3A_75, %cond3A_76 : i32
      scf.if %cond3A_77 {
        %add3A_78 = arith.addi %multiple_of3A, %scan3A_16 : i32
        %sub3A_79 = arith.constant 7 : i32
        %sub3A_80 = arith.subi %add3A_78, %sub3A_79 : i32
        %mul3A_81 = arith.constant 64 : i32
        %mul3A_82 = arith.muli %sub3A_80, %mul3A_81 : i32
        %multiple_of3A_83 = tpu.assume_multiple %mul3A_82, 512 : i32
        "tpu.region"() ({
          %run_scoped3A = tpu.sem_alloc : memref<!tpu.dma_semaphore, #tpu.memory_space<semaphore_mem>>
          %dma_start3A = tpu.memref_slice %arg6[%multiple_of3A_83] : memref<1048576xf32, #tpu.memory_space<hbm>> -> memref<512xf32, #tpu.memory_space<hbm>>
          %dma_start3A_84 = tpu.memref_slice %arg6[%multiple_of3A_83] : memref<1048576xf32, #tpu.memory_space<hbm>> -> memref<512xf32, #tpu.memory_space<hbm>>
          tpu.enqueue_dma source(%arg12 : memref<512xf32, #tpu.memory_space<vmem>>) target(%dma_start3A_84 : memref<512xf32, #tpu.memory_space<hbm>>) target_semaphore(%run_scoped3A : memref<!tpu.dma_semaphore, #tpu.memory_space<semaphore_mem>>)
          %dma_wait3A = tpu.memref_slice %arg6[%multiple_of3A_83] : memref<1048576xf32, #tpu.memory_space<hbm>> -> memref<512xf32, #tpu.memory_space<hbm>>
          %dma_wait3A_85 = tpu.memref_slice %arg6[%multiple_of3A_83] : memref<1048576xf32, #tpu.memory_space<hbm>> -> memref<512xf32, #tpu.memory_space<hbm>>
          tpu.wait_dma2 semaphore(%run_scoped3A : memref<!tpu.dma_semaphore, #tpu.memory_space<semaphore_mem>>) src(%arg12 : memref<512xf32, #tpu.memory_space<vmem>>) dst(%dma_wait3A_85 : memref<512xf32, #tpu.memory_space<hbm>>)
          tpu.yield
        }) : () -> ()
      } else {
      }
      scf.yield %while3A_47#0 : i32
    }
    %scan3A_15 = arith.constant 512 : i32
    return
  }
}

</mosaic_0001>

<sc_bundles>
// kernel: kernel.3.cloned.1.call-start
scs
__scs_entry_jumppad:
0x0: {  	(pc) =	sbr.rel $0x88, $3  }
0x1: {  	(tag) =	ssettag $0x0;
	lr =	simm.s32 $0x1  }
0x2: {  	[smem:$0x3F9D] =	sst lr;
	_ =	strace $0xD0000000  }
0x3: {  	_ = 	snop  }
0x4: {  	_ = 	snop  }
0x5: {  	_ = 	snop  }
0x6: {  	_ = 	snop  }
0x7: {  	_ = 	snop  }
__scs_overlays_trampoline_lowered:
0x8: {  	[smem:$0x3FAC] =	sst s0  }
0x9: {  	[smem:$0x3FAD] =	sst s1  }
0xa: {  	[smem:$0x3FAE] =	sst s2  }
0xb: {  	[smem:$0x3FAF] =	sst s3  }
0xc: {  	[smem:$0x3FB0] =	sst s4  }
0xd: {  	[smem:$0x3FB1] =	sst s5  }
0xe: {  	[smem:$0x3FB2] =	sst s6  }
0xf: {  	[smem:$0x3FB3] =	sst s7  }
0x10: {  	[smem:$0x3FB4] =	sst s8  }
0x11: {  	[smem:$0x3FB5] =	sst s9;
	s0 =	simm.s32 @!p0 $0x0  }
0x12: {  	s1 =	sld [smem:$0x3F9B];
	s0 =	simm.s32 @p0 $0x1  }
0x13: {  	[smem:$0x3FB6] =	sst s0;
	s0 =	simm.s32 @!p1 $0x0  }
0x14: {  	s2 =	sld [smem:$0x3F9A];
	s0 =	simm.s32 @p1 $0x1  }
0x15: {  	[smem:$0x3FB7] =	sst s0;
	s0 =	simm.s32 @!p2 $0x0  }
0x16: {  	s3 =	sld [smem:$0x3FDB];
	s0 =	simm.s32 @p2 $0x1  }
0x17: {  	s4 =	simm.s32 $0x1BF5;
	[smem:$0x3FB9] =	sst s0  }
0x18: {  	s0 =	sld [smem:$0x3F9C];
	_ =	swait.ge [sflag:s4], $0x0  }
0x19: {  	s7 =	sld [smem:$0x3F9D]  }
0x1a: {  	s8 =	sadd.s32 $0xFFFFE003, lr  }
0x1b: {  	s9 =	sadd.s32 $0xFFFFFEF7, lr;
	s5 =	simm.s32 $0xFFFFFFFF;
	p2 =	slt.u32 s8, $0xFFFFF086  }
0x1c: {  	p1 =	slt.u32 s9, $0xF7A;
	s5 =	simm.s32 @!p2 $0x0  }
0x1d: {  	s5 =	simm.s32 @p1 $0x1;
	p0 =	seq.s32 s7, s2  }
0x1e: {  	s7 =	smul.u32 @!p0 $0xF7A, s2;
	p2 =	seq.s32 @!p0 s5, $0x0  }
0x1f: {  	s9 =	smul.u32 $0xF7A, s1;
	s8 =	simm.s32 @!p0 $0x1BF5;
	p2 =	por !p2, p0  }
0x20: {  	[sflag:s8] =	ssyncset.s32 @!p0 $0xFFFFF086;
	s6 =	sadd.s32 @!p0 s3, s7;
	s7 =	simm.s32 @!p0 $0x108  }
0x21: {  	s3 =	sadd.s32 s3, s9;
	s6 =	sadd.s32 @!p0 $0x88, s6;
	s7 =	simm.s32 @p2 $0x1082  }
0x22: {  	[simem:s7], [sflag:s8] =	dma.local @!p0 [hbm:s6], $0xF7A  }
0x23: {  	s9 =	sor.u32 $0xD0000000, s2;
	s6 =	simm.s32 $0x108;
	_ =	swait.ge @!p0 [sflag:s8], $0x0  }
0x24: {  	s3 =	sadd.s32 $0x88, s3;
	s6 =	simm.s32 @!p1 $0x1082;
	[sflag:s4] =	ssyncset.s32 $0xFFFFF086  }
0x25: {  	[simem:s6], [sflag:s4] =	dma.local [hbm:s3], $0xF7A  }
0x26: {  	[smem:$0x3F9D] =	sst s1;
	(tag) =	ssettag s2;
	_ =	strace s9  }
0x27: {  	s1 =	sld [smem:$0x3FAD]  }
0x28: {  	s2 =	sld [smem:$0x3FAE]  }
0x29: {  	s4 =	sld [smem:$0x3FB0]  }
0x2a: {  	p0 =	seq.s32 s5, $0x0;
	s5 =	sld [smem:$0x3FB1]  }
0x2b: {  	s6 =	sld [smem:$0x3FB2]  }
0x2c: {  	s7 =	sld [smem:$0x3FB3]  }
0x2d: {  	s3 =	simm.s32 $0x108;
	s8 =	sld [smem:$0x3FB4]  }
0x2e: {  	s3 =	simm.s32 @!p0 $0x1082;
	s9 =	sld [smem:$0x3FB5]  }
0x2f: {  	lr =	sadd.s32 s0, s3;
	s0 =	sld [smem:$0x3FAC]  }
0x30: {  	s3 =	sld [smem:$0x3FAF]  }
0x31: {  	[smem:$0x3FB8] =	sst s10  }
0x32: {  	s10 =	sld [smem:$0x3FB6];
	_ =	sdelay $0x3  }
0x33: {  	p0 =	seq.s32 s10, $0x1;
	s10 =	sld [smem:$0x3FB8];
	_ =	sdelay $0x3  }
0x34: {  	[smem:$0x3FB8] =	sst s10  }
0x35: {  	s10 =	sld [smem:$0x3FB7];
	_ =	sdelay $0x3  }
0x36: {  	p1 =	seq.s32 s10, $0x1;
	s10 =	sld [smem:$0x3FB8];
	_ =	sdelay $0x3  }
0x37: {  	[smem:$0x3FB8] =	sst s10  }
0x38: {  	s10 =	sld [smem:$0x3FB9]  }
0x39: {  	_ = 	snop;
	(pc) =	sbr.ind lr, $3  }
0x3a: {  	_ = 	snop  }
0x3b: {  	_ = 	snop  }
0x3c: {  	p2 =	seq.s32 s10, $0x1;
	s10 =	sld [smem:$0x3FB8]  }
0x3d: {  	_ =	shalt  }
0x3e: {  	_ =	shalt  }
0x3f: {  	_ =	shalt  }
0x40: {  	_ =	shalt  }
0x41: {  	_ =	shalt  }
0x42: {  	_ =	shalt  }
0x43: {  	_ =	shalt  }
0x44: {  	_ =	shalt  }
0x45: {  	_ =	shalt  }
0x46: {  	_ =	shalt  }
0x47: {  	_ =	shalt  }
0x48: {  	_ =	shalt  }
0x49: {  	_ =	shalt  }
0x4a: {  	_ =	shalt  }
0x4b: {  	_ =	shalt  }
0x4c: {  	_ =	shalt  }
0x4d: {  	_ =	shalt  }
0x4e: {  	_ =	shalt  }
0x4f: {  	_ =	shalt  }
0x50: {  	_ =	shalt  }
0x51: {  	_ =	shalt  }
0x52: {  	_ =	shalt  }
0x53: {  	_ =	shalt  }
0x54: {  	_ =	shalt  }
0x55: {  	_ =	shalt  }
0x56: {  	_ =	shalt  }
0x57: {  	_ =	shalt  }
0x58: {  	_ =	shalt  }
0x59: {  	_ =	shalt  }
0x5a: {  	_ =	shalt  }
0x5b: {  	_ =	shalt  }
0x5c: {  	_ =	shalt  }
0x5d: {  	_ =	shalt  }
0x5e: {  	_ =	shalt  }
0x5f: {  	_ =	shalt  }
0x60: {  	_ =	shalt  }
0x61: {  	_ =	shalt  }
0x62: {  	_ =	shalt  }
0x63: {  	_ =	shalt  }
0x64: {  	_ =	shalt  }
0x65: {  	_ =	shalt  }
0x66: {  	_ =	shalt  }
0x67: {  	_ =	shalt  }
0x68: {  	_ =	shalt  }
0x69: {  	_ =	shalt  }
0x6a: {  	_ =	shalt  }
0x6b: {  	_ =	shalt  }
0x6c: {  	_ =	shalt  }
0x6d: {  	_ =	shalt  }
0x6e: {  	_ =	shalt  }
0x6f: {  	_ =	shalt  }
0x70: {  	_ =	shalt  }
0x71: {  	_ =	shalt  }
0x72: {  	_ =	shalt  }
0x73: {  	_ =	shalt  }
0x74: {  	_ =	shalt  }
0x75: {  	_ =	shalt  }
0x76: {  	_ =	shalt  }
0x77: {  	_ =	shalt  }
0x78: {  	_ =	shalt  }
0x79: {  	_ =	shalt  }
0x7a: {  	_ =	shalt  }
0x7b: {  	_ =	shalt  }
0x7c: {  	_ =	shalt  }
0x7d: {  	_ =	shalt  }
0x7e: {  	_ =	shalt  }
0x7f: {  	_ =	shalt  }
0x80: {  	_ =	shalt  }
0x81: {  	_ =	shalt  }
0x82: {  	_ =	shalt  }
0x83: {  	_ =	shalt  }
0x84: {  	_ =	shalt  }
0x85: {  	_ =	shalt  }
0x86: {  	_ =	shalt  }
0x87: {  	_ =	shalt  }
.Lfunc_end0:
.L_simem_size_0:
called_computation_lowered:
.L_overlay_start_0:
0x88: {  	s2 =	sld [smem:$0x3FD9]  }
0x89: {  	s3 =	sld [smem:$0x3FFE];
	_ =	sdelay $0x1  }
0x8a: {  	s1 =	srdreg.scid  }
0x8b: {  	s0 =	sand.u32 $0x1, s1  }
0x8c: {  	s17 =	sshll.u32 s0, $0xA;
	s2 =	sadd.s32 s3, s2  }
0x8d: {  	s2 =	sadd.s32 s2, s17  }
0x8e: {  	[smem:$0x3FC4] =	sst s2  }
0x8f: {  	_ = 	snop  }
0x90: {  	s2 =	sld [smem:$0x3FC9]  }
0x91: {  	s18 =	sld [smem:$0x3FC8]  }
0x92: {  	s4 =	sld [smem:$0x3FD0];
	(tm) =	ssettm $0x1  }
0x93: {  	s5 =	sld [smem:$0x3FFB];
	_ =	sdelay $0x3  }
0x94: {  	_ =	strace s5  }
0x95: {  	s5 =	sld [smem:$0x3FFC];
	_ =	sdelay $0x3  }
0x96: {  	_ =	strace s5  }
0x97: {  	s5 =	sld [smem:$0x3FFD];
	_ =	sdelay $0x3  }
0x98: {  	_ =	strace s5  }
0x99: {  	_ =	strace $0x8FFFFFFF  }
0x9a: {  	s19 =	sld [smem:$0x3FDB];
	_ =	sdelay $0x1  }
0x9b: {  	s6 =	simm.s32 $_scs_section_size  }
0x9c: {  	s7 =	simm.s32 $_size__tile_overlayer_lowered;
	s8 =	simm.s32 $_tile_overlayer_lowered  }
0x9d: {  	s22 =	simm.s32 $0x1BFF;
	s21 =	sshll.u32 s8, $0x1;
	s5 =	sadd.s32 s6, s19  }
0x9e: {  	s9 =	simm.s32 $0x0;
	s20 =	sshll.u32 s7, $0x1;
	s7 =	sadd.s32 s21, s5  }
0x9f: {  	[timem:s9], [sflag:s22] =	dma.local [hbm:s7], s20  }
0xa0: {  	_ =	swait.ge [sflag:s22], s20  }
0xa1: {  	s6 =	ssub.s32 $0x0, s20;
	[sflag:s22] =	ssyncset.done $0x0  }
0xa2: {  	[sflag:s22] =	ssyncadd.s32 s6;
	_ =	sdelay $0x1  }
0xa3: {  	s23 =	simm.s32 $0x1B8B  }
0xa4: {  	_ =	swait.ge [sflag:s23], $0x1  }
0xa5: {  	[sflag:s23] =	ssyncset.done $0x0  }
0xa6: {  	s25 =	simm.s32 $0x1B8E;
	s24 =	sld [smem:$0x3FFE];
	[sflag:s23] =	ssyncadd.s32 $0xFFFFFFFF  }
0xa7: {  	s26 =	simm.s32 $execute0_lowered;
	[smem:$0x3FD2] =	sst s25  }
0xa8: {  	s7 =	sshll.u32 s26, $0x1;
	_ =	strace $0x80000046;
	[dreg:$0x1] =	wrdreg $0xFFFFFFFF  }
0xa9: {  	s28 =	simm.s32 $_size_execute0_lowered;
	s5 =	sadd.s32 s5, s7;
	[dreg:$0x0] =	wrdreg $0x0  }
0xaa: {  	s7 =	sshll.u32 s28, $0x1;
	[dreg:$0x2] =	wrdreg s5  }
0xab: {  	[dreg:$0x3] =	wrdreg s7  }
0xac: {  	[dreg:$0x4] =	wrdreg $0xC0  }
0xad: {  	_ =	task [dreg:s9], $0x5FFFF  }
0xae: {  	[dreg:$0x1] =	wrdreg $0xFFFFFFFF  }
0xaf: {  	[dreg:$0x0] =	wrdreg $0x60  }
0xb0: {  	[dreg:$0x2] =	wrdreg s2  }
0xb1: {  	[dreg:$0x3] =	wrdreg s18  }
0xb2: {  	[dreg:$0x4] =	wrdreg s24  }
0xb3: {  	[dreg:$0x5] =	wrdreg s4  }
0xb4: {  	[dreg:$0x6] =	wrdreg $0x9  }
0xb5: {  	_ =	task.clear_ibuf [dreg:s9], $0x7FFFF;
	_ =	strace $0x90000046  }
0xb6: {  	s29 =	simm.s32 $0x9;
	_ =	strace $0x80000048  }
0xb7: {  	_ =	swait.ge [sflag:s29], $0x1  }
0xb8: {  	[sflag:s29] =	ssyncadd.s32 $0xFFFFFFFF  }
0xb9: {  	_ =	strace $0x90000048  }
0xba: {  	_ =	sfence  }
0xbb: {  	s30 =	sld [smem:$0x0];
	_ =	sdelay $0x2  }
0xbc: {  	s31 =	sshll.u32 s1, $0xD;
	s1 =	sshrl.u32 s1, $0x2  }
0xbd: {  	s3 =	sand.u32 $0x4000, s31;
	s1 =	sadd.s32 s1, s30  }
0xbe: {  	s0 =	sor.u32 s3, s0;
	s1 =	sshll.u32 s1, $0x11  }
0xbf: {  	s0 =	sor.u32 s1, s0  }
0xc0: {  	s0 =	sadd.s32 $0x8F2B, s0  }
0xc1: {  	[sflag:s0] =	ssyncadd.remote.s32 $0x1  }
0xc2: {  	_ =	sfence.sel $0xFFFF  }
0xc3: {  	[dreg:$0x0] =	wrdreg $0xFFFFFFFF;
	(pc) =	sbr.abs _section_cstart, $3  }
0xc4: {  	[dreg:$0x1] =	wrdreg $0xFFFFFFFF  }
0xc5: {  	_ =	task.clear_ibuf [dreg:s9], $0x2FFFF;
	_ =	strace $0x9FFFFFFF  }
0xc6: {  	(tm) =	ssettm $0x7FFFFFFF  }
0xc7: {  	_ =	shalt  }
tec
execute0_lowered:
.L_overlay_start_1:
0x0: {  	(tag) =	ssettag $0x1  }
0x1: {  	s17 =	rddreg [dreg:$0x0]  }
0x2: {  	s0 =	rddreg [dreg:$0x1]  }
0x3: {  	s1 =	rddreg [dreg:$0x2];
	s2 =	srdreg.scid  }
0x4: {  	s3 =	stileid.u32;
	s4 =	simm.s32 $0x0;
	s2 =	sand.u32 $0x1, s2  }
0x5: {  	s3 =	sshll.u32 s3, $0x1;
	[smem:$0x7FF] =	sst s4;
	s24 =	sadd.s32 $0x400, s1  }
0x6: {  	s1 =	sadd.s32 $0x2400, s1;
	_ =	strace $0x80000047;
	[dreg:$0x5] =	wrdreg s24  }
0x7: {  	s3 =	sor.u32 s2, s3;
	[dreg:$0x7] =	wrdreg s1;
	s26 =	ssub.s32 $0x2, s2  }
0x8: {  	s25 =	sshll.u32 s3, $0x9;
	s29 =	sshrl.u32 s26, $0x1;
	s5 =	sshll.u32 s3, $0x6  }
.Ltmp0:
0x9: {  	[dreg:$0x6] =	wrdreg s25;
	s28 =	sshrl.u32 s25, $0x3;
	(pc) =	sbr.rel .LBB2_1-.Ltmp0, $4  }
0xa: {  	s1 =	ssub.s32 s26, s29;
	s2 =	sadd.s32 s0, s28;
	s0 =	sadd.s32 s0, s5  }
0xb: {  	s31 =	smax.u32 s1, $0x1;
	[dreg:$0x8] =	wrdreg s0  }
0xc: {  	s30 =	sadd.s32 $0x40, s2;
	[dreg:$0xa] =	wrdreg s31  }
0xd: {  	p0 =	seq.s32 s3, $0x1F;
	s1 =	simm.s32 $0x0;
	[dreg:$0x9] =	wrdreg s30  }
.LBB2_27:
0xe: {  	s1 =	rddreg [dreg:$0xb]  }
0xf: {  	s0 =	rddreg [dreg:$0xa];
	s1 =	sadd.s32 $0x1, s1  }
0x10: {  	p1 =	sne.s32 s1, s0  }
.Ltmp1:
0x11: {  	_ = 	snop;
	(pc) =	sbr.rel @!p1 .LBB2_28-.Ltmp1, $1  }
0x12: {  	_ =	sdelay $0x3  }
.LBB2_1:
0x13: {  	[dreg:$0xb] =	wrdreg s1  }
0x14: {  	s0 =	simm.s32 $0x0;
	s28 =	rddreg [dreg:$0x5];
	s2 =	simm.s32 $0x1  }
0x15: {  	[tilespmem:s0], [sflag:$0x1] =	stream.linear.gather [hbm4b:s28+s0], $0xF480, $0x38;
	[tilespmem:$0x1FE00] =	vst v63  }
0x16: {  	_ =	swait.ge [sflag:s2], $0xF480  }
0x17: {  	[sflag:s2] =	ssyncset.done $0x0  }
0x18: {  	s3 =	simm.s32 $0xF480;
	s29 =	rddreg [dreg:$0x7];
	[sflag:s2] =	ssyncadd.s32 $0xFFFF0B80  }
0x19: {  	[tilespmem:s3], [sflag:$0x1] =	stream.linear.gather [hbm4b:s29+s0], $0x10000, $0x38;
	[tilespmem:$0x1FE00] =	vst v63  }
0x1a: {  	_ =	swait.ge [sflag:s2], $0x10000  }
0x1b: {  	[sflag:s2] =	ssyncset.done $0x0  }
0x1c: {  	s31 =	simm.s32 $0x1F480;
	s30 =	rddreg [dreg:$0x8];
	[sflag:s2] =	ssyncadd.s32 $0xFFFF0000  }
0x1d: {  	[tilespmem:s31], [sflag:$0x1] =	stream.linear.gather [hbm4b:s30+s0], $0x200, $0x38;
	[tilespmem:$0x1FE00] =	vst v63  }
0x1e: {  	_ =	swait.ge [sflag:s2], $0x200  }
0x1f: {  	s1 =	simm.s32 @!p0 $0x1F700;
	[sflag:s2] =	ssyncset.done $0x0  }
0x20: {  	s0 =	simm.s32 @!p0 $0x0;
	[sflag:s2] =	ssyncadd.s32 $0xFFFFFE00;
	s2 =	rddreg [dreg:$0x9]  }
0x21: {  	[tilespmem:s1], [sflag:$0x1] =	stream.linear.gather @!p0 [hbm4b:s2+s0], $0x8, $0x38;
	[tilespmem:$0x1FE00] =	vst v63  }
0x22: {  	s0 =	simm.s32 @!p0 $0x1  }
0x23: {  	_ =	swait.ge @!p0 [sflag:s0], $0x8  }
0x24: {  	[sflag:s0] =	ssyncset.done @!p0 $0x0  }
0x25: {  	[sflag:s0] =	ssyncadd.s32 @!p0 $0xFFFFFFF8  }
0x26: {  	v0 =	vld [tilespmem:$0x1F700];
	_ =	sdelay $0x4  }
0x27: {  	(v2sf) =	vpush v0, $0x0;
	_ =	sdelay $0xc  }
.Ltmp2:
0x28: {  	_ = 	snop;
	(pc) =	sbr.rel .LBB2_2-.Ltmp2, $4  }
0x29: {  	_ = 	snop  }
0x2a: {  	s0 =	spop (v2sf)  }
0x2b: {  	s0 =	simm.s32 @p0 $0xC8000  }
0x2c: {  	s16 =	simm.s32 $0xC0000000;
	s1 =	simm.s32 $0x0;
	[dreg:$0xc] =	wrdreg s0  }
.LBB2_3:
0x2d: {  	v3 =	vimm.f32 $0.0e+00  }
0x2e: {  	v2 =	vimm.f32 $0.0e+00;
	v1 =	vimm.f32 $0.0e+00;
	v0 =	vimm.f32 $0.0e+00  }
.LBB2_26:
0x2f: {  	s3 =	rddreg [dreg:$0xd]  }
0x30: {  	s0 =	sand.u32 $0x7, s3;
	s1 =	sshll.u32 s3, $0x6  }
0x31: {  	p1 =	sne.s32 s0, $0x7;
	s31 =	sand.u32 $0x1C0, s1;
	s1 =	rddreg [dreg:$0x6]  }
0x32: {  	s1 =	sadd.s32 @!p1 s1, s3  }
0x33: {  	[tilespmem:s31+$0x1FC00] =	vst v3;
	s1 =	sshll.u32 @!p1 s1, $0x6  }
0x34: {  	[tilespmem:s31+$0x1FC10] =	vst v2;
	s1 =	sadd.s32 @!p1 $0xFFFFFE40, s1  }
0x35: {  	s0 =	rddreg [dreg:$0x3];
	[tilespmem:s31+$0x1FC20] =	vst v1;
	s1 =	sshrl.u32 @!p1 s1, $0x3  }
0x36: {  	[tilespmem:s31+$0x1FC30] =	vst v0;
	s2 =	simm.s32 @!p1 $0x1FC00;
	s0 =	sadd.s32 @!p1 s0, s1;
	s1 =	simm.s32 @!p1 $0x0  }
0x37: {  	[hbm4b:s0+s1] =	stream.linear.scatter @!p1 [tilespmem:s2], [sflag:$0x1], $0x200, $0x38;
	[tilespmem:$0x1FE00] =	vst v63  }
0x38: {  	s1 =	sadd.s32 $0x1, s3  }
0x39: {  	p2 =	sne.s32 s1, $0x200  }
.Ltmp3:
0x3a: {  	_ = 	snop;
	(pc) =	sbr.rel @!p2 .LBB2_27-.Ltmp3, $4  }
0x3b: {  	s0 =	simm.s32 @!p1 $0x1  }
0x3c: {  	_ =	swait.ge @!p1 [sflag:s0], $0x200  }
0x3d: {  	[sflag:s0] =	ssyncset.done @!p1 $0x0  }
0x3e: {  	[sflag:s0] =	ssyncadd.s32 @!p1 $0xFFFFFE00  }
.LBB2_2:
0x3f: {  	v0 =	vld [tilespmem:s1+$0x1F480]  }
0x40: {  	v1 =	vld [tilespmem:s1+$0x1F481];
	_ =	sdelay $0x3  }
0x41: {  	(v2sf) =	vpush v0, $0x0  }
0x42: {  	(v2sf) =	vpush v1, $0x0;
	_ =	sdelay $0xd  }
0x43: {  	s18 =	spop (v2sf)  }
0x44: {  	p1 =	seq.s32 s1, $0x1FF;
	s0 =	rddreg [dreg:$0xc];
	s19 =	spop (v2sf)  }
0x45: {  	s19 =	smov.u32 @p1 s0  }
0x46: {  	s0 =	ssub.s32 s19, s18  }
0x47: {  	s0 =	sadd.s32 $0x1FF, s0  }
0x48: {  	s20 =	sshrl.u32 s0, $0x9  }
0x49: {  	p1 =	seq.s32 s20, $0x0  }
.Ltmp4:
0x4a: {  	_ = 	snop;
	(pc) =	sbr.rel @p1 .LBB2_3-.Ltmp4, $2  }
0x4b: {  	_ =	sdelay $0x2  }
0x4c: {  	[dreg:$0xd] =	wrdreg s1  }
.Ltmp5:
0x4d: {  	(pc) =	sbr.rel .LBB2_5-.Ltmp5, $4  }
0x4e: {  	_ = 	snop  }
0x4f: {  	s0 =	sshll.u32 s18, $0x2;
	s21 =	ssub.s32 $0x0, s18  }
0x50: {  	v0 =	vimm.f32 $0.0e+00;
	s22 =	sadd.s32 $0x200, s18;
	s24 =	simm.s32 $0x0;
	s0 =	sshra.s32 s0, $0x2  }
0x51: {  	s25 =	smov.u32 s18;
	v1 =	vimm.f32 $0.0e+00;
	v2 =	vimm.f32 $0.0e+00;
	v3 =	vimm.f32 $0.0e+00;
	[dreg:$0xe] =	wrdreg s18;
	s23 =	sadd.s32 $0x1F780, s0  }
.LBB2_15:
0x52: {  	v8 =	vmovc v2;
	v15 =	vmov v1;
	v11 =	vmov v0;
	v14 =	vmov v3  }
.LBB2_24:
0x53: {  	_ = 	snop  }
0x54: {  	v19 =	vld @p2 [tilespmem:s2+$0x10]  }
0x55: {  	s4 =	spop @p1 (v2sf);
	v20 =	vld @p2 [tilespmem:s3+$0xF490]  }
0x56: {  	v21 =	vld @p2 [tilespmem:s2+$0x20];
	s5 =	sshrl.u32 @p1 s4, $0x4  }
0x57: {  	v22 =	vld @p2 [tilespmem:s3+$0xF4A0];
	s2 =	sshll.u32 @p1 s4, $0x6;
	s4 =	sand.u32 @p1 $0xFFFFFC0, s5  }
0x58: {  	s2 =	sand.u32 @p1 $0xFFC0, s2;
	v23 =	vld @p1 [tilespmem:s4+$0x30]  }
0x59: {  	v24 =	vld @p1 [tilespmem:s2+$0xF4B0]  }
0x5a: {  	v25 =	vld @p1 [tilespmem:s4+$0x0]  }
0x5b: {  	v26 =	vld @p1 [tilespmem:s2+$0xF480];
	s1 =	smov.u32 @p1 s4  }
0x5c: {  	s0 =	smov.u32 @p1 s2;
	v27 =	vld @p1 [tilespmem:s1+$0x10]  }
0x5d: {  	v9 =	vadd.f32 @p3 v10, v9;
	v8 =	vadd.f32 @p3 v13, v8;
	v10 =	vld @p1 [tilespmem:s0+$0xF490];
	s26 =	spop (v2sf)  }
0x5e: {  	v12 =	vadd.f32 @p2 v16, v12;
	v16 =	vadd.f32 @p2 v18, v17;
	v17 =	vld @p1 [tilespmem:s1+$0x20];
	s28 =	sshrl.u32 s26, $0x4  }
0x5f: {  	v9 =	vadd.f32 @p3 v9, v15;
	v13 =	vld @p1 [tilespmem:s0+$0xF4A0];
	s29 =	sshll.u32 s26, $0x6;
	s30 =	sand.u32 $0xFFFFFC0, s28  }
0x60: {  	v8 =	vpsel p3, v8, v2;
	v11 =	vadd.f32 @p2 v12, v11;
	s31 =	sand.u32 $0xFFC0, s29;
	v54 =	vld [tilespmem:s30+$0x30]  }
0x61: {  	v9 =	vpsel p3, v9, v1;
	v12 =	vadd.f32 @p2 v16, v14;
	v15 =	vadd.f32 @p2 v20, v19;
	v55 =	vld [tilespmem:s31+$0xF4B0]  }
0x62: {  	v18 =	vpsel p2, v21, v0;
	v19 =	vpsel p2, v22, v0;
	v11 =	vpsel p2, v11, v0;
	v56 =	vld [tilespmem:s30+$0x0]  }
0x63: {  	v18 =	vadd.f32 @p2 v19, v18;
	v4 =	vpsel p1, v23, v4;
	v5 =	vpsel p1, v24, v5;
	v57 =	vld [tilespmem:s31+$0xF480]  }
0x64: {  	v15 =	vpsel p2, v15, v0;
	v6 =	vpsel p1, v25, v6;
	v4 =	vadd.f32 @p1 v5, v4;
	v5 =	vld [tilespmem:s30+$0x10]  }
0x65: {  	v7 =	vpsel p1, v26, v7;
	v8 =	vadd.f32 @p2 v15, v8;
	v9 =	vadd.f32 @p2 v18, v9;
	v58 =	vld [tilespmem:s31+$0xF490]  }
0x66: {  	v6 =	vadd.f32 @p1 v7, v6;
	v7 =	vpsel p2, v12, v3;
	v10 =	vadd.f32 @p1 v10, v27;
	v59 =	vld [tilespmem:s30+$0x20]  }
0x67: {  	v12 =	vpsel p1, v17, v0;
	v13 =	vpsel p1, v13, v0;
	v4 =	vadd.f32 @p1 v4, v11;
	v60 =	vld [tilespmem:s31+$0xF4A0]  }
0x68: {  	v6 =	vadd.f32 @p1 v6, v7;
	v7 =	vpsel p2, v8, v2;
	v8 =	vadd.f32 @p1 v13, v12  }
0x69: {  	v9 =	vpsel p2, v9, v1;
	v10 =	vpsel p1, v10, v0  }
0x6a: {  	v0 =	vpsel p1, v4, v0;
	v4 =	vadd.f32 @p1 v10, v7;
	v7 =	vadd.f32 @p1 v8, v9  }
0x6b: {  	v3 =	vpsel p1, v6, v3;
	v61 =	vadd.f32 v55, v54;
	v62 =	vadd.f32 v57, v56  }
0x6c: {  	v2 =	vpsel p1, v4, v2;
	v5 =	vadd.f32 v58, v5;
	v63 =	vadd.f32 v60, v59  }
0x6d: {  	v1 =	vpsel p1, v7, v1;
	v0 =	vadd.f32 v61, v0;
	v3 =	vadd.f32 v62, v3  }
0x6e: {  	v2 =	vadd.f32 v5, v2;
	v1 =	vadd.f32 v63, v1  }
.LBB2_25:
0x6f: {  	s24 =	sadd.s32 $0x1, s24  }
0x70: {  	p1 =	sne.s32 s24, s20  }
.Ltmp6:
0x71: {  	_ = 	snop;
	(pc) =	sbr.rel @!p1 .LBB2_26-.Ltmp6, $3  }
0x72: {  	_ =	sdelay $0x1  }
0x73: {  	s25 =	sadd.s32 $0x200, s25  }
0x74: {  	s21 =	sadd.s32 $0xFFFFFE00, s21;
	s22 =	sadd.s32 $0x200, s22;
	s23 =	sadd.s32 $0x200, s23  }
.LBB2_5:
0x75: {  	s0 =	sshll.u32 s24, $0x9  }
0x76: {  	s28 =	sadd.s32 s18, s0  }
0x77: {  	s0 =	sadd.s32 $0x200, s28  }
0x78: {  	s26 =	smov.u32 s19;
	s1 =	sand.u32 $0xFFFFFFF8, s28;
	p1 =	slt.s32 s0, s19  }
0x79: {  	s31 =	sadd.s32 $0x400, s16;
	p2 =	slt.s32 s1, $0xC7C00;
	s26 =	smov.u32 @p1 s0  }
0x7a: {  	s1 =	simm.s32 @!p2 $0xC7C00;
	p1 =	sle.s32 s26, s31  }
0x7b: {  	s2 =	sshrl.u32 @!p1 s1, $0x3  }
0x7c: {  	s3 =	simm.s32 @!p1 $0x0;
	s4 =	simm.s32 @!p1 $0x1F780;
	s2 =	sadd.s32 @!p1 s17, s2  }
0x7d: {  	[tilespmem:s4], [sflag:$0x2] =	stream.linear.gather @!p1 [hbm4b:s2+s3], $0x400, $0x38;
	[tilespmem:$0x1FE00] =	vst v63  }
0x7e: {  	p2 =	slt.s32 s19, s22;
	s30 =	ssub.s32 s26, s28;
	s3 =	smov.u32 s22  }
0x7f: {  	s3 =	smov.u32 @p2 s19;
	p2 =	slt.u32 s30, $0x8  }
.Ltmp7:
0x80: {  	_ = 	snop;
	(pc) =	sbr.rel @p2 .LBB2_13-.Ltmp7, $4  }
0x81: {  	s2 =	simm.s32 @!p1 $0x2  }
0x82: {  	_ =	swait.ge @!p1 [sflag:s2], $0x400  }
0x83: {  	p3 =	sgt.s32 s26, s31;
	[sflag:s2] =	ssyncset.done @!p1 $0x0  }
0x84: {  	s16 =	smov.u32 @p3 s1;
	s29 =	sadd.s32 s21, s3;
	[sflag:s2] =	ssyncadd.s32 @!p1 $0xFFFFFC00  }
0x85: {  	s0 =	sshll.u32 s16, $0x2  }
0x86: {  	s0 =	ssub.s32 $0x0, s0  }
0x87: {  	s0 =	sshra.s32 s0, $0x2  }
0x88: {  	s13 =	sadd.s32 s0, s23  }
0x89: {  	v7 =	vld [tilespmem:s13+$0x0];
	_ =	sdelay $0x3  }
0x8a: {  	s31 =	sshrl.u32 s29, $0x3  }
0x8b: {  	p2 =	sne.s32 s31, $0x1;
	(v2sf) =	vpush v7, $0x0  }
.Ltmp8:
0x8c: {  	(v2sf) =	vpush v7, $0x1;
	(pc) =	sbr.rel @!p2 .LBB2_7-.Ltmp8, $4  }
0x8d: {  	(v2sf) =	vpush v7, $0x2  }
0x8e: {  	(v2sf) =	vpush v7, $0x3  }
0x8f: {  	(v2sf) =	vpush v7, $0x4  }
0x90: {  	p1 =	por $0x0, $0x0;
	s1 =	sadd.s32 $0xFFFFFFFF, s31;
	(v2sf) =	vpush v7, $0x5  }
0x91: {  	_ =	sdelay $0x8  }
0x92: {  	s0 =	spop (v2sf)  }
0x93: {  	s2 =	sshrl.u32 s0, $0x4  }
0x94: {  	s0 =	sshll.u32 s0, $0x6;
	s3 =	sand.u32 $0xFFFFFC0, s2  }
0x95: {  	s4 =	sand.u32 $0xFFC0, s0;
	v4 =	vld [tilespmem:s3+$0x30]  }
0x96: {  	s12 =	spop (v2sf);
	v5 =	vld [tilespmem:s4+$0xF4B0]  }
0x97: {  	s5 =	sshrl.u32 s12, $0x4;
	v20 =	vld [tilespmem:s3+$0x0]  }
0x98: {  	s14 =	sshll.u32 s12, $0x6;
	s6 =	sand.u32 $0xFFFFFC0, s5;
	v21 =	vld [tilespmem:s4+$0xF480]  }
0x99: {  	(v2sf) =	vpush v7, $0x6;
	s9 =	sand.u32 $0xFFC0, s14;
	v6 =	vld [tilespmem:s6+$0x30]  }
0x9a: {  	(v2sf) =	vpush v7, $0x7;
	s15 =	spop (v2sf);
	v7 =	vld [tilespmem:s9+$0xF4B0]  }
0x9b: {  	s18 =	smov.u32 s20;
	s20 =	smov.u32 s17;
	s17 =	sshrl.u32 s15, $0x4;
	v22 =	vld [tilespmem:s6+$0x0]  }
0x9c: {  	s2 =	sshll.u32 s15, $0x6;
	s10 =	sand.u32 $0xFFFFFC0, s17;
	v23 =	vld [tilespmem:s9+$0xF480]  }
0x9d: {  	s14 =	sand.u32 $0xFFC0, s2;
	v8 =	vld [tilespmem:s10+$0x30]  }
0x9e: {  	s5 =	spop (v2sf);
	v9 =	vld [tilespmem:s14+$0xF4B0]  }
0x9f: {  	s7 =	sshrl.u32 s5, $0x4;
	v24 =	vld [tilespmem:s10+$0x0]  }
0xa0: {  	s8 =	sshll.u32 s5, $0x6;
	s15 =	sand.u32 $0xFFFFFC0, s7;
	v25 =	vld [tilespmem:s14+$0xF480]  }
0xa1: {  	s17 =	sand.u32 $0xFFC0, s8;
	v10 =	vld [tilespmem:s15+$0x30]  }
0xa2: {  	s11 =	spop (v2sf);
	v11 =	vld [tilespmem:s17+$0xF4B0]  }
0xa3: {  	s12 =	sshrl.u32 s11, $0x4;
	v26 =	vld [tilespmem:s15+$0x0]  }
0xa4: {  	s2 =	sshll.u32 s11, $0x6;
	s11 =	sand.u32 $0xFFFFFC0, s12;
	v27 =	vld [tilespmem:s17+$0xF480]  }
0xa5: {  	s31 =	sand.u32 $0xFFC0, s2;
	v12 =	vld [tilespmem:s11+$0x30]  }
0xa6: {  	v13 =	vld [tilespmem:s31+$0xF4B0]  }
0xa7: {  	s7 =	spop (v2sf);
	v28 =	vld [tilespmem:s11+$0x0]  }
0xa8: {  	s8 =	sshrl.u32 s7, $0x4;
	v29 =	vld [tilespmem:s31+$0xF480]  }
0xa9: {  	s2 =	sshll.u32 s7, $0x6;
	s0 =	sand.u32 $0xFFFFFC0, s8;
	v61 =	vld [tilespmem:s31+$0xF490]  }
0xaa: {  	s2 =	sand.u32 $0xFFC0, s2;
	v14 =	vld [tilespmem:s0+$0x30]  }
0xab: {  	v15 =	vld [tilespmem:s2+$0xF4B0]  }
0xac: {  	s12 =	spop (v2sf);
	v30 =	vld [tilespmem:s0+$0x0]  }
0xad: {  	s7 =	sshrl.u32 s12, $0x4;
	v31 =	vld [tilespmem:s2+$0xF480]  }
0xae: {  	s5 =	sshll.u32 s12, $0x6;
	s12 =	sand.u32 $0xFFFFFC0, s7;
	v63 =	vld [tilespmem:s2+$0xF490]  }
0xaf: {  	s5 =	sand.u32 $0xFFC0, s5;
	v16 =	vld [tilespmem:s12+$0x30]  }
0xb0: {  	s7 =	spop (v2sf);
	v17 =	vld [tilespmem:s5+$0xF4B0]  }
0xb1: {  	s8 =	sshrl.u32 s7, $0x4;
	v32 =	vld [tilespmem:s12+$0x0]  }
0xb2: {  	s7 =	sshll.u32 s7, $0x6;
	v33 =	vld [tilespmem:s5+$0xF480];
	s8 =	sand.u32 $0xFFFFFC0, s8  }
0xb3: {  	s7 =	sand.u32 $0xFFC0, s7;
	v18 =	vld [tilespmem:s8+$0x30]  }
0xb4: {  	v4 =	vadd.f32 v5, v4;
	v5 =	vadd.f32 v7, v6;
	v19 =	vld [tilespmem:s7+$0xF4B0]  }
0xb5: {  	v7 =	vadd.f32 v9, v8;
	v9 =	vld [tilespmem:s3+$0x10];
	v8 =	vadd.f32 v11, v10  }
0xb6: {  	v34 =	vld [tilespmem:s8+$0x0];
	v4 =	vadd.f32 v5, v4;
	v10 =	vadd.f32 v13, v12  }
0xb7: {  	v6 =	vld [tilespmem:s7+$0xF480];
	v59 =	vadd.f32 v29, v28;
	v11 =	vadd.f32 v15, v14  }
0xb8: {  	v12 =	vld [tilespmem:s4+$0xF490];
	v5 =	vadd.f32 v8, v7;
	v60 =	vadd.f32 v31, v30  }
0xb9: {  	v15 =	vld [tilespmem:s6+$0x10];
	v13 =	vadd.f32 v17, v16;
	v14 =	vadd.f32 v19, v18  }
0xba: {  	v8 =	vld [tilespmem:s9+$0xF490];
	v16 =	vadd.f32 v23, v22;
	v17 =	vadd.f32 v25, v24  }
0xbb: {  	v7 =	vadd.f32 v11, v10;
	v11 =	vld [tilespmem:s10+$0x10];
	v10 =	vadd.f32 v14, v13  }
0xbc: {  	v62 =	vadd.f32 v33, v32;
	v4 =	vadd.f32 v5, v4;
	v18 =	vld [tilespmem:s17+$0xF490]  }
0xbd: {  	v19 =	vld [tilespmem:s11+$0x10];
	v6 =	vadd.f32 v6, v34;
	v5 =	vadd.f32 v10, v7  }
0xbe: {  	s13 =	sadd.s32 $0x8, s13;
	v9 =	vadd.f32 v12, v9;
	v13 =	vadd.f32 v21, v20;
	v14 =	vld [tilespmem:s14+$0xF490]  }
0xbf: {  	v7 =	vld [tilespmem:s13+$0x0];
	v4 =	vadd.f32 v5, v4;
	v5 =	vadd.f32 v27, v26  }
0xc0: {  	v12 =	vld [tilespmem:s12+$0x10];
	v6 =	vadd.f32 v6, v62;
	v13 =	vadd.f32 v16, v13  }
0xc1: {  	v10 =	vld [tilespmem:s15+$0x10];
	v5 =	vadd.f32 v5, v17;
	v17 =	vadd.f32 v60, v59  }
0xc2: {  	v8 =	vadd.f32 v8, v15;
	v15 =	vld [tilespmem:s4+$0xF4A0]  }
0xc3: {  	v16 =	vld [tilespmem:s0+$0x10];
	v5 =	vadd.f32 v5, v13;
	v6 =	vadd.f32 v6, v17  }
0xc4: {  	v11 =	vadd.f32 v14, v11;
	v14 =	vld [tilespmem:s8+$0x10];
	(v2sf) =	vpush v7, $0x0  }
0xc5: {  	v0 =	vadd.f32 v4, v0;
	v4 =	vadd.f32 v6, v5;
	v5 =	vld [tilespmem:s7+$0xF490]  }
0xc6: {  	v10 =	vadd.f32 v18, v10;
	v13 =	vld [tilespmem:s5+$0xF490];
	(v2sf) =	vpush v7, $0x1  }
0xc7: {  	v17 =	vld [tilespmem:s6+$0x20];
	(v2sf) =	vpush v7, $0x2;
	v6 =	vadd.f32 v8, v9  }
0xc8: {  	v8 =	vadd.f32 v10, v11;
	v10 =	vld [tilespmem:s3+$0x20];
	v9 =	vadd.f32 v63, v16  }
0xc9: {  	p2 =	sne.s32 s1, $0x1;
	v16 =	vld [tilespmem:s9+$0xF4A0];
	(v2sf) =	vpush v7, $0x3;
	v3 =	vadd.f32 v4, v3  }
.Ltmp9:
0xca: {  	v11 =	vld [tilespmem:s14+$0xF4A0];
	v4 =	vadd.f32 v61, v19;
	v5 =	vadd.f32 v5, v14;
	(pc) =	sbr.rel @!p2 .LBB2_9-.Ltmp9, $4  }
0xcb: {  	v6 =	vadd.f32 v8, v6;
	v8 =	vld [tilespmem:s10+$0x20];
	v13 =	vadd.f32 v13, v12  }
0xcc: {  	(v2sf) =	vpush v7, $0x4;
	v12 =	vld [tilespmem:s15+$0x20];
	v9 =	vadd.f32 v9, v4  }
0xcd: {  	v10 =	vadd.f32 v15, v10;
	v14 =	vld [tilespmem:s17+$0xF4A0];
	v15 =	vadd.f32 v5, v13  }
0xce: {  	p1 =	por $0x1, $0x1;
	s9 =	sadd.s32 $0xFFFFFFFF, s1;
	(v2sf) =	vpush v7, $0x5;
	v4 =	vmovc v1;
	v13 =	vadd.f32 v16, v17;
	v16 =	vld [tilespmem:s11+$0x20];
	v5 =	vmov v2  }
.LBB2_10:
0xcf: {  	p2 =	sne.s32 s9, $0x1;
	v9 =	vadd.f32 v15, v9;
	v15 =	vld [tilespmem:s31+$0xF4A0]  }
0xd0: {  	(v2sf) =	vpush v7, $0x6;
	v8 =	vadd.f32 v11, v8;
	v11 =	vld [tilespmem:s0+$0x20]  }
0xd1: {  	v10 =	vadd.f32 v13, v10;
	v6 =	vadd.f32 v9, v6;
	v9 =	vld [tilespmem:s2+$0xF4A0]  }
0xd2: {  	(v2sf) =	vpush v7, $0x7;
	v7 =	vadd.f32 v14, v12;
	v12 =	vld [tilespmem:s12+$0x20]  }
0xd3: {  	s0 =	spop (v2sf);
	v5 =	vadd.f32 v6, v5;
	v6 =	vld [tilespmem:s5+$0xF4A0]  }
0xd4: {  	s1 =	sshrl.u32 s0, $0x4;
	v13 =	vadd.f32 v15, v16;
	v14 =	vld [tilespmem:s8+$0x20];
	v7 =	vadd.f32 v7, v8  }
0xd5: {  	s0 =	sshll.u32 s0, $0x6;
	s10 =	sand.u32 $0xFFFFFC0, s1;
	s1 =	spop (v2sf);
	v8 =	vld [tilespmem:s7+$0xF4A0]  }
0xd6: {  	s4 =	sand.u32 $0xFFC0, s0;
	s2 =	sshrl.u32 s1, $0x4;
	v15 =	vld [tilespmem:s10+$0x30];
	v9 =	vadd.f32 v9, v11;
	v7 =	vadd.f32 v7, v10  }
0xd7: {  	s0 =	sshll.u32 s1, $0x6;
	s11 =	sand.u32 $0xFFFFFC0, s2;
	v10 =	vld [tilespmem:s4+$0xF4B0];
	s1 =	spop (v2sf)  }
0xd8: {  	s14 =	sand.u32 $0xFFC0, s0;
	s2 =	sshrl.u32 s1, $0x4;
	v11 =	vld [tilespmem:s11+$0x30];
	v6 =	vadd.f32 v6, v12;
	v9 =	vadd.f32 v9, v13  }
0xd9: {  	s0 =	sshll.u32 s1, $0x6;
	s3 =	sand.u32 $0xFFFFFC0, s2;
	v12 =	vld [tilespmem:s14+$0xF4B0];
	s1 =	spop (v2sf)  }
0xda: {  	s6 =	sand.u32 $0xFFC0, s0;
	s2 =	sshrl.u32 s1, $0x4;
	v13 =	vld [tilespmem:s3+$0x30];
	v8 =	vadd.f32 v8, v14  }
0xdb: {  	s0 =	sshll.u32 s1, $0x6;
	s15 =	sand.u32 $0xFFFFFC0, s2;
	v14 =	vld [tilespmem:s6+$0xF4B0];
	s2 =	spop (v2sf)  }
0xdc: {  	s1 =	sand.u32 $0xFFC0, s0;
	s5 =	sshrl.u32 s2, $0x4;
	v16 =	vld [tilespmem:s15+$0x30];
	v6 =	vadd.f32 v8, v6  }
0xdd: {  	s0 =	sshll.u32 s2, $0x6;
	s17 =	sand.u32 $0xFFFFFC0, s5;
	v8 =	vld [tilespmem:s1+$0xF4B0];
	s2 =	spop (v2sf)  }
0xde: {  	s31 =	sand.u32 $0xFFC0, s0;
	s5 =	sshrl.u32 s2, $0x4;
	v17 =	vld [tilespmem:s17+$0x30];
	v6 =	vadd.f32 v6, v9  }
0xdf: {  	s2 =	sshll.u32 s2, $0x6;
	s0 =	sand.u32 $0xFFFFFC0, s5;
	v9 =	vld [tilespmem:s31+$0xF4B0];
	s5 =	spop (v2sf)  }
0xe0: {  	s2 =	sand.u32 $0xFFC0, s2;
	s7 =	sshrl.u32 s5, $0x4;
	v18 =	vld [tilespmem:s0+$0x30];
	v6 =	vadd.f32 v6, v7  }
0xe1: {  	s5 =	sshll.u32 s5, $0x6;
	s12 =	sand.u32 $0xFFFFFC0, s7;
	v7 =	vld [tilespmem:s2+$0xF4B0];
	s7 =	spop (v2sf)  }
0xe2: {  	s5 =	sand.u32 $0xFFC0, s5;
	s8 =	sshrl.u32 s7, $0x4;
	v19 =	vld [tilespmem:s12+$0x30];
	v4 =	vadd.f32 v6, v4  }
0xe3: {  	s7 =	sshll.u32 s7, $0x6;
	s8 =	sand.u32 $0xFFFFFC0, s8;
	v6 =	vld [tilespmem:s5+$0xF4B0]  }
0xe4: {  	s7 =	sand.u32 $0xFFC0, s7;
	v20 =	vld [tilespmem:s8+$0x30]  }
0xe5: {  	v21 =	vld [tilespmem:s7+$0xF4B0]  }
0xe6: {  	v22 =	vld [tilespmem:s10+$0x0]  }
0xe7: {  	v10 =	vadd.f32 v10, v15;
	v11 =	vadd.f32 v12, v11;
	v23 =	vld [tilespmem:s4+$0xF480]  }
0xe8: {  	v13 =	vadd.f32 v14, v13;
	v8 =	vadd.f32 v8, v16;
	v12 =	vld [tilespmem:s11+$0x0]  }
0xe9: {  	v9 =	vadd.f32 v9, v17;
	v7 =	vadd.f32 v7, v18;
	v14 =	vld [tilespmem:s14+$0xF480]  }
0xea: {  	v6 =	vadd.f32 v6, v19;
	v15 =	vld [tilespmem:s3+$0x0];
	v16 =	vadd.f32 v21, v20  }
0xeb: {  	v10 =	vadd.f32 v11, v10;
	v8 =	vadd.f32 v8, v13;
	v17 =	vld [tilespmem:s6+$0xF480]  }
0xec: {  	v7 =	vadd.f32 v7, v9;
	v11 =	vld [tilespmem:s15+$0x0];
	v6 =	vadd.f32 v16, v6  }
0xed: {  	v9 =	vadd.f32 v23, v22;
	v13 =	vld [tilespmem:s1+$0xF480]  }
0xee: {  	v8 =	vadd.f32 v8, v10;
	v16 =	vld [tilespmem:s17+$0x0];
	v6 =	vadd.f32 v6, v7  }
0xef: {  	v7 =	vadd.f32 v14, v12;
	v10 =	vld [tilespmem:s31+$0xF480]  }
0xf0: {  	v12 =	vadd.f32 v17, v15;
	v14 =	vld [tilespmem:s0+$0x0];
	v6 =	vadd.f32 v6, v8  }
0xf1: {  	v7 =	vadd.f32 v7, v9;
	v8 =	vld [tilespmem:s2+$0xF480]  }
0xf2: {  	v9 =	vadd.f32 v13, v11;
	v11 =	vld [tilespmem:s12+$0x0];
	v0 =	vadd.f32 v6, v0  }
0xf3: {  	v6 =	vld [tilespmem:s5+$0xF480]  }
0xf4: {  	v10 =	vadd.f32 v10, v16;
	v13 =	vld [tilespmem:s8+$0x0];
	v9 =	vadd.f32 v9, v12  }
0xf5: {  	v12 =	vld [tilespmem:s7+$0xF480]  }
0xf6: {  	v8 =	vadd.f32 v8, v14;
	v9 =	vadd.f32 v9, v7;
	v7 =	vld [tilespmem:s10+$0x10]  }
0xf7: {  	v14 =	vld [tilespmem:s4+$0xF490]  }
0xf8: {  	v6 =	vadd.f32 v6, v11;
	v8 =	vadd.f32 v8, v10;
	v10 =	vld [tilespmem:s11+$0x10]  }
0xf9: {  	v11 =	vld [tilespmem:s14+$0xF490]  }
0xfa: {  	v12 =	vadd.f32 v12, v13;
	v13 =	vld [tilespmem:s3+$0x10]  }
0xfb: {  	v15 =	vld [tilespmem:s6+$0xF490]  }
0xfc: {  	v6 =	vadd.f32 v12, v6;
	v12 =	vadd.f32 v14, v7;
	v14 =	vld [tilespmem:s15+$0x10]  }
0xfd: {  	v16 =	vld [tilespmem:s1+$0xF490]  }
0xfe: {  	v6 =	vadd.f32 v6, v8;
	v8 =	vadd.f32 v11, v10;
	v10 =	vld [tilespmem:s17+$0x10]  }
0xff: {  	s13 =	sadd.s32 $0x8, s13;
	v11 =	vld [tilespmem:s31+$0xF490]  }
0x100: {  	v7 =	vld [tilespmem:s13+$0x0];
	v13 =	vadd.f32 v15, v13;
	v8 =	vadd.f32 v8, v12  }
0x101: {  	v6 =	vadd.f32 v6, v9;
	v9 =	vld [tilespmem:s0+$0x10]  }
0x102: {  	v12 =	vadd.f32 v16, v14;
	v14 =	vld [tilespmem:s2+$0xF490]  }
0x103: {  	v3 =	vadd.f32 v6, v3;
	v15 =	vld [tilespmem:s12+$0x10]  }
0x104: {  	v10 =	vadd.f32 v11, v10;
	v11 =	vld [tilespmem:s5+$0xF490];
	v6 =	vadd.f32 v12, v13  }
0x105: {  	(v2sf) =	vpush v7, $0x0;
	v12 =	vld [tilespmem:s8+$0x10]  }
0x106: {  	v13 =	vld [tilespmem:s7+$0xF490];
	v6 =	vadd.f32 v6, v8  }
0x107: {  	(v2sf) =	vpush v7, $0x1;
	v8 =	vadd.f32 v14, v9;
	v14 =	vld [tilespmem:s10+$0x20]  }
0x108: {  	v16 =	vld [tilespmem:s4+$0xF4A0]  }
0x109: {  	(v2sf) =	vpush v7, $0x2;
	v15 =	vadd.f32 v11, v15;
	v17 =	vld [tilespmem:s11+$0x20]  }
0x10a: {  	v9 =	vadd.f32 v8, v10;
	v18 =	vld [tilespmem:s14+$0xF4A0]  }
.Ltmp10:
0x10b: {  	(v2sf) =	vpush v7, $0x3;
	v13 =	vadd.f32 v13, v12;
	v8 =	vld [tilespmem:s3+$0x20];
	(pc) =	sbr.rel @p2 .LBB2_10-.Ltmp10, $4  }
0x10c: {  	v11 =	vld [tilespmem:s6+$0xF4A0]  }
0x10d: {  	(v2sf) =	vpush v7, $0x4;
	v10 =	vadd.f32 v16, v14;
	v12 =	vld [tilespmem:s15+$0x20]  }
0x10e: {  	v15 =	vadd.f32 v13, v15;
	v14 =	vld [tilespmem:s1+$0xF4A0]  }
0x10f: {  	s9 =	sadd.s32 $0xFFFFFFFF, s9;
	(v2sf) =	vpush v7, $0x5;
	v13 =	vadd.f32 v18, v17;
	v16 =	vld [tilespmem:s17+$0x20]  }
0x110: {  	s17 =	smov.u32 s20;
	s20 =	smov.u32 s18;
	s18 =	rddreg [dreg:$0xe]  }
.LBB2_12:
0x111: {  	v17 =	vld @p1 [tilespmem:s31+$0xF4A0]  }
0x112: {  	v18 =	vld @p1 [tilespmem:s0+$0x20]  }
0x113: {  	v19 =	vld @p1 [tilespmem:s2+$0xF4A0]  }
0x114: {  	v20 =	vld @p1 [tilespmem:s5+$0xF4A0]  }
0x115: {  	v21 =	vld @p1 [tilespmem:s8+$0x20];
	s6 =	spop (v2sf)  }
0x116: {  	(v2sf) =	vpush v7, $0x6;
	v22 =	vld @p1 [tilespmem:s7+$0xF4A0];
	s1 =	sshrl.u32 s6, $0x4  }
0x117: {  	(v2sf) =	vpush v7, $0x7;
	v7 =	vld @p1 [tilespmem:s12+$0x20];
	s8 =	sshll.u32 s6, $0x6;
	s0 =	sand.u32 $0xFFFFFC0, s1  }
0x118: {  	s1 =	sand.u32 $0xFFC0, s8;
	v23 =	vld [tilespmem:s0+$0x30]  }
0x119: {  	v24 =	vld [tilespmem:s1+$0xF4B0]  }
0x11a: {  	v39 =	vld [tilespmem:s0+$0x0]  }
0x11b: {  	v40 =	vld [tilespmem:s1+$0xF480]  }
0x11c: {  	s3 =	spop (v2sf);
	v55 =	vld [tilespmem:s0+$0x10]  }
0x11d: {  	s4 =	sshrl.u32 s3, $0x4;
	v56 =	vld [tilespmem:s1+$0xF490]  }
0x11e: {  	s3 =	sshll.u32 s3, $0x6;
	v7 =	vadd.f32 @p1 v20, v7;
	v20 =	vld [tilespmem:s0+$0x20];
	s2 =	sand.u32 $0xFFFFFC0, s4  }
0x11f: {  	s3 =	sand.u32 $0xFFC0, s3;
	v25 =	vld [tilespmem:s2+$0x30]  }
0x120: {  	v26 =	vld [tilespmem:s3+$0xF4B0]  }
0x121: {  	v41 =	vld [tilespmem:s2+$0x0]  }
0x122: {  	v42 =	vld [tilespmem:s3+$0xF480]  }
0x123: {  	v9 =	vadd.f32 @p1 v15, v9;
	v8 =	vadd.f32 @p1 v11, v8;
	s9 =	spop (v2sf);
	v15 =	vld [tilespmem:s2+$0x10]  }
0x124: {  	v11 =	vadd.f32 @p1 v14, v12;
	v14 =	vadd.f32 @p1 v17, v16;
	s10 =	sshrl.u32 s9, $0x4;
	v12 =	vld [tilespmem:s3+$0xF490]  }
0x125: {  	v16 =	vadd.f32 @p1 v19, v18;
	v18 =	vadd.f32 @p1 v22, v21;
	s6 =	sshll.u32 s9, $0x6;
	v21 =	vld [tilespmem:s3+$0xF4A0];
	s4 =	sand.u32 $0xFFFFFC0, s10  }
0x126: {  	s5 =	sand.u32 $0xFFC0, s6;
	v27 =	vld [tilespmem:s4+$0x30]  }
0x127: {  	v28 =	vld [tilespmem:s5+$0xF4B0]  }
0x128: {  	v43 =	vld [tilespmem:s4+$0x0]  }
0x129: {  	v44 =	vld [tilespmem:s5+$0xF480]  }
0x12a: {  	v17 =	vld [tilespmem:s4+$0x10]  }
0x12b: {  	s11 =	spop (v2sf);
	v19 =	vld [tilespmem:s5+$0xF490]  }
0x12c: {  	s12 =	sshrl.u32 s11, $0x4;
	v59 =	vld [tilespmem:s4+$0x20]  }
0x12d: {  	s7 =	sshll.u32 s11, $0x6;
	s6 =	sand.u32 $0xFFFFFC0, s12;
	v60 =	vadd.f32 v24, v23;
	v24 =	vld [tilespmem:s1+$0xF4A0]  }
0x12e: {  	s7 =	sand.u32 $0xFFC0, s7;
	v29 =	vld [tilespmem:s6+$0x30]  }
0x12f: {  	v30 =	vld [tilespmem:s7+$0xF4B0]  }
0x130: {  	v45 =	vld [tilespmem:s6+$0x0]  }
0x131: {  	v46 =	vld [tilespmem:s7+$0xF480]  }
0x132: {  	v8 =	vadd.f32 @p1 v11, v8;
	s13 =	spop (v2sf);
	v11 =	vld [tilespmem:s6+$0x10]  }
0x133: {  	v10 =	vadd.f32 @p1 v13, v10;
	v13 =	vadd.f32 @p1 v16, v14;
	s9 =	sshrl.u32 s13, $0x4;
	v14 =	vld [tilespmem:s7+$0xF490]  }
0x134: {  	s10 =	sshll.u32 s13, $0x6;
	s8 =	sand.u32 $0xFFFFFC0, s9;
	v61 =	vadd.f32 v26, v25;
	v26 =	vld [tilespmem:s2+$0x20]  }
0x135: {  	s9 =	sand.u32 $0xFFC0, s10;
	v31 =	vld [tilespmem:s8+$0x30]  }
0x136: {  	v32 =	vld [tilespmem:s9+$0xF4B0]  }
0x137: {  	v7 =	vadd.f32 @p1 v18, v7;
	v47 =	vld [tilespmem:s8+$0x0]  }
0x138: {  	v6 =	vadd.f32 @p1 v9, v6;
	v48 =	vld [tilespmem:s9+$0xF480]  }
0x139: {  	v8 =	vadd.f32 @p1 v8, v10;
	v7 =	vadd.f32 @p1 v7, v13;
	v9 =	vld [tilespmem:s8+$0x10]  }
0x13a: {  	v5 =	vadd.f32 @p1 v6, v5;
	v10 =	vld [tilespmem:s9+$0xF490]  }
0x13b: {  	v6 =	vadd.f32 @p1 v7, v8;
	s11 =	spop (v2sf);
	v8 =	vadd.f32 v61, v60;
	v61 =	vld [tilespmem:s5+$0xF4A0]  }
0x13c: {  	s14 =	sshrl.u32 s11, $0x4;
	v58 =	vadd.f32 v44, v43;
	v43 =	vld [tilespmem:s7+$0xF4A0]  }
0x13d: {  	s11 =	sshll.u32 s11, $0x6;
	s10 =	sand.u32 $0xFFFFFC0, s14;
	v44 =	vld [tilespmem:s8+$0x20]  }
0x13e: {  	s11 =	sand.u32 $0xFFC0, s11;
	v33 =	vld [tilespmem:s10+$0x30]  }
0x13f: {  	v34 =	vld [tilespmem:s11+$0xF4B0]  }
0x140: {  	v49 =	vld [tilespmem:s10+$0x0]  }
0x141: {  	s15 =	spop (v2sf);
	v50 =	vld [tilespmem:s11+$0xF480]  }
0x142: {  	s13 =	sshrl.u32 s15, $0x4;
	v13 =	vld [tilespmem:s10+$0x10]  }
0x143: {  	s14 =	sshll.u32 s15, $0x6;
	v7 =	vld [tilespmem:s11+$0xF490];
	s12 =	sand.u32 $0xFFFFFC0, s13  }
0x144: {  	s14 =	sand.u32 $0xFFC0, s14;
	v35 =	vld [tilespmem:s12+$0x30]  }
0x145: {  	v36 =	vld [tilespmem:s14+$0xF4B0]  }
0x146: {  	v57 =	vadd.f32 v42, v41;
	v12 =	vadd.f32 v12, v15;
	v51 =	vld [tilespmem:s12+$0x0]  }
0x147: {  	v4 =	vadd.f32 @p1 v6, v4;
	v6 =	vadd.f32 v40, v39;
	s31 =	spop (v2sf);
	v52 =	vld [tilespmem:s14+$0xF480]  }
0x148: {  	v62 =	vadd.f32 v28, v27;
	v17 =	vadd.f32 v19, v17;
	s15 =	sshrl.u32 s31, $0x4;
	v18 =	vld [tilespmem:s12+$0x10]  }
0x149: {  	v6 =	vadd.f32 v57, v6;
	v57 =	vadd.f32 v24, v20;
	s13 =	sshll.u32 s31, $0x6;
	s15 =	sand.u32 $0xFFFFFC0, s15;
	v22 =	vld [tilespmem:s14+$0xF490]  }
0x14a: {  	v63 =	vadd.f32 v30, v29;
	v60 =	vadd.f32 v46, v45;
	s13 =	sand.u32 $0xFFC0, s13;
	v37 =	vld [tilespmem:s15+$0x30]  }
0x14b: {  	v11 =	vadd.f32 v14, v11;
	v38 =	vld [tilespmem:s13+$0xF4B0];
	v32 =	vadd.f32 v32, v31  }
0x14c: {  	v53 =	vld [tilespmem:s15+$0x0];
	v16 =	vadd.f32 v60, v58;
	v9 =	vadd.f32 v10, v9  }
0x14d: {  	v54 =	vld [tilespmem:s13+$0xF480];
	v11 =	vadd.f32 v11, v17;
	v58 =	vadd.f32 v21, v26  }
0x14e: {  	v25 =	vld [tilespmem:s15+$0x10];
	v59 =	vadd.f32 v61, v59;
	v33 =	vadd.f32 v34, v33  }
0x14f: {  	v28 =	vld [tilespmem:s13+$0xF490];
	v6 =	vadd.f32 v16, v6;
	v34 =	vadd.f32 v36, v35  }
0x150: {  	v36 =	vadd.f32 v63, v62;
	v62 =	vadd.f32 v48, v47;
	v47 =	vld [tilespmem:s9+$0xF4A0]  }
0x151: {  	v63 =	vadd.f32 v50, v49;
	v49 =	vld [tilespmem:s10+$0x20];
	v35 =	vadd.f32 v38, v37  }
0x152: {  	v7 =	vadd.f32 v7, v13;
	v41 =	vadd.f32 v52, v51;
	v50 =	vld [tilespmem:s11+$0xF4A0]  }
0x153: {  	v51 =	vld [tilespmem:s12+$0x20];
	v37 =	vadd.f32 v33, v32;
	v38 =	vadd.f32 v35, v34  }
0x154: {  	v48 =	vadd.f32 v56, v55;
	v52 =	vld [tilespmem:s14+$0xF4A0];
	v7 =	vadd.f32 v7, v9  }
0x155: {  	v56 =	vld [tilespmem:s13+$0xF4A0];
	v8 =	vadd.f32 v36, v8;
	v40 =	vadd.f32 v38, v37  }
0x156: {  	v9 =	vadd.f32 v58, v57;
	v42 =	vadd.f32 v54, v53;
	v53 =	vld [tilespmem:s15+$0x20]  }
0x157: {  	v54 =	vadd.f32 v22, v18;
	v8 =	vadd.f32 v40, v8;
	v40 =	vld [tilespmem:s6+$0x20]  }
0x158: {  	v55 =	vadd.f32 v28, v25;
	v45 =	vadd.f32 v63, v62  }
0x159: {  	v12 =	vadd.f32 v12, v48;
	v46 =	vadd.f32 v42, v41  }
0x15a: {  	v16 =	vadd.f32 v55, v54;
	v61 =	vadd.f32 v47, v44  }
0x15b: {  	v15 =	vadd.f32 v50, v49;
	v10 =	vadd.f32 v52, v51  }
0x15c: {  	v13 =	vadd.f32 v56, v53;
	v60 =	vadd.f32 v43, v40  }
0x15d: {  	v11 =	vadd.f32 v11, v12;
	v15 =	vadd.f32 v15, v61  }
0x15e: {  	v10 =	vadd.f32 v13, v10;
	v62 =	vadd.f32 v60, v59  }
0x15f: {  	v27 =	vadd.f32 v46, v45;
	v7 =	vadd.f32 v16, v7  }
0x160: {  	v10 =	vadd.f32 v10, v15;
	v9 =	vadd.f32 v62, v9  }
0x161: {  	v6 =	vadd.f32 v27, v6  }
0x162: {  	v2 =	vpsel p1, v5, v2;
	v7 =	vadd.f32 v7, v11;
	v63 =	vadd.f32 v10, v9  }
0x163: {  	v1 =	vpsel p1, v4, v1;
	v0 =	vadd.f32 v8, v0;
	v3 =	vadd.f32 v6, v3  }
0x164: {  	v2 =	vadd.f32 v7, v2;
	v1 =	vadd.f32 v63, v1  }
.LBB2_13:
0x165: {  	s0 =	sand.u32 $0xFFFFFFF8, s30  }
0x166: {  	s0 =	sadd.s32 s28, s0  }
0x167: {  	p1 =	sge.s32 s0, s26  }
.Ltmp11:
0x168: {  	_ = 	snop;
	(pc) =	sbr.rel @p1 .LBB2_25-.Ltmp11, $1  }
0x169: {  	_ =	sdelay $0x3  }
0x16a: {  	s1 =	sand.u32 $0xFFFFFFF8, s29  }
0x16b: {  	s1 =	sadd.s32 s1, s25  }
0x16c: {  	s1 =	ssub.s32 s1, s16  }
0x16d: {  	s1 =	sshll.u32 s1, $0x2  }
0x16e: {  	s1 =	sshra.s32 s1, $0x2  }
0x16f: {  	s2 =	sadd.s32 $0x1F780, s1  }
0x170: {  	v4 =	vld [tilespmem:s2+$0x0];
	_ =	sdelay $0x4  }
0x171: {  	(v2sf) =	vpush v4, $0x0;
	_ =	sdelay $0x7  }
0x172: {  	s1 =	sadd.s32 $0x1, s0  }
0x173: {  	p4 =	slt.s32 s1, s26  }
.Ltmp12:
0x174: {  	_ = 	snop;
	(pc) =	sbr.rel @!p4 .LBB2_15-.Ltmp12, $3  }
0x175: {  	_ =	sdelay $0x1  }
0x176: {  	p1 =	por $0x0, $0x0  }
0x177: {  	p2 =	por $0x0, $0x0;
	p3 =	por $0x0, $0x0;
	s0 =	sadd.s32 $0x1, s2  }
0x178: {  	v4 =	vld [tilespmem:s0+$0x0];
	_ =	sdelay $0x4  }
0x179: {  	(v2sf) =	vpush v4, $0x0;
	_ =	sdelay $0x5  }
0x17a: {  	s3 =	sadd.s32 $0x1, s1  }
0x17b: {  	p4 =	slt.s32 s3, s26  }
.Ltmp13:
0x17c: {  	_ = 	snop;
	(pc) =	sbr.rel @!p4 .LBB2_17-.Ltmp13, $2  }
0x17d: {  	_ =	sdelay $0x2  }
0x17e: {  	s2 =	sadd.s32 $0x1, s0;
	p1 =	por $0x1, $0x1  }
0x17f: {  	v7 =	vld [tilespmem:s2+$0x0];
	_ =	sdelay $0x4  }
0x180: {  	s0 =	spop (v2sf);
	(v2sf) =	vpush v7, $0x0;
	_ =	sdelay $0x5  }
0x181: {  	s4 =	sadd.s32 $0x1, s3  }
0x182: {  	s1 =	sshrl.u32 s0, $0x4;
	p4 =	slt.s32 s4, s26  }
.Ltmp14:
0x183: {  	s0 =	sshll.u32 s0, $0x6;
	s1 =	sand.u32 $0xFFFFFC0, s1;
	(pc) =	sbr.rel @!p4 .LBB2_19-.Ltmp14, $4  }
0x184: {  	s0 =	sand.u32 $0xFFC0, s0;
	v4 =	vld [tilespmem:s1+$0x30]  }
0x185: {  	v5 =	vld [tilespmem:s0+$0xF4B0]  }
0x186: {  	v6 =	vld [tilespmem:s1+$0x0]  }
0x187: {  	s5 =	sadd.s32 $0x1, s2;
	p2 =	por $0x1, $0x1;
	v7 =	vld [tilespmem:s0+$0xF480]  }
0x188: {  	v8 =	vld [tilespmem:s5+$0x0];
	_ =	sdelay $0x3  }
0x189: {  	v13 =	vld [tilespmem:s1+$0x10]  }
0x18a: {  	s2 =	spop (v2sf);
	v15 =	vld [tilespmem:s0+$0xF490];
	s4 =	sadd.s32 $0x1, s4;
	(v2sf) =	vpush v8, $0x0  }
0x18b: {  	v9 =	vld [tilespmem:s1+$0x20];
	s3 =	sshrl.u32 s2, $0x4;
	p4 =	slt.s32 s4, s26  }
.Ltmp15:
0x18c: {  	v10 =	vld [tilespmem:s0+$0xF4A0];
	s6 =	sshll.u32 s2, $0x6;
	s2 =	sand.u32 $0xFFFFFC0, s3;
	(pc) =	sbr.rel @!p4 .LBB2_21-.Ltmp15, $4  }
0x18d: {  	s3 =	sand.u32 $0xFFC0, s6;
	v12 =	vld [tilespmem:s2+$0x30]  }
0x18e: {  	v11 =	vadd.f32 v5, v4;
	v16 =	vld [tilespmem:s3+$0xF4B0];
	v14 =	vadd.f32 v7, v6  }
0x18f: {  	v17 =	vld [tilespmem:s2+$0x0];
	v13 =	vadd.f32 v15, v13  }
0x190: {  	s5 =	sadd.s32 $0x1, s5;
	p3 =	por $0x1, $0x1;
	v18 =	vld [tilespmem:s3+$0xF480];
	v11 =	vadd.f32 v11, v0;
	v8 =	vmovc v2;
	v15 =	vmov v1;
	v14 =	vadd.f32 v14, v3  }
.LBB2_22:
0x191: {  	v19 =	vld [tilespmem:s5+$0x0];
	v8 =	vadd.f32 v13, v8;
	v9 =	vadd.f32 v10, v9  }
0x192: {  	s4 =	sadd.s32 $0x1, s4;
	v13 =	vld [tilespmem:s2+$0x10]  }
0x193: {  	p4 =	slt.s32 s4, s26;
	s6 =	spop (v2sf);
	v20 =	vld [tilespmem:s3+$0xF490];
	v12 =	vadd.f32 v16, v12;
	v15 =	vadd.f32 v9, v15  }
0x194: {  	s7 =	sshrl.u32 s6, $0x4;
	v9 =	vld [tilespmem:s2+$0x20]  }
.Ltmp16:
0x195: {  	s6 =	sshll.u32 s6, $0x6;
	s2 =	sand.u32 $0xFFFFFC0, s7;
	v17 =	vadd.f32 v18, v17;
	v10 =	vld [tilespmem:s3+$0xF4A0];
	v11 =	vadd.f32 v12, v11;
	(pc) =	sbr.rel @p4 .LBB2_22-.Ltmp16, $4  }
0x196: {  	s3 =	sand.u32 $0xFFC0, s6;
	(v2sf) =	vpush v19, $0x0;
	v12 =	vld [tilespmem:s2+$0x30]  }
0x197: {  	v16 =	vld [tilespmem:s3+$0xF4B0];
	v14 =	vadd.f32 v17, v14  }
0x198: {  	v17 =	vld [tilespmem:s2+$0x0];
	v13 =	vadd.f32 v20, v13  }
0x199: {  	s5 =	sadd.s32 $0x1, s5;
	v18 =	vld [tilespmem:s3+$0xF480]  }
.Ltmp17:
0x19a: {  	(pc) =	sbr.rel .LBB2_24-.Ltmp17, $1  }
0x19b: {  	_ =	sdelay $0x3  }
.LBB2_7:
.Ltmp18:
0x19c: {  	(pc) =	sbr.rel .LBB2_12-.Ltmp18, $2  }
0x19d: {  	_ =	sdelay $0x2  }
0x19e: {  	v5 =	vmov v2;
	v4 =	vmov v1  }
.LBB2_9:
.Ltmp19:
0x19f: {  	(pc) =	sbr.rel .LBB2_12-.Ltmp19, $2  }
0x1a0: {  	_ =	sdelay $0x2  }
0x1a1: {  	v5 =	vmov v2;
	v4 =	vmov v1;
	s17 =	smov.u32 s20;
	s20 =	smov.u32 s18;
	s18 =	rddreg [dreg:$0xe]  }
.LBB2_17:
.Ltmp20:
0x1a2: {  	(pc) =	sbr.rel .LBB2_24-.Ltmp20, $2  }
0x1a3: {  	_ =	sdelay $0x3  }
0x1a4: {  	v8 =	vmovc v2;
	v15 =	vmov v1;
	v11 =	vmov v0;
	v14 =	vmov v3  }
.LBB2_19:
.Ltmp21:
0x1a5: {  	_ = 	snop;
	(pc) =	sbr.rel .LBB2_24-.Ltmp21, $3  }
0x1a6: {  	_ =	sdelay $0x1  }
0x1a7: {  	v8 =	vmov v2;
	v15 =	vmov v1;
	v11 =	vmov v0  }
0x1a8: {  	s2 =	smov.u32 s1;
	s3 =	smov.u32 s0;
	v14 =	vmovc v3;
	v12 =	vmovc v4;
	v16 =	vmov v5;
	v17 =	vmov v6;
	v18 =	vmov v7  }
.LBB2_21:
.Ltmp22:
0x1a9: {  	(pc) =	sbr.rel .LBB2_24-.Ltmp22, $2  }
0x1aa: {  	_ =	sdelay $0x2  }
0x1ab: {  	v8 =	vmov v2;
	v15 =	vmov v1  }
.LBB2_28:
0x1ac: {  	_ =	sfence.sel $0x180000  }
0x1ad: {  	[bflag:$0x0] =	sbarrier.arrive $0xFFFF  }
0x1ae: {  	_ =	strace $0x90000047  }
0x1af: {  	s0 =	stileid.u32;
	[bflag:$0x2] =	sbarrier.arrive $0xFFFF  }
0x1b0: {  	p0 =	sne.s32 s0, $0x0;
	s0 =	rddreg [dreg:$0x4]  }
0x1b1: {  	s0 =	sadd.s32 @!p0 $0x100000, s0  }
0x1b2: {  	[sflag:s0] =	ssyncadd.tile.s32 @!p0 $0x1;
	_ =	shalt  }
.Lfunc_end2:
_tile_overlayer_lowered:
.L_overlay_start_2:
0x1b3: {  	(tag) =	ssettag $0x2  }
0x1b4: {  	s0 =	rddreg [dreg:$0x0];
	s2 =	stileid.u32  }
0x1b5: {  	s1 =	rddreg [dreg:$0x1];
	p0 =	sne.s32 s2, $0x0  }
0x1b6: {  	s3 =	rddreg [dreg:$0x2];
	[bflag:$0x3] =	sbarrier.arrive $0xFFFF;
	s2 =	simm.s32 @!p0 $0x1C01  }
0x1b7: {  	[timem:s3], [sflag:s2] =	dma.local @!p0 [hbm:s0], s1  }
0x1b8: {  	s0 =	simm.s32 @!p0 $0x1  }
0x1b9: {  	_ =	swait.ge @!p0 [sflag:s0], s1  }
0x1ba: {  	s1 =	ssub.s32 @!p0 $0x0, s1;
	[sflag:s0] =	ssyncset.done @!p0 $0x0  }
0x1bb: {  	[sflag:s0] =	ssyncadd.s32 @!p0 s1  }
0x1bc: {  	[bflag:$0x3] =	sbarrier.arrive $0xFFFF  }
0x1bd: {  	_ =	shalt  }

</sc_bundles>
